<compile_context>
chip_gen: v7x
topology: tpu7x:2x2x1
jax: 0.10.2.dev20260603
libtpu: 0.0.44.dev20260713+nightly
codegen_flags: <defaults>
</compile_context>

<pallas_src>
import functools
import jax
import jax.numpy as jnp
from jax import lax
from jax.experimental import pallas as pl
from jax.experimental.pallas import tpu as pltpu
from jax.experimental.pallas import tpu_sc as plsc

_N = 10000
_E = 320000
_H = 128
_NC = 2
_NS = 16
_NW = _NC * _NS
_CH = 128
_NPAD = 10240
_RPW = _NPAD // _NS
_EPW = 10240
_EPAD = _EPW * _NW
_CPW = _EPW // _CH
_DEG_CPW = _EPAD // _NS // _CH

_mesh = plsc.VectorSubcoreMesh(core_axis_name="c", subcore_axis_name="s")


@functools.partial(
    pl.kernel,
    out_type=jax.ShapeDtypeStruct((_NC, _NPAD, _H), jnp.float32),
    mesh=_mesh,
    scratch_types=[
        pltpu.VMEM((_CH,), jnp.int32),
        pltpu.VMEM((_CH,), jnp.int32),
        pltpu.VMEM((_CH, _H), jnp.float32),
        pltpu.VMEM_SHARED((_NPAD, _H), jnp.float32),
        pltpu.SemaphoreType.DMA,
        pltpu.SemaphoreType.DMA,
    ],
)
def _degree_kernel(src_hbm, dst_hbm, ones_hbm, zeros_hbm, out_hbm,
                   di0, di1, ones_v, acc_sh, sem0, sem1):
    c = lax.axis_index("c")
    s = lax.axis_index("s")
    pltpu.sync_copy(zeros_hbm.at[pl.ds(s * _RPW, _RPW)],
                    acc_sh.at[pl.ds(s * _RPW, _RPW)])
    pltpu.sync_copy(ones_hbm, ones_v)
    base = s * _DEG_CPW
    plsc.subcore_barrier()

    @pl.when(c == 0)
    def _():
        pltpu.sync_copy(src_hbm.at[base], di0)

    @pl.when(c == 1)
    def _():
        pltpu.sync_copy(dst_hbm.at[base], di0)

    @pl.loop(0, _DEG_CPW // 2)
    def _pair(p):
        j1 = base + 2 * p + 1

        @pl.when(c == 0)
        def _():
            pltpu.async_copy(src_hbm.at[j1], di1, sem1)

        @pl.when(c == 1)
        def _():
            pltpu.async_copy(dst_hbm.at[j1], di1, sem1)

        pltpu.sync_copy(ones_v, acc_sh.at[di0], add=True)

        @pl.when(p < _DEG_CPW // 2 - 1)
        def _():
            j2 = base + 2 * p + 2

            @pl.when(c == 0)
            def _():
                pltpu.async_copy(src_hbm.at[j2], di0, sem0)

            @pl.when(c == 1)
            def _():
                pltpu.async_copy(dst_hbm.at[j2], di0, sem0)

        pltpu.make_async_copy(src_hbm.at[j1], di1, sem1).wait()
        pltpu.sync_copy(ones_v, acc_sh.at[di1], add=True)

        @pl.when(p < _DEG_CPW // 2 - 1)
        def _():
            pltpu.make_async_copy(src_hbm.at[base], di0, sem0).wait()

    plsc.subcore_barrier()
    pltpu.sync_copy(acc_sh.at[pl.ds(s * _RPW, _RPW)],
                    out_hbm.at[c].at[pl.ds(s * _RPW, _RPW)])


_NBUF = 2


@functools.partial(
    pl.kernel,
    out_type=jax.ShapeDtypeStruct((_NC, _NPAD, _H), jnp.float32),
    mesh=_mesh,
    scratch_types=(
        [pltpu.VMEM((_CPW, _CH), jnp.int32)]
        + [pltpu.VMEM((_CH,), jnp.int32)] * _NBUF
        + [pltpu.VMEM((_CH, _H), jnp.float32)] * _NBUF
        + [pltpu.VMEM_SHARED((_NPAD, _H), jnp.float32)]
        + [pltpu.SemaphoreType.DMA] * (2 * _NBUF)
    ),
)
def _scatter_kernel(table_hbm, src_hbm, dst_hbm, zeros_hbm, out_hbm,
                    si_v, *bufs):
    di = bufs[0:_NBUF]
    rows = bufs[_NBUF:2 * _NBUF]
    acc_sh = bufs[2 * _NBUF]
    gsem = bufs[2 * _NBUF + 1:2 * _NBUF + 1 + _NBUF]
    dsem = bufs[2 * _NBUF + 1 + _NBUF:]
    c = lax.axis_index("c")
    s = lax.axis_index("s")
    w = c * _NS + s
    base = w * _CPW

    pltpu.sync_copy(zeros_hbm.at[pl.ds(s * _RPW, _RPW)],
                    acc_sh.at[pl.ds(s * _RPW, _RPW)])
    pltpu.sync_copy(src_hbm.at[w], si_v)
    plsc.subcore_barrier()

    pltpu.async_copy(dst_hbm.at[base], di[0], dsem[0])
    pltpu.async_copy(table_hbm.at[si_v.at[0]], rows[0], gsem[0])

    @pl.loop(0, _CPW // 2)
    def _pair(p):
        j1 = 2 * p + 1
        pltpu.async_copy(dst_hbm.at[base + j1], di[1], dsem[1])
        pltpu.async_copy(table_hbm.at[si_v.at[j1]], rows[1], gsem[1])
        pltpu.make_async_copy(table_hbm.at[si_v.at[0]], rows[0], gsem[0]).wait()
        pltpu.make_async_copy(dst_hbm.at[base], di[0], dsem[0]).wait()
        pltpu.sync_copy(rows[0], acc_sh.at[di[0]], add=True)

        @pl.when(p < _CPW // 2 - 1)
        def _():
            j2 = 2 * p + 2
            pltpu.async_copy(dst_hbm.at[base + j2], di[0], dsem[0])
            pltpu.async_copy(table_hbm.at[si_v.at[j2]], rows[0], gsem[0])

        pltpu.make_async_copy(table_hbm.at[si_v.at[0]], rows[1], gsem[1]).wait()
        pltpu.make_async_copy(dst_hbm.at[base], di[1], dsem[1]).wait()
        pltpu.sync_copy(rows[1], acc_sh.at[di[1]], add=True)

    plsc.subcore_barrier()
    pltpu.sync_copy(acc_sh.at[pl.ds(s * _RPW, _RPW)],
                    out_hbm.at[c].at[pl.ds(s * _RPW, _RPW)])


_RPB = 640


def _t0_body(x_ref, w_ref, dout_ref, o_ref):
    norm = lax.rsqrt(jnp.maximum(dout_ref[...], 1.0))
    o_ref[...] = jnp.dot(
        x_ref[...], w_ref[...], preferred_element_type=jnp.float32) * norm


def _table0(xpad, W0, dout):
    return pl.pallas_call(
        _t0_body,
        grid=(_NPAD // _RPB,),
        in_specs=[
            pl.BlockSpec((_RPB, _H), lambda i: (i, 0)),
            pl.BlockSpec((_H, _H), lambda i: (0, 0)),
            pl.BlockSpec((_RPB, 1), lambda i: (i, 0)),
        ],
        out_specs=pl.BlockSpec((_RPB, _H), lambda i: (i, 0)),
        out_shape=jax.ShapeDtypeStruct((_NPAD, _H), jnp.float32),
    )(xpad, W0, dout)


def _mid_body(a0_ref, a1_ref, din_ref, dout_ref, w_ref, b_ref, o_ref):
    nin = lax.rsqrt(jnp.maximum(din_ref[...], 1.0))
    h = jnp.maximum((a0_ref[...] + a1_ref[...]) * nin + b_ref[...], 0.0)
    nout = lax.rsqrt(jnp.maximum(dout_ref[...], 1.0))
    o_ref[...] = jnp.dot(
        h, w_ref[...], preferred_element_type=jnp.float32) * nout


def _table_mid(a0, a1, din, dout, W, b):
    return pl.pallas_call(
        _mid_body,
        grid=(_NPAD // _RPB,),
        in_specs=[
            pl.BlockSpec((_RPB, _H), lambda i: (i, 0)),
            pl.BlockSpec((_RPB, _H), lambda i: (i, 0)),
            pl.BlockSpec((_RPB, 1), lambda i: (i, 0)),
            pl.BlockSpec((_RPB, 1), lambda i: (i, 0)),
            pl.BlockSpec((_H, _H), lambda i: (0, 0)),
            pl.BlockSpec((1, _H), lambda i: (0, 0)),
        ],
        out_specs=pl.BlockSpec((_RPB, _H), lambda i: (i, 0)),
        out_shape=jax.ShapeDtypeStruct((_NPAD, _H), jnp.float32),
    )(a0, a1, din, dout, W, b)


def _final_body(a0_ref, a1_ref, din_ref, b_ref, wc_ref, bc_ref, o_ref, acc_ref):
    i = pl.program_id(0)

    @pl.when(i == 0)
    def _():
        acc_ref[...] = jnp.zeros_like(acc_ref)

    nin = lax.rsqrt(jnp.maximum(din_ref[...], 1.0))
    h = jnp.maximum((a0_ref[...] + a1_ref[...]) * nin + b_ref[...], 0.0)
    rows = i * _RPB + lax.broadcasted_iota(jnp.int32, (_RPB, 1), 0)
    h = jnp.where(rows < _N, h, 0.0)
    acc_ref[...] += jnp.sum(h, axis=0, keepdims=True)

    @pl.when(i == pl.num_programs(0) - 1)
    def _():
        o_ref[...] = jnp.dot(
            acc_ref[...] * (1.0 / _N), wc_ref[...],
            preferred_element_type=jnp.float32) + bc_ref[...]


def _final(a0, a1, din, b2, Wc, bc):
    return pl.pallas_call(
        _final_body,
        grid=(_NPAD // _RPB,),
        in_specs=[
            pl.BlockSpec((_RPB, _H), lambda i: (i, 0)),
            pl.BlockSpec((_RPB, _H), lambda i: (i, 0)),
            pl.BlockSpec((_RPB, 1), lambda i: (i, 0)),
            pl.BlockSpec((1, _H), lambda i: (0, 0)),
            pl.BlockSpec((_H, 10), lambda i: (0, 0)),
            pl.BlockSpec((1, 10), lambda i: (0, 0)),
        ],
        out_specs=pl.BlockSpec((1, 10), lambda i: (0, 0)),
        out_shape=jax.ShapeDtypeStruct((1, 10), jnp.float32),
        scratch_shapes=[pltpu.VMEM((1, _H), jnp.float32)],
    )(a0, a1, din, b2, Wc, bc)


def kernel(x, edge_index, W0, b0, W1, b1, W2, b2, Wc, bc):
    src = edge_index[0].astype(jnp.int32)
    dst = edge_index[1].astype(jnp.int32)
    pad_idx = (jnp.arange(_EPAD - _E, dtype=jnp.int32) % (_NPAD - _N)) + _N
    srcp = jnp.concatenate([src, pad_idx])
    dstp = jnp.concatenate([dst, pad_idx])
    src_g = srcp.reshape(_NW, _CPW, _CH)
    dst_g = dstp.reshape(_NW * _CPW, _CH)
    ones = jnp.ones((_CH, _H), jnp.float32)
    zeros = jnp.zeros((_NPAD, _H), jnp.float32)

    xpad = jnp.pad(x, ((0, _NPAD - _N), (0, 0)))

    degs = _degree_kernel(srcp.reshape(_NW * _CPW, _CH), dst_g, ones, zeros)
    dout = degs[0, :, 0:1]
    din = degs[1, :, 0:1]

    b0r = b0.reshape(1, _H)
    b1r = b1.reshape(1, _H)
    b2r = b2.reshape(1, _H)
    bcr = bc.reshape(1, 10)

    t0 = _table0(xpad, W0, dout)
    a = _scatter_kernel(t0, src_g, dst_g, zeros)
    t1 = _table_mid(a[0], a[1], din, dout, W1, b0r)
    a = _scatter_kernel(t1, src_g, dst_g, zeros)
    t2 = _table_mid(a[0], a[1], din, dout, W2, b1r)
    a = _scatter_kernel(t2, src_g, dst_g, zeros)
    return _final(a[0], a[1], din, b2r, Wc, bcr)

# --- scband reference (transcript-rebuilt; emitter-appended) ---
"""Pipeline reference for scband-classifier-73100343378143 (READ-ONLY COPY).

The authoritative reference and input builder live on the scoring server;
editing this copy changes nothing except your own understanding.
"""

import jax, jax.numpy as jnp
import numpy as np

N = 10000
E = 320000
D_IN = 128
H = 128
C = 10

def setup_inputs(seed: int = 0) -> dict:
    key = jax.random.key(seed)
    ks = jax.random.split(key, 12)
    x = jax.random.normal(ks[0], (N, D_IN), dtype=jnp.float32)
    edge_index = jax.random.randint(ks[1], (2, E), 0, N, dtype=jnp.int32)
    # GraphConv layer 0: in_dim -> hidden_dim
    W0 = jax.random.normal(ks[2], (D_IN, H), dtype=jnp.float32) / np.sqrt(D_IN)
    b0 = jnp.zeros((H,), dtype=jnp.float32)
    # GraphConv layers 1..2 (hidden_layers=2): hidden -> hidden
    W1 = jax.random.normal(ks[3], (H, H), dtype=jnp.float32) / np.sqrt(H)
    b1 = jnp.zeros((H,), dtype=jnp.float32)
    W2 = jax.random.normal(ks[4], (H, H), dtype=jnp.float32) / np.sqrt(H)
    b2 = jnp.zeros((H,), dtype=jnp.float32)
    # final classifier
    Wc = jax.random.normal(ks[5], (H, C), dtype=jnp.float32) / np.sqrt(H)
    bc = jnp.zeros((C,), dtype=jnp.float32)
    return {"x": x, "edge_index": edge_index, "W0": W0, "b0": b0,
            "W1": W1, "b1": b1, "W2": W2, "b2": b2, "Wc": Wc, "bc": bc}


def _graph_conv(h, src, dst, W, b, n_nodes):
    # DGL GraphConv with norm='both': D_out^{-1/2} A D_in^{-1/2} X W + b, then activation
    deg_out = jnp.zeros((n_nodes,), jnp.float32).at[src].add(1.0)
    deg_in = jnp.zeros((n_nodes,), jnp.float32).at[dst].add(1.0)
    norm_out = jnp.power(jnp.clip(deg_out, 1.0, None), -0.5)
    norm_in = jnp.power(jnp.clip(deg_in, 1.0, None), -0.5)
    h = h * norm_out[:, None]
    msg = jnp.take(h, src, axis=0)
    agg = jnp.zeros_like(h).at[dst].add(msg)
    agg = agg * norm_in[:, None]
    out = agg @ W + b
    return jax.nn.relu(out)


def reference(x, edge_index, W0, b0, W1, b1, W2, b2, Wc, bc):
    src = edge_index[0]
    dst = edge_index[1]
    h = _graph_conv(x, src, dst, W0, b0, N)
    # dropout is identity in eval mode (p applied only in training)
    h = _graph_conv(h, src, dst, W1, b1, N)
    h = _graph_conv(h, src, dst, W2, b2, N)
    # dgl.mean_nodes over a single graph -> [1, H]
    hg = jnp.mean(h, axis=0, keepdims=True)
    return hg @ Wc + bc

if __name__ == "__main__":
    import jax
    _d = setup_inputs()
    print(jax.jit(kernel)(*tuple(_d.values())))

</pallas_src>

<mosaic_0001>
#map = affine_map<(d0, d1) -> (0, 0)>
#map1 = affine_map<(d0, d1) -> (0, 0, 0)>
module attributes {stable_mosaic.version = 14 : i64} {
  func.func @_scatter_kernel(%arg0: i32, %arg1: i32, %arg2: memref<10240x128xf32, #tpu.memory_space<hbm>>, %arg3: memref<32x80x128xi32, #tpu.memory_space<hbm>>, %arg4: memref<2560x128xi32, #tpu.memory_space<hbm>>, %arg5: memref<10240x128xf32, #tpu.memory_space<hbm>>, %arg6: memref<2x10240x128xf32, #tpu.memory_space<hbm>>, %arg7: memref<80x128xi32, #tpu.memory_space<vmem>>, %arg8: memref<128xi32, #tpu.memory_space<vmem>>, %arg9: memref<128xi32, #tpu.memory_space<vmem>>, %arg10: memref<128x128xf32, #tpu.memory_space<vmem>>, %arg11: memref<128x128xf32, #tpu.memory_space<vmem>>, %arg12: memref<10240x128xf32, #tpu.memory_space<vmem_shared>>, %arg13: memref<!tpu.dma_semaphore, #tpu.memory_space<semaphore_mem>>, %arg14: memref<!tpu.dma_semaphore, #tpu.memory_space<semaphore_mem>>, %arg15: memref<!tpu.dma_semaphore, #tpu.memory_space<semaphore_mem>>, %arg16: memref<!tpu.dma_semaphore, #tpu.memory_space<semaphore_mem>>) attributes {dimension_semantics = [#tpu.dimension_semantics<core_parallel>, #tpu.dimension_semantics<subcore_parallel>], iteration_bounds = array<i64: 2, 16>, scalar_prefetch = 0 : i64, scratch_operands = 10 : i64, tpu.core_type = #tpu.core_type<sc_vector_subcore>, window_params = [{transform_indices = #map}, {transform_indices = #map1}, {transform_indices = #map}, {transform_indices = #map}, {transform_indices = #map1}]} {
    %mul3A = arith.constant 16 : i32
    %mul3A_0 = arith.muli %arg0, %mul3A : i32
    %add3A = arith.addi %mul3A_0, %arg1 : i32
    %mul3A_1 = arith.constant 80 : i32
    %mul3A_2 = arith.muli %add3A, %mul3A_1 : i32
    %mul3A_3 = arith.constant 640 : i32
    %mul3A_4 = arith.muli %arg1, %mul3A_3 : i32
    %mul3A_5 = arith.constant 640 : i32
    %mul3A_6 = arith.muli %arg1, %mul3A_5 : i32
    "tpu.region"() ({
      %run_scoped3A = tpu.sem_alloc : memref<!tpu.dma_semaphore, #tpu.memory_space<semaphore_mem>>
      %dma_start3A_28 = arith.constant 0 : i32
      %dma_start3A_29 = tpu.memref_slice %arg12[%mul3A_6, %dma_start3A_28] : memref<10240x128xf32, #tpu.memory_space<vmem_shared>> -> memref<640x128xf32, #tpu.memory_space<vmem_shared>>
      %dma_start3A_30 = arith.constant 0 : i32
      %dma_start3A_31 = tpu.memref_slice %arg5[%mul3A_4, %dma_start3A_30] : memref<10240x128xf32, #tpu.memory_space<hbm>> -> memref<640x128xf32, #tpu.memory_space<hbm>>
      tpu.enqueue_dma source(%dma_start3A_31 : memref<640x128xf32, #tpu.memory_space<hbm>>) target(%dma_start3A_29 : memref<640x128xf32, #tpu.memory_space<vmem_shared>>) target_semaphore(%run_scoped3A : memref<!tpu.dma_semaphore, #tpu.memory_space<semaphore_mem>>)
      %dma_wait3A = arith.constant 0 : i32
      %dma_wait3A_32 = tpu.memref_slice %arg12[%mul3A_6, %dma_wait3A] : memref<10240x128xf32, #tpu.memory_space<vmem_shared>> -> memref<640x128xf32, #tpu.memory_space<vmem_shared>>
      %dma_wait3A_33 = arith.constant 0 : i32
      %dma_wait3A_34 = tpu.memref_slice %arg5[%mul3A_4, %dma_wait3A_33] : memref<10240x128xf32, #tpu.memory_space<hbm>> -> memref<640x128xf32, #tpu.memory_space<hbm>>
      tpu.wait_dma2 semaphore(%run_scoped3A : memref<!tpu.dma_semaphore, #tpu.memory_space<semaphore_mem>>) src(%dma_wait3A_34 : memref<640x128xf32, #tpu.memory_space<hbm>>) dst(%dma_wait3A_32 : memref<640x128xf32, #tpu.memory_space<vmem_shared>>)
      tpu.yield
    }) : () -> ()
    "tpu.region"() ({
      %run_scoped3A = tpu.sem_alloc : memref<!tpu.dma_semaphore, #tpu.memory_space<semaphore_mem>>
      %dma_start3A_28 = arith.constant 0 : i32
      %dma_start3A_29 = arith.constant 0 : i32
      %dma_start3A_30 = tpu.memref_slice %arg3[%add3A, %dma_start3A_28, %dma_start3A_29] : memref<32x80x128xi32, #tpu.memory_space<hbm>> -> memref<1x80x128xi32, #tpu.memory_space<hbm>>
      %dma_start3A_31 = tpu.memref_squeeze %dma_start3A_30 : memref<1x80x128xi32, #tpu.memory_space<hbm>> -> memref<80x128xi32, #tpu.memory_space<hbm>>
      %dma_start3A_32 = arith.constant 0 : i32
      %dma_start3A_33 = arith.constant 0 : i32
      %dma_start3A_34 = tpu.memref_slice %arg3[%add3A, %dma_start3A_32, %dma_start3A_33] : memref<32x80x128xi32, #tpu.memory_space<hbm>> -> memref<1x80x128xi32, #tpu.memory_space<hbm>>
      %dma_start3A_35 = tpu.memref_squeeze %dma_start3A_34 : memref<1x80x128xi32, #tpu.memory_space<hbm>> -> memref<80x128xi32, #tpu.memory_space<hbm>>
      tpu.enqueue_dma source(%dma_start3A_35 : memref<80x128xi32, #tpu.memory_space<hbm>>) target(%arg7 : memref<80x128xi32, #tpu.memory_space<vmem>>) target_semaphore(%run_scoped3A : memref<!tpu.dma_semaphore, #tpu.memory_space<semaphore_mem>>)
      %dma_wait3A = arith.constant 0 : i32
      %dma_wait3A_36 = arith.constant 0 : i32
      %dma_wait3A_37 = tpu.memref_slice %arg3[%add3A, %dma_wait3A, %dma_wait3A_36] : memref<32x80x128xi32, #tpu.memory_space<hbm>> -> memref<1x80x128xi32, #tpu.memory_space<hbm>>
      %dma_wait3A_38 = tpu.memref_squeeze %dma_wait3A_37 : memref<1x80x128xi32, #tpu.memory_space<hbm>> -> memref<80x128xi32, #tpu.memory_space<hbm>>
      %dma_wait3A_39 = arith.constant 0 : i32
      %dma_wait3A_40 = arith.constant 0 : i32
      %dma_wait3A_41 = tpu.memref_slice %arg3[%add3A, %dma_wait3A_39, %dma_wait3A_40] : memref<32x80x128xi32, #tpu.memory_space<hbm>> -> memref<1x80x128xi32, #tpu.memory_space<hbm>>
      %dma_wait3A_42 = tpu.memref_squeeze %dma_wait3A_41 : memref<1x80x128xi32, #tpu.memory_space<hbm>> -> memref<80x128xi32, #tpu.memory_space<hbm>>
      tpu.wait_dma2 semaphore(%run_scoped3A : memref<!tpu.dma_semaphore, #tpu.memory_space<semaphore_mem>>) src(%dma_wait3A_42 : memref<80x128xi32, #tpu.memory_space<hbm>>) dst(%arg7 : memref<80x128xi32, #tpu.memory_space<vmem>>)
      tpu.yield
    }) : () -> ()
    %barrier3A = arith.constant 0 : index
    tpu.barrier barrier_id(%barrier3A)
    %dma_start3A = arith.constant 0 : i32
    %dma_start3A_7 = tpu.memref_slice %arg4[%mul3A_2, %dma_start3A] : memref<2560x128xi32, #tpu.memory_space<hbm>> -> memref<1x128xi32, #tpu.memory_space<hbm>>
    %dma_start3A_8 = tpu.memref_squeeze %dma_start3A_7 : memref<1x128xi32, #tpu.memory_space<hbm>> -> memref<128xi32, #tpu.memory_space<hbm>>
    %dma_start3A_9 = arith.constant 0 : i32
    %dma_start3A_10 = tpu.memref_slice %arg4[%mul3A_2, %dma_start3A_9] : memref<2560x128xi32, #tpu.memory_space<hbm>> -> memref<1x128xi32, #tpu.memory_space<hbm>>
    %dma_start3A_11 = tpu.memref_squeeze %dma_start3A_10 : memref<1x128xi32, #tpu.memory_space<hbm>> -> memref<128xi32, #tpu.memory_space<hbm>>
    tpu.enqueue_dma source(%dma_start3A_11 : memref<128xi32, #tpu.memory_space<hbm>>) target(%arg8 : memref<128xi32, #tpu.memory_space<vmem>>) target_semaphore(%arg15 : memref<!tpu.dma_semaphore, #tpu.memory_space<semaphore_mem>>)
    %dma_start3A_12 = arith.constant 0 : i32
    %dma_start3A_13 = arith.constant 0 : i32
    %dma_start3A_14 = tpu.memref_slice %arg7[%dma_start3A_12, %dma_start3A_13] : memref<80x128xi32, #tpu.memory_space<vmem>> -> memref<1x128xi32, #tpu.memory_space<vmem>>
    %dma_start3A_15 = tpu.memref_squeeze %dma_start3A_14 : memref<1x128xi32, #tpu.memory_space<vmem>> -> memref<128xi32, #tpu.memory_space<vmem>>
    %dma_start3A_16 = arith.constant 0 : i32
    %dma_start3A_17 = arith.constant 0 : i32
    %dma_start3A_18 = tpu.memref_slice %arg2[%dma_start3A_16, %dma_start3A_17] : memref<10240x128xf32, #tpu.memory_space<hbm>> -> memref<10240x128xf32, #tpu.memory_space<hbm>>
    tpu.enqueue_indirect_dma source(%dma_start3A_18 : memref<10240x128xf32, #tpu.memory_space<hbm>>) target(%arg10 : memref<128x128xf32, #tpu.memory_space<vmem>>) offsets(%dma_start3A_15 : memref<128xi32, #tpu.memory_space<vmem>>) semaphore(%arg13 : memref<!tpu.dma_semaphore, #tpu.memory_space<semaphore_mem>>)
    %scan3A = arith.constant 0 : i32
    %scan3A_19 = arith.constant 40 : i32
    %scan3A_20 = arith.addi %scan3A, %scan3A_19 : i32
    %scan3A_21 = arith.constant 1 : i32
    scf.for %scan3A_28 = %scan3A to %scan3A_20 step %scan3A_21  : i32 {
      %mul3A_29 = arith.constant 1 : i32
      %mul3A_30 = arith.muli %scan3A_28, %mul3A_29 : i32
      %add3A_31 = arith.constant 0 : i32
      %add3A_32 = arith.addi %add3A_31, %mul3A_30 : i32
      %mul3A_33 = arith.constant 2 : i32
      %mul3A_34 = arith.muli %mul3A_33, %add3A_32 : i32
      %add3A_35 = arith.constant 1 : i32
      %add3A_36 = arith.addi %mul3A_34, %add3A_35 : i32
      %add3A_37 = arith.addi %mul3A_2, %add3A_36 : i32
      %dma_start3A_38 = arith.constant 0 : i32
      %dma_start3A_39 = tpu.memref_slice %arg4[%add3A_37, %dma_start3A_38] : memref<2560x128xi32, #tpu.memory_space<hbm>> -> memref<1x128xi32, #tpu.memory_space<hbm>>
      %dma_start3A_40 = tpu.memref_squeeze %dma_start3A_39 : memref<1x128xi32, #tpu.memory_space<hbm>> -> memref<128xi32, #tpu.memory_space<hbm>>
      %dma_start3A_41 = arith.constant 0 : i32
      %dma_start3A_42 = tpu.memref_slice %arg4[%add3A_37, %dma_start3A_41] : memref<2560x128xi32, #tpu.memory_space<hbm>> -> memref<1x128xi32, #tpu.memory_space<hbm>>
      %dma_start3A_43 = tpu.memref_squeeze %dma_start3A_42 : memref<1x128xi32, #tpu.memory_space<hbm>> -> memref<128xi32, #tpu.memory_space<hbm>>
      tpu.enqueue_dma source(%dma_start3A_43 : memref<128xi32, #tpu.memory_space<hbm>>) target(%arg9 : memref<128xi32, #tpu.memory_space<vmem>>) target_semaphore(%arg16 : memref<!tpu.dma_semaphore, #tpu.memory_space<semaphore_mem>>)
      %dma_start3A_44 = arith.constant 0 : i32
      %dma_start3A_45 = tpu.memref_slice %arg7[%add3A_36, %dma_start3A_44] : memref<80x128xi32, #tpu.memory_space<vmem>> -> memref<1x128xi32, #tpu.memory_space<vmem>>
      %dma_start3A_46 = tpu.memref_squeeze %dma_start3A_45 : memref<1x128xi32, #tpu.memory_space<vmem>> -> memref<128xi32, #tpu.memory_space<vmem>>
      %dma_start3A_47 = arith.constant 0 : i32
      %dma_start3A_48 = arith.constant 0 : i32
      %dma_start3A_49 = tpu.memref_slice %arg2[%dma_start3A_47, %dma_start3A_48] : memref<10240x128xf32, #tpu.memory_space<hbm>> -> memref<10240x128xf32, #tpu.memory_space<hbm>>
      tpu.enqueue_indirect_dma source(%dma_start3A_49 : memref<10240x128xf32, #tpu.memory_space<hbm>>) target(%arg11 : memref<128x128xf32, #tpu.memory_space<vmem>>) offsets(%dma_start3A_46 : memref<128xi32, #tpu.memory_space<vmem>>) semaphore(%arg14 : memref<!tpu.dma_semaphore, #tpu.memory_space<semaphore_mem>>)
      %dma_wait3A = arith.constant 0 : i32
      %dma_wait3A_50 = arith.constant 0 : i32
      %dma_wait3A_51 = tpu.memref_slice %arg7[%dma_wait3A, %dma_wait3A_50] : memref<80x128xi32, #tpu.memory_space<vmem>> -> memref<1x128xi32, #tpu.memory_space<vmem>>
      %dma_wait3A_52 = tpu.memref_squeeze %dma_wait3A_51 : memref<1x128xi32, #tpu.memory_space<vmem>> -> memref<128xi32, #tpu.memory_space<vmem>>
      %dma_wait3A_53 = arith.constant 0 : i32
      %dma_wait3A_54 = arith.constant 0 : i32
      %dma_wait3A_55 = tpu.memref_slice %arg2[%dma_wait3A_53, %dma_wait3A_54] : memref<10240x128xf32, #tpu.memory_space<hbm>> -> memref<10240x128xf32, #tpu.memory_space<hbm>>
      tpu.wait_indirect_dma semaphore(%arg13 : memref<!tpu.dma_semaphore, #tpu.memory_space<semaphore_mem>>) src(%dma_wait3A_55 : memref<10240x128xf32, #tpu.memory_space<hbm>>) dst(%arg10 : memref<128x128xf32, #tpu.memory_space<vmem>>)
      %dma_wait3A_56 = arith.constant 0 : i32
      %dma_wait3A_57 = tpu.memref_slice %arg4[%mul3A_2, %dma_wait3A_56] : memref<2560x128xi32, #tpu.memory_space<hbm>> -> memref<1x128xi32, #tpu.memory_space<hbm>>
      %dma_wait3A_58 = tpu.memref_squeeze %dma_wait3A_57 : memref<1x128xi32, #tpu.memory_space<hbm>> -> memref<128xi32, #tpu.memory_space<hbm>>
      %dma_wait3A_59 = arith.constant 0 : i32
      %dma_wait3A_60 = tpu.memref_slice %arg4[%mul3A_2, %dma_wait3A_59] : memref<2560x128xi32, #tpu.memory_space<hbm>> -> memref<1x128xi32, #tpu.memory_space<hbm>>
      %dma_wait3A_61 = tpu.memref_squeeze %dma_wait3A_60 : memref<1x128xi32, #tpu.memory_space<hbm>> -> memref<128xi32, #tpu.memory_space<hbm>>
      tpu.wait_dma2 semaphore(%arg15 : memref<!tpu.dma_semaphore, #tpu.memory_space<semaphore_mem>>) src(%dma_wait3A_61 : memref<128xi32, #tpu.memory_space<hbm>>) dst(%arg8 : memref<128xi32, #tpu.memory_space<vmem>>)
      "tpu.region"() ({
        %run_scoped3A = tpu.sem_alloc : memref<!tpu.dma_semaphore, #tpu.memory_space<semaphore_mem>>
        %dma_start3A_77 = arith.constant 0 : i32
        %dma_start3A_78 = arith.constant 0 : i32
        %dma_start3A_79 = tpu.memref_slice %arg12[%dma_start3A_77, %dma_start3A_78] : memref<10240x128xf32, #tpu.memory_space<vmem_shared>> -> memref<10240x128xf32, #tpu.memory_space<vmem_shared>>
        tpu.enqueue_indirect_dma source(%arg10 : memref<128x128xf32, #tpu.memory_space<vmem>>) target(%dma_start3A_79 : memref<10240x128xf32, #tpu.memory_space<vmem_shared>>) offsets(%arg8 : memref<128xi32, #tpu.memory_space<vmem>>) semaphore(%run_scoped3A : memref<!tpu.dma_semaphore, #tpu.memory_space<semaphore_mem>>) {add = true}
        %dma_wait3A_80 = arith.constant 0 : i32
        %dma_wait3A_81 = arith.constant 0 : i32
        %dma_wait3A_82 = tpu.memref_slice %arg12[%dma_wait3A_80, %dma_wait3A_81] : memref<10240x128xf32, #tpu.memory_space<vmem_shared>> -> memref<10240x128xf32, #tpu.memory_space<vmem_shared>>
        tpu.wait_indirect_dma semaphore(%run_scoped3A : memref<!tpu.dma_semaphore, #tpu.memory_space<semaphore_mem>>) src(%arg10 : memref<128x128xf32, #tpu.memory_space<vmem>>) dst(%dma_wait3A_82 : memref<10240x128xf32, #tpu.memory_space<vmem_shared>>)
        tpu.yield
      }) : () -> ()
      %lt3A = arith.constant 39 : i32
      %lt3A_62 = arith.cmpi slt, %add3A_32, %lt3A : i32
      %convert_element_type3A = arith.extui %lt3A_62 : i1 to i32
      %cond3A = arith.constant 0 : i32
      %cond3A_63 = arith.cmpi ne, %convert_element_type3A, %cond3A : i32
      scf.if %cond3A_63 {
        %mul3A_77 = arith.constant 2 : i32
        %mul3A_78 = arith.muli %mul3A_77, %add3A_32 : i32
        %add3A_79 = arith.constant 2 : i32
        %add3A_80 = arith.addi %mul3A_78, %add3A_79 : i32
        %add3A_81 = arith.addi %mul3A_2, %add3A_80 : i32
        %dma_start3A_82 = arith.constant 0 : i32
        %dma_start3A_83 = tpu.memref_slice %arg4[%add3A_81, %dma_start3A_82] : memref<2560x128xi32, #tpu.memory_space<hbm>> -> memref<1x128xi32, #tpu.memory_space<hbm>>
        %dma_start3A_84 = tpu.memref_squeeze %dma_start3A_83 : memref<1x128xi32, #tpu.memory_space<hbm>> -> memref<128xi32, #tpu.memory_space<hbm>>
        %dma_start3A_85 = arith.constant 0 : i32
        %dma_start3A_86 = tpu.memref_slice %arg4[%add3A_81, %dma_start3A_85] : memref<2560x128xi32, #tpu.memory_space<hbm>> -> memref<1x128xi32, #tpu.memory_space<hbm>>
        %dma_start3A_87 = tpu.memref_squeeze %dma_start3A_86 : memref<1x128xi32, #tpu.memory_space<hbm>> -> memref<128xi32, #tpu.memory_space<hbm>>
        tpu.enqueue_dma source(%dma_start3A_87 : memref<128xi32, #tpu.memory_space<hbm>>) target(%arg8 : memref<128xi32, #tpu.memory_space<vmem>>) target_semaphore(%arg15 : memref<!tpu.dma_semaphore, #tpu.memory_space<semaphore_mem>>)
        %dma_start3A_88 = arith.constant 0 : i32
        %dma_start3A_89 = tpu.memref_slice %arg7[%add3A_80, %dma_start3A_88] : memref<80x128xi32, #tpu.memory_space<vmem>> -> memref<1x128xi32, #tpu.memory_space<vmem>>
        %dma_start3A_90 = tpu.memref_squeeze %dma_start3A_89 : memref<1x128xi32, #tpu.memory_space<vmem>> -> memref<128xi32, #tpu.memory_space<vmem>>
        %dma_start3A_91 = arith.constant 0 : i32
        %dma_start3A_92 = arith.constant 0 : i32
        %dma_start3A_93 = tpu.memref_slice %arg2[%dma_start3A_91, %dma_start3A_92] : memref<10240x128xf32, #tpu.memory_space<hbm>> -> memref<10240x128xf32, #tpu.memory_space<hbm>>
        tpu.enqueue_indirect_dma source(%dma_start3A_93 : memref<10240x128xf32, #tpu.memory_space<hbm>>) target(%arg10 : memref<128x128xf32, #tpu.memory_space<vmem>>) offsets(%dma_start3A_90 : memref<128xi32, #tpu.memory_space<vmem>>) semaphore(%arg13 : memref<!tpu.dma_semaphore, #tpu.memory_space<semaphore_mem>>)
      } else {
      }
      %dma_wait3A_64 = arith.constant 0 : i32
      %dma_wait3A_65 = arith.constant 0 : i32
      %dma_wait3A_66 = tpu.memref_slice %arg7[%dma_wait3A_64, %dma_wait3A_65] : memref<80x128xi32, #tpu.memory_space<vmem>> -> memref<1x128xi32, #tpu.memory_space<vmem>>
      %dma_wait3A_67 = tpu.memref_squeeze %dma_wait3A_66 : memref<1x128xi32, #tpu.memory_space<vmem>> -> memref<128xi32, #tpu.memory_space<vmem>>
      %dma_wait3A_68 = arith.constant 0 : i32
      %dma_wait3A_69 = arith.constant 0 : i32
      %dma_wait3A_70 = tpu.memref_slice %arg2[%dma_wait3A_68, %dma_wait3A_69] : memref<10240x128xf32, #tpu.memory_space<hbm>> -> memref<10240x128xf32, #tpu.memory_space<hbm>>
      tpu.wait_indirect_dma semaphore(%arg14 : memref<!tpu.dma_semaphore, #tpu.memory_space<semaphore_mem>>) src(%dma_wait3A_70 : memref<10240x128xf32, #tpu.memory_space<hbm>>) dst(%arg11 : memref<128x128xf32, #tpu.memory_space<vmem>>)
      %dma_wait3A_71 = arith.constant 0 : i32
      %dma_wait3A_72 = tpu.memref_slice %arg4[%mul3A_2, %dma_wait3A_71] : memref<2560x128xi32, #tpu.memory_space<hbm>> -> memref<1x128xi32, #tpu.memory_space<hbm>>
      %dma_wait3A_73 = tpu.memref_squeeze %dma_wait3A_72 : memref<1x128xi32, #tpu.memory_space<hbm>> -> memref<128xi32, #tpu.memory_space<hbm>>
      %dma_wait3A_74 = arith.constant 0 : i32
      %dma_wait3A_75 = tpu.memref_slice %arg4[%mul3A_2, %dma_wait3A_74] : memref<2560x128xi32, #tpu.memory_space<hbm>> -> memref<1x128xi32, #tpu.memory_space<hbm>>
      %dma_wait3A_76 = tpu.memref_squeeze %dma_wait3A_75 : memref<1x128xi32, #tpu.memory_space<hbm>> -> memref<128xi32, #tpu.memory_space<hbm>>
      tpu.wait_dma2 semaphore(%arg16 : memref<!tpu.dma_semaphore, #tpu.memory_space<semaphore_mem>>) src(%dma_wait3A_76 : memref<128xi32, #tpu.memory_space<hbm>>) dst(%arg9 : memref<128xi32, #tpu.memory_space<vmem>>)
      "tpu.region"() ({
        %run_scoped3A = tpu.sem_alloc : memref<!tpu.dma_semaphore, #tpu.memory_space<semaphore_mem>>
        %dma_start3A_77 = arith.constant 0 : i32
        %dma_start3A_78 = arith.constant 0 : i32
        %dma_start3A_79 = tpu.memref_slice %arg12[%dma_start3A_77, %dma_start3A_78] : memref<10240x128xf32, #tpu.memory_space<vmem_shared>> -> memref<10240x128xf32, #tpu.memory_space<vmem_shared>>
        tpu.enqueue_indirect_dma source(%arg11 : memref<128x128xf32, #tpu.memory_space<vmem>>) target(%dma_start3A_79 : memref<10240x128xf32, #tpu.memory_space<vmem_shared>>) offsets(%arg9 : memref<128xi32, #tpu.memory_space<vmem>>) semaphore(%run_scoped3A : memref<!tpu.dma_semaphore, #tpu.memory_space<semaphore_mem>>) {add = true}
        %dma_wait3A_80 = arith.constant 0 : i32
        %dma_wait3A_81 = arith.constant 0 : i32
        %dma_wait3A_82 = tpu.memref_slice %arg12[%dma_wait3A_80, %dma_wait3A_81] : memref<10240x128xf32, #tpu.memory_space<vmem_shared>> -> memref<10240x128xf32, #tpu.memory_space<vmem_shared>>
        tpu.wait_indirect_dma semaphore(%run_scoped3A : memref<!tpu.dma_semaphore, #tpu.memory_space<semaphore_mem>>) src(%arg11 : memref<128x128xf32, #tpu.memory_space<vmem>>) dst(%dma_wait3A_82 : memref<10240x128xf32, #tpu.memory_space<vmem_shared>>)
        tpu.yield
      }) : () -> ()
    }
    %scan3A_22 = arith.constant 40 : i32
    %barrier3A_23 = arith.constant 0 : index
    tpu.barrier barrier_id(%barrier3A_23)
    %mul3A_24 = arith.constant 640 : i32
    %mul3A_25 = arith.muli %arg1, %mul3A_24 : i32
    %mul3A_26 = arith.constant 640 : i32
    %mul3A_27 = arith.muli %arg1, %mul3A_26 : i32
    "tpu.region"() ({
      %run_scoped3A = tpu.sem_alloc : memref<!tpu.dma_semaphore, #tpu.memory_space<semaphore_mem>>
      %dma_start3A_28 = arith.constant 0 : i32
      %dma_start3A_29 = arith.constant 0 : i32
      %dma_start3A_30 = tpu.memref_slice %arg6[%arg0, %dma_start3A_28, %dma_start3A_29] : memref<2x10240x128xf32, #tpu.memory_space<hbm>> -> memref<1x10240x128xf32, #tpu.memory_space<hbm>>
      %dma_start3A_31 = tpu.memref_squeeze %dma_start3A_30 : memref<1x10240x128xf32, #tpu.memory_space<hbm>> -> memref<10240x128xf32, #tpu.memory_space<hbm>>
      %dma_start3A_32 = arith.constant 0 : i32
      %dma_start3A_33 = tpu.memref_slice %dma_start3A_31[%mul3A_27, %dma_start3A_32] : memref<10240x128xf32, #tpu.memory_space<hbm>> -> memref<640x128xf32, #tpu.memory_space<hbm>>
      %dma_start3A_34 = arith.constant 0 : i32
      %dma_start3A_35 = tpu.memref_slice %arg12[%mul3A_25, %dma_start3A_34] : memref<10240x128xf32, #tpu.memory_space<vmem_shared>> -> memref<640x128xf32, #tpu.memory_space<vmem_shared>>
      tpu.enqueue_dma source(%dma_start3A_35 : memref<640x128xf32, #tpu.memory_space<vmem_shared>>) target(%dma_start3A_33 : memref<640x128xf32, #tpu.memory_space<hbm>>) target_semaphore(%run_scoped3A : memref<!tpu.dma_semaphore, #tpu.memory_space<semaphore_mem>>)
      %dma_wait3A = arith.constant 0 : i32
      %dma_wait3A_36 = arith.constant 0 : i32
      %dma_wait3A_37 = tpu.memref_slice %arg6[%arg0, %dma_wait3A, %dma_wait3A_36] : memref<2x10240x128xf32, #tpu.memory_space<hbm>> -> memref<1x10240x128xf32, #tpu.memory_space<hbm>>
      %dma_wait3A_38 = tpu.memref_squeeze %dma_wait3A_37 : memref<1x10240x128xf32, #tpu.memory_space<hbm>> -> memref<10240x128xf32, #tpu.memory_space<hbm>>
      %dma_wait3A_39 = arith.constant 0 : i32
      %dma_wait3A_40 = tpu.memref_slice %dma_wait3A_38[%mul3A_27, %dma_wait3A_39] : memref<10240x128xf32, #tpu.memory_space<hbm>> -> memref<640x128xf32, #tpu.memory_space<hbm>>
      %dma_wait3A_41 = arith.constant 0 : i32
      %dma_wait3A_42 = tpu.memref_slice %arg12[%mul3A_25, %dma_wait3A_41] : memref<10240x128xf32, #tpu.memory_space<vmem_shared>> -> memref<640x128xf32, #tpu.memory_space<vmem_shared>>
      tpu.wait_dma2 semaphore(%run_scoped3A : memref<!tpu.dma_semaphore, #tpu.memory_space<semaphore_mem>>) src(%dma_wait3A_42 : memref<640x128xf32, #tpu.memory_space<vmem_shared>>) dst(%dma_wait3A_40 : memref<640x128xf32, #tpu.memory_space<hbm>>)
      tpu.yield
    }) : () -> ()
    return
  }
}

#map = affine_map<(d0, d1) -> (0, 0)>
#map1 = affine_map<(d0, d1) -> (0, 0, 0)>
module attributes {stable_mosaic.version = 14 : i64} {
  func.func @_scatter_kernel(%arg0: i32, %arg1: i32, %arg2: memref<10240x128xf32, #tpu.memory_space<hbm>>, %arg3: memref<32x80x128xi32, #tpu.memory_space<hbm>>, %arg4: memref<2560x128xi32, #tpu.memory_space<hbm>>, %arg5: memref<10240x128xf32, #tpu.memory_space<hbm>>, %arg6: memref<2x10240x128xf32, #tpu.memory_space<hbm>>, %arg7: memref<80x128xi32, #tpu.memory_space<vmem>>, %arg8: memref<128xi32, #tpu.memory_space<vmem>>, %arg9: memref<128xi32, #tpu.memory_space<vmem>>, %arg10: memref<128x128xf32, #tpu.memory_space<vmem>>, %arg11: memref<128x128xf32, #tpu.memory_space<vmem>>, %arg12: memref<10240x128xf32, #tpu.memory_space<vmem_shared>>, %arg13: memref<!tpu.dma_semaphore, #tpu.memory_space<semaphore_mem>>, %arg14: memref<!tpu.dma_semaphore, #tpu.memory_space<semaphore_mem>>, %arg15: memref<!tpu.dma_semaphore, #tpu.memory_space<semaphore_mem>>, %arg16: memref<!tpu.dma_semaphore, #tpu.memory_space<semaphore_mem>>) attributes {dimension_semantics = [#tpu.dimension_semantics<core_parallel>, #tpu.dimension_semantics<subcore_parallel>], iteration_bounds = array<i64: 2, 16>, scalar_prefetch = 0 : i64, scratch_operands = 10 : i64, tpu.core_type = #tpu.core_type<sc_vector_subcore>, window_params = [{transform_indices = #map}, {transform_indices = #map1}, {transform_indices = #map}, {transform_indices = #map}, {transform_indices = #map1}]} {
    %mul3A = arith.constant 16 : i32
    %mul3A_0 = arith.muli %arg0, %mul3A : i32
    %add3A = arith.addi %mul3A_0, %arg1 : i32
    %mul3A_1 = arith.constant 80 : i32
    %mul3A_2 = arith.muli %add3A, %mul3A_1 : i32
    %mul3A_3 = arith.constant 640 : i32
    %mul3A_4 = arith.muli %arg1, %mul3A_3 : i32
    %mul3A_5 = arith.constant 640 : i32
    %mul3A_6 = arith.muli %arg1, %mul3A_5 : i32
    "tpu.region"() ({
      %run_scoped3A = tpu.sem_alloc : memref<!tpu.dma_semaphore, #tpu.memory_space<semaphore_mem>>
      %dma_start3A_28 = arith.constant 0 : i32
      %dma_start3A_29 = tpu.memref_slice %arg12[%mul3A_6, %dma_start3A_28] : memref<10240x128xf32, #tpu.memory_space<vmem_shared>> -> memref<640x128xf32, #tpu.memory_space<vmem_shared>>
      %dma_start3A_30 = arith.constant 0 : i32
      %dma_start3A_31 = tpu.memref_slice %arg5[%mul3A_4, %dma_start3A_30] : memref<10240x128xf32, #tpu.memory_space<hbm>> -> memref<640x128xf32, #tpu.memory_space<hbm>>
      tpu.enqueue_dma source(%dma_start3A_31 : memref<640x128xf32, #tpu.memory_space<hbm>>) target(%dma_start3A_29 : memref<640x128xf32, #tpu.memory_space<vmem_shared>>) target_semaphore(%run_scoped3A : memref<!tpu.dma_semaphore, #tpu.memory_space<semaphore_mem>>)
      %dma_wait3A = arith.constant 0 : i32
      %dma_wait3A_32 = tpu.memref_slice %arg12[%mul3A_6, %dma_wait3A] : memref<10240x128xf32, #tpu.memory_space<vmem_shared>> -> memref<640x128xf32, #tpu.memory_space<vmem_shared>>
      %dma_wait3A_33 = arith.constant 0 : i32
      %dma_wait3A_34 = tpu.memref_slice %arg5[%mul3A_4, %dma_wait3A_33] : memref<10240x128xf32, #tpu.memory_space<hbm>> -> memref<640x128xf32, #tpu.memory_space<hbm>>
      tpu.wait_dma2 semaphore(%run_scoped3A : memref<!tpu.dma_semaphore, #tpu.memory_space<semaphore_mem>>) src(%dma_wait3A_34 : memref<640x128xf32, #tpu.memory_space<hbm>>) dst(%dma_wait3A_32 : memref<640x128xf32, #tpu.memory_space<vmem_shared>>)
      tpu.yield
    }) : () -> ()
    "tpu.region"() ({
      %run_scoped3A = tpu.sem_alloc : memref<!tpu.dma_semaphore, #tpu.memory_space<semaphore_mem>>
      %dma_start3A_28 = arith.constant 0 : i32
      %dma_start3A_29 = arith.constant 0 : i32
      %dma_start3A_30 = tpu.memref_slice %arg3[%add3A, %dma_start3A_28, %dma_start3A_29] : memref<32x80x128xi32, #tpu.memory_space<hbm>> -> memref<1x80x128xi32, #tpu.memory_space<hbm>>
      %dma_start3A_31 = tpu.memref_squeeze %dma_start3A_30 : memref<1x80x128xi32, #tpu.memory_space<hbm>> -> memref<80x128xi32, #tpu.memory_space<hbm>>
      %dma_start3A_32 = arith.constant 0 : i32
      %dma_start3A_33 = arith.constant 0 : i32
      %dma_start3A_34 = tpu.memref_slice %arg3[%add3A, %dma_start3A_32, %dma_start3A_33] : memref<32x80x128xi32, #tpu.memory_space<hbm>> -> memref<1x80x128xi32, #tpu.memory_space<hbm>>
      %dma_start3A_35 = tpu.memref_squeeze %dma_start3A_34 : memref<1x80x128xi32, #tpu.memory_space<hbm>> -> memref<80x128xi32, #tpu.memory_space<hbm>>
      tpu.enqueue_dma source(%dma_start3A_35 : memref<80x128xi32, #tpu.memory_space<hbm>>) target(%arg7 : memref<80x128xi32, #tpu.memory_space<vmem>>) target_semaphore(%run_scoped3A : memref<!tpu.dma_semaphore, #tpu.memory_space<semaphore_mem>>)
      %dma_wait3A = arith.constant 0 : i32
      %dma_wait3A_36 = arith.constant 0 : i32
      %dma_wait3A_37 = tpu.memref_slice %arg3[%add3A, %dma_wait3A, %dma_wait3A_36] : memref<32x80x128xi32, #tpu.memory_space<hbm>> -> memref<1x80x128xi32, #tpu.memory_space<hbm>>
      %dma_wait3A_38 = tpu.memref_squeeze %dma_wait3A_37 : memref<1x80x128xi32, #tpu.memory_space<hbm>> -> memref<80x128xi32, #tpu.memory_space<hbm>>
      %dma_wait3A_39 = arith.constant 0 : i32
      %dma_wait3A_40 = arith.constant 0 : i32
      %dma_wait3A_41 = tpu.memref_slice %arg3[%add3A, %dma_wait3A_39, %dma_wait3A_40] : memref<32x80x128xi32, #tpu.memory_space<hbm>> -> memref<1x80x128xi32, #tpu.memory_space<hbm>>
      %dma_wait3A_42 = tpu.memref_squeeze %dma_wait3A_41 : memref<1x80x128xi32, #tpu.memory_space<hbm>> -> memref<80x128xi32, #tpu.memory_space<hbm>>
      tpu.wait_dma2 semaphore(%run_scoped3A : memref<!tpu.dma_semaphore, #tpu.memory_space<semaphore_mem>>) src(%dma_wait3A_42 : memref<80x128xi32, #tpu.memory_space<hbm>>) dst(%arg7 : memref<80x128xi32, #tpu.memory_space<vmem>>)
      tpu.yield
    }) : () -> ()
    %barrier3A = arith.constant 0 : index
    tpu.barrier barrier_id(%barrier3A)
    %dma_start3A = arith.constant 0 : i32
    %dma_start3A_7 = tpu.memref_slice %arg4[%mul3A_2, %dma_start3A] : memref<2560x128xi32, #tpu.memory_space<hbm>> -> memref<1x128xi32, #tpu.memory_space<hbm>>
    %dma_start3A_8 = tpu.memref_squeeze %dma_start3A_7 : memref<1x128xi32, #tpu.memory_space<hbm>> -> memref<128xi32, #tpu.memory_space<hbm>>
    %dma_start3A_9 = arith.constant 0 : i32
    %dma_start3A_10 = tpu.memref_slice %arg4[%mul3A_2, %dma_start3A_9] : memref<2560x128xi32, #tpu.memory_space<hbm>> -> memref<1x128xi32, #tpu.memory_space<hbm>>
    %dma_start3A_11 = tpu.memref_squeeze %dma_start3A_10 : memref<1x128xi32, #tpu.memory_space<hbm>> -> memref<128xi32, #tpu.memory_space<hbm>>
    tpu.enqueue_dma source(%dma_start3A_11 : memref<128xi32, #tpu.memory_space<hbm>>) target(%arg8 : memref<128xi32, #tpu.memory_space<vmem>>) target_semaphore(%arg15 : memref<!tpu.dma_semaphore, #tpu.memory_space<semaphore_mem>>)
    %dma_start3A_12 = arith.constant 0 : i32
    %dma_start3A_13 = arith.constant 0 : i32
    %dma_start3A_14 = tpu.memref_slice %arg7[%dma_start3A_12, %dma_start3A_13] : memref<80x128xi32, #tpu.memory_space<vmem>> -> memref<1x128xi32, #tpu.memory_space<vmem>>
    %dma_start3A_15 = tpu.memref_squeeze %dma_start3A_14 : memref<1x128xi32, #tpu.memory_space<vmem>> -> memref<128xi32, #tpu.memory_space<vmem>>
    %dma_start3A_16 = arith.constant 0 : i32
    %dma_start3A_17 = arith.constant 0 : i32
    %dma_start3A_18 = tpu.memref_slice %arg2[%dma_start3A_16, %dma_start3A_17] : memref<10240x128xf32, #tpu.memory_space<hbm>> -> memref<10240x128xf32, #tpu.memory_space<hbm>>
    tpu.enqueue_indirect_dma source(%dma_start3A_18 : memref<10240x128xf32, #tpu.memory_space<hbm>>) target(%arg10 : memref<128x128xf32, #tpu.memory_space<vmem>>) offsets(%dma_start3A_15 : memref<128xi32, #tpu.memory_space<vmem>>) semaphore(%arg13 : memref<!tpu.dma_semaphore, #tpu.memory_space<semaphore_mem>>)
    %scan3A = arith.constant 0 : i32
    %scan3A_19 = arith.constant 40 : i32
    %scan3A_20 = arith.addi %scan3A, %scan3A_19 : i32
    %scan3A_21 = arith.constant 1 : i32
    scf.for %scan3A_28 = %scan3A to %scan3A_20 step %scan3A_21  : i32 {
      %mul3A_29 = arith.constant 1 : i32
      %mul3A_30 = arith.muli %scan3A_28, %mul3A_29 : i32
      %add3A_31 = arith.constant 0 : i32
      %add3A_32 = arith.addi %add3A_31, %mul3A_30 : i32
      %mul3A_33 = arith.constant 2 : i32
      %mul3A_34 = arith.muli %mul3A_33, %add3A_32 : i32
      %add3A_35 = arith.constant 1 : i32
      %add3A_36 = arith.addi %mul3A_34, %add3A_35 : i32
      %add3A_37 = arith.addi %mul3A_2, %add3A_36 : i32
      %dma_start3A_38 = arith.constant 0 : i32
      %dma_start3A_39 = tpu.memref_slice %arg4[%add3A_37, %dma_start3A_38] : memref<2560x128xi32, #tpu.memory_space<hbm>> -> memref<1x128xi32, #tpu.memory_space<hbm>>
      %dma_start3A_40 = tpu.memref_squeeze %dma_start3A_39 : memref<1x128xi32, #tpu.memory_space<hbm>> -> memref<128xi32, #tpu.memory_space<hbm>>
      %dma_start3A_41 = arith.constant 0 : i32
      %dma_start3A_42 = tpu.memref_slice %arg4[%add3A_37, %dma_start3A_41] : memref<2560x128xi32, #tpu.memory_space<hbm>> -> memref<1x128xi32, #tpu.memory_space<hbm>>
      %dma_start3A_43 = tpu.memref_squeeze %dma_start3A_42 : memref<1x128xi32, #tpu.memory_space<hbm>> -> memref<128xi32, #tpu.memory_space<hbm>>
      tpu.enqueue_dma source(%dma_start3A_43 : memref<128xi32, #tpu.memory_space<hbm>>) target(%arg9 : memref<128xi32, #tpu.memory_space<vmem>>) target_semaphore(%arg16 : memref<!tpu.dma_semaphore, #tpu.memory_space<semaphore_mem>>)
      %dma_start3A_44 = arith.constant 0 : i32
      %dma_start3A_45 = tpu.memref_slice %arg7[%add3A_36, %dma_start3A_44] : memref<80x128xi32, #tpu.memory_space<vmem>> -> memref<1x128xi32, #tpu.memory_space<vmem>>
      %dma_start3A_46 = tpu.memref_squeeze %dma_start3A_45 : memref<1x128xi32, #tpu.memory_space<vmem>> -> memref<128xi32, #tpu.memory_space<vmem>>
      %dma_start3A_47 = arith.constant 0 : i32
      %dma_start3A_48 = arith.constant 0 : i32
      %dma_start3A_49 = tpu.memref_slice %arg2[%dma_start3A_47, %dma_start3A_48] : memref<10240x128xf32, #tpu.memory_space<hbm>> -> memref<10240x128xf32, #tpu.memory_space<hbm>>
      tpu.enqueue_indirect_dma source(%dma_start3A_49 : memref<10240x128xf32, #tpu.memory_space<hbm>>) target(%arg11 : memref<128x128xf32, #tpu.memory_space<vmem>>) offsets(%dma_start3A_46 : memref<128xi32, #tpu.memory_space<vmem>>) semaphore(%arg14 : memref<!tpu.dma_semaphore, #tpu.memory_space<semaphore_mem>>)
      %dma_wait3A = arith.constant 0 : i32
      %dma_wait3A_50 = arith.constant 0 : i32
      %dma_wait3A_51 = tpu.memref_slice %arg7[%dma_wait3A, %dma_wait3A_50] : memref<80x128xi32, #tpu.memory_space<vmem>> -> memref<1x128xi32, #tpu.memory_space<vmem>>
      %dma_wait3A_52 = tpu.memref_squeeze %dma_wait3A_51 : memref<1x128xi32, #tpu.memory_space<vmem>> -> memref<128xi32, #tpu.memory_space<vmem>>
      %dma_wait3A_53 = arith.constant 0 : i32
      %dma_wait3A_54 = arith.constant 0 : i32
      %dma_wait3A_55 = tpu.memref_slice %arg2[%dma_wait3A_53, %dma_wait3A_54] : memref<10240x128xf32, #tpu.memory_space<hbm>> -> memref<10240x128xf32, #tpu.memory_space<hbm>>
      tpu.wait_indirect_dma semaphore(%arg13 : memref<!tpu.dma_semaphore, #tpu.memory_space<semaphore_mem>>) src(%dma_wait3A_55 : memref<10240x128xf32, #tpu.memory_space<hbm>>) dst(%arg10 : memref<128x128xf32, #tpu.memory_space<vmem>>)
      %dma_wait3A_56 = arith.constant 0 : i32
      %dma_wait3A_57 = tpu.memref_slice %arg4[%mul3A_2, %dma_wait3A_56] : memref<2560x128xi32, #tpu.memory_space<hbm>> -> memref<1x128xi32, #tpu.memory_space<hbm>>
      %dma_wait3A_58 = tpu.memref_squeeze %dma_wait3A_57 : memref<1x128xi32, #tpu.memory_space<hbm>> -> memref<128xi32, #tpu.memory_space<hbm>>
      %dma_wait3A_59 = arith.constant 0 : i32
      %dma_wait3A_60 = tpu.memref_slice %arg4[%mul3A_2, %dma_wait3A_59] : memref<2560x128xi32, #tpu.memory_space<hbm>> -> memref<1x128xi32, #tpu.memory_space<hbm>>
      %dma_wait3A_61 = tpu.memref_squeeze %dma_wait3A_60 : memref<1x128xi32, #tpu.memory_space<hbm>> -> memref<128xi32, #tpu.memory_space<hbm>>
      tpu.wait_dma2 semaphore(%arg15 : memref<!tpu.dma_semaphore, #tpu.memory_space<semaphore_mem>>) src(%dma_wait3A_61 : memref<128xi32, #tpu.memory_space<hbm>>) dst(%arg8 : memref<128xi32, #tpu.memory_space<vmem>>)
      "tpu.region"() ({
        %run_scoped3A = tpu.sem_alloc : memref<!tpu.dma_semaphore, #tpu.memory_space<semaphore_mem>>
        %dma_start3A_77 = arith.constant 0 : i32
        %dma_start3A_78 = arith.constant 0 : i32
        %dma_start3A_79 = tpu.memref_slice %arg12[%dma_start3A_77, %dma_start3A_78] : memref<10240x128xf32, #tpu.memory_space<vmem_shared>> -> memref<10240x128xf32, #tpu.memory_space<vmem_shared>>
        tpu.enqueue_indirect_dma source(%arg10 : memref<128x128xf32, #tpu.memory_space<vmem>>) target(%dma_start3A_79 : memref<10240x128xf32, #tpu.memory_space<vmem_shared>>) offsets(%arg8 : memref<128xi32, #tpu.memory_space<vmem>>) semaphore(%run_scoped3A : memref<!tpu.dma_semaphore, #tpu.memory_space<semaphore_mem>>) {add = true}
        %dma_wait3A_80 = arith.constant 0 : i32
        %dma_wait3A_81 = arith.constant 0 : i32
        %dma_wait3A_82 = tpu.memref_slice %arg12[%dma_wait3A_80, %dma_wait3A_81] : memref<10240x128xf32, #tpu.memory_space<vmem_shared>> -> memref<10240x128xf32, #tpu.memory_space<vmem_shared>>
        tpu.wait_indirect_dma semaphore(%run_scoped3A : memref<!tpu.dma_semaphore, #tpu.memory_space<semaphore_mem>>) src(%arg10 : memref<128x128xf32, #tpu.memory_space<vmem>>) dst(%dma_wait3A_82 : memref<10240x128xf32, #tpu.memory_space<vmem_shared>>)
        tpu.yield
      }) : () -> ()
      %lt3A = arith.constant 39 : i32
      %lt3A_62 = arith.cmpi slt, %add3A_32, %lt3A : i32
      %convert_element_type3A = arith.extui %lt3A_62 : i1 to i32
      %cond3A = arith.constant 0 : i32
      %cond3A_63 = arith.cmpi ne, %convert_element_type3A, %cond3A : i32
      scf.if %cond3A_63 {
        %mul3A_77 = arith.constant 2 : i32
        %mul3A_78 = arith.muli %mul3A_77, %add3A_32 : i32
        %add3A_79 = arith.constant 2 : i32
        %add3A_80 = arith.addi %mul3A_78, %add3A_79 : i32
        %add3A_81 = arith.addi %mul3A_2, %add3A_80 : i32
        %dma_start3A_82 = arith.constant 0 : i32
        %dma_start3A_83 = tpu.memref_slice %arg4[%add3A_81, %dma_start3A_82] : memref<2560x128xi32, #tpu.memory_space<hbm>> -> memref<1x128xi32, #tpu.memory_space<hbm>>
        %dma_start3A_84 = tpu.memref_squeeze %dma_start3A_83 : memref<1x128xi32, #tpu.memory_space<hbm>> -> memref<128xi32, #tpu.memory_space<hbm>>
        %dma_start3A_85 = arith.constant 0 : i32
        %dma_start3A_86 = tpu.memref_slice %arg4[%add3A_81, %dma_start3A_85] : memref<2560x128xi32, #tpu.memory_space<hbm>> -> memref<1x128xi32, #tpu.memory_space<hbm>>
        %dma_start3A_87 = tpu.memref_squeeze %dma_start3A_86 : memref<1x128xi32, #tpu.memory_space<hbm>> -> memref<128xi32, #tpu.memory_space<hbm>>
        tpu.enqueue_dma source(%dma_start3A_87 : memref<128xi32, #tpu.memory_space<hbm>>) target(%arg8 : memref<128xi32, #tpu.memory_space<vmem>>) target_semaphore(%arg15 : memref<!tpu.dma_semaphore, #tpu.memory_space<semaphore_mem>>)
        %dma_start3A_88 = arith.constant 0 : i32
        %dma_start3A_89 = tpu.memref_slice %arg7[%add3A_80, %dma_start3A_88] : memref<80x128xi32, #tpu.memory_space<vmem>> -> memref<1x128xi32, #tpu.memory_space<vmem>>
        %dma_start3A_90 = tpu.memref_squeeze %dma_start3A_89 : memref<1x128xi32, #tpu.memory_space<vmem>> -> memref<128xi32, #tpu.memory_space<vmem>>
        %dma_start3A_91 = arith.constant 0 : i32
        %dma_start3A_92 = arith.constant 0 : i32
        %dma_start3A_93 = tpu.memref_slice %arg2[%dma_start3A_91, %dma_start3A_92] : memref<10240x128xf32, #tpu.memory_space<hbm>> -> memref<10240x128xf32, #tpu.memory_space<hbm>>
        tpu.enqueue_indirect_dma source(%dma_start3A_93 : memref<10240x128xf32, #tpu.memory_space<hbm>>) target(%arg10 : memref<128x128xf32, #tpu.memory_space<vmem>>) offsets(%dma_start3A_90 : memref<128xi32, #tpu.memory_space<vmem>>) semaphore(%arg13 : memref<!tpu.dma_semaphore, #tpu.memory_space<semaphore_mem>>)
      } else {
      }
      %dma_wait3A_64 = arith.constant 0 : i32
      %dma_wait3A_65 = arith.constant 0 : i32
      %dma_wait3A_66 = tpu.memref_slice %arg7[%dma_wait3A_64, %dma_wait3A_65] : memref<80x128xi32, #tpu.memory_space<vmem>> -> memref<1x128xi32, #tpu.memory_space<vmem>>
      %dma_wait3A_67 = tpu.memref_squeeze %dma_wait3A_66 : memref<1x128xi32, #tpu.memory_space<vmem>> -> memref<128xi32, #tpu.memory_space<vmem>>
      %dma_wait3A_68 = arith.constant 0 : i32
      %dma_wait3A_69 = arith.constant 0 : i32
      %dma_wait3A_70 = tpu.memref_slice %arg2[%dma_wait3A_68, %dma_wait3A_69] : memref<10240x128xf32, #tpu.memory_space<hbm>> -> memref<10240x128xf32, #tpu.memory_space<hbm>>
      tpu.wait_indirect_dma semaphore(%arg14 : memref<!tpu.dma_semaphore, #tpu.memory_space<semaphore_mem>>) src(%dma_wait3A_70 : memref<10240x128xf32, #tpu.memory_space<hbm>>) dst(%arg11 : memref<128x128xf32, #tpu.memory_space<vmem>>)
      %dma_wait3A_71 = arith.constant 0 : i32
      %dma_wait3A_72 = tpu.memref_slice %arg4[%mul3A_2, %dma_wait3A_71] : memref<2560x128xi32, #tpu.memory_space<hbm>> -> memref<1x128xi32, #tpu.memory_space<hbm>>
      %dma_wait3A_73 = tpu.memref_squeeze %dma_wait3A_72 : memref<1x128xi32, #tpu.memory_space<hbm>> -> memref<128xi32, #tpu.memory_space<hbm>>
      %dma_wait3A_74 = arith.constant 0 : i32
      %dma_wait3A_75 = tpu.memref_slice %arg4[%mul3A_2, %dma_wait3A_74] : memref<2560x128xi32, #tpu.memory_space<hbm>> -> memref<1x128xi32, #tpu.memory_space<hbm>>
      %dma_wait3A_76 = tpu.memref_squeeze %dma_wait3A_75 : memref<1x128xi32, #tpu.memory_space<hbm>> -> memref<128xi32, #tpu.memory_space<hbm>>
      tpu.wait_dma2 semaphore(%arg16 : memref<!tpu.dma_semaphore, #tpu.memory_space<semaphore_mem>>) src(%dma_wait3A_76 : memref<128xi32, #tpu.memory_space<hbm>>) dst(%arg9 : memref<128xi32, #tpu.memory_space<vmem>>)
      "tpu.region"() ({
        %run_scoped3A = tpu.sem_alloc : memref<!tpu.dma_semaphore, #tpu.memory_space<semaphore_mem>>
        %dma_start3A_77 = arith.constant 0 : i32
        %dma_start3A_78 = arith.constant 0 : i32
        %dma_start3A_79 = tpu.memref_slice %arg12[%dma_start3A_77, %dma_start3A_78] : memref<10240x128xf32, #tpu.memory_space<vmem_shared>> -> memref<10240x128xf32, #tpu.memory_space<vmem_shared>>
        tpu.enqueue_indirect_dma source(%arg11 : memref<128x128xf32, #tpu.memory_space<vmem>>) target(%dma_start3A_79 : memref<10240x128xf32, #tpu.memory_space<vmem_shared>>) offsets(%arg9 : memref<128xi32, #tpu.memory_space<vmem>>) semaphore(%run_scoped3A : memref<!tpu.dma_semaphore, #tpu.memory_space<semaphore_mem>>) {add = true}
        %dma_wait3A_80 = arith.constant 0 : i32
        %dma_wait3A_81 = arith.constant 0 : i32
        %dma_wait3A_82 = tpu.memref_slice %arg12[%dma_wait3A_80, %dma_wait3A_81] : memref<10240x128xf32, #tpu.memory_space<vmem_shared>> -> memref<10240x128xf32, #tpu.memory_space<vmem_shared>>
        tpu.wait_indirect_dma semaphore(%run_scoped3A : memref<!tpu.dma_semaphore, #tpu.memory_space<semaphore_mem>>) src(%arg11 : memref<128x128xf32, #tpu.memory_space<vmem>>) dst(%dma_wait3A_82 : memref<10240x128xf32, #tpu.memory_space<vmem_shared>>)
        tpu.yield
      }) : () -> ()
    }
    %scan3A_22 = arith.constant 40 : i32
    %barrier3A_23 = arith.constant 0 : index
    tpu.barrier barrier_id(%barrier3A_23)
    %mul3A_24 = arith.constant 640 : i32
    %mul3A_25 = arith.muli %arg1, %mul3A_24 : i32
    %mul3A_26 = arith.constant 640 : i32
    %mul3A_27 = arith.muli %arg1, %mul3A_26 : i32
    "tpu.region"() ({
      %run_scoped3A = tpu.sem_alloc : memref<!tpu.dma_semaphore, #tpu.memory_space<semaphore_mem>>
      %dma_start3A_28 = arith.constant 0 : i32
      %dma_start3A_29 = arith.constant 0 : i32
      %dma_start3A_30 = tpu.memref_slice %arg6[%arg0, %dma_start3A_28, %dma_start3A_29] : memref<2x10240x128xf32, #tpu.memory_space<hbm>> -> memref<1x10240x128xf32, #tpu.memory_space<hbm>>
      %dma_start3A_31 = tpu.memref_squeeze %dma_start3A_30 : memref<1x10240x128xf32, #tpu.memory_space<hbm>> -> memref<10240x128xf32, #tpu.memory_space<hbm>>
      %dma_start3A_32 = arith.constant 0 : i32
      %dma_start3A_33 = tpu.memref_slice %dma_start3A_31[%mul3A_27, %dma_start3A_32] : memref<10240x128xf32, #tpu.memory_space<hbm>> -> memref<640x128xf32, #tpu.memory_space<hbm>>
      %dma_start3A_34 = arith.constant 0 : i32
      %dma_start3A_35 = tpu.memref_slice %arg12[%mul3A_25, %dma_start3A_34] : memref<10240x128xf32, #tpu.memory_space<vmem_shared>> -> memref<640x128xf32, #tpu.memory_space<vmem_shared>>
      tpu.enqueue_dma source(%dma_start3A_35 : memref<640x128xf32, #tpu.memory_space<vmem_shared>>) target(%dma_start3A_33 : memref<640x128xf32, #tpu.memory_space<hbm>>) target_semaphore(%run_scoped3A : memref<!tpu.dma_semaphore, #tpu.memory_space<semaphore_mem>>)
      %dma_wait3A = arith.constant 0 : i32
      %dma_wait3A_36 = arith.constant 0 : i32
      %dma_wait3A_37 = tpu.memref_slice %arg6[%arg0, %dma_wait3A, %dma_wait3A_36] : memref<2x10240x128xf32, #tpu.memory_space<hbm>> -> memref<1x10240x128xf32, #tpu.memory_space<hbm>>
      %dma_wait3A_38 = tpu.memref_squeeze %dma_wait3A_37 : memref<1x10240x128xf32, #tpu.memory_space<hbm>> -> memref<10240x128xf32, #tpu.memory_space<hbm>>
      %dma_wait3A_39 = arith.constant 0 : i32
      %dma_wait3A_40 = tpu.memref_slice %dma_wait3A_38[%mul3A_27, %dma_wait3A_39] : memref<10240x128xf32, #tpu.memory_space<hbm>> -> memref<640x128xf32, #tpu.memory_space<hbm>>
      %dma_wait3A_41 = arith.constant 0 : i32
      %dma_wait3A_42 = tpu.memref_slice %arg12[%mul3A_25, %dma_wait3A_41] : memref<10240x128xf32, #tpu.memory_space<vmem_shared>> -> memref<640x128xf32, #tpu.memory_space<vmem_shared>>
      tpu.wait_dma2 semaphore(%run_scoped3A : memref<!tpu.dma_semaphore, #tpu.memory_space<semaphore_mem>>) src(%dma_wait3A_42 : memref<640x128xf32, #tpu.memory_space<vmem_shared>>) dst(%dma_wait3A_40 : memref<640x128xf32, #tpu.memory_space<hbm>>)
      tpu.yield
    }) : () -> ()
    return
  }
}

#map = affine_map<(d0, d1) -> (0, 0)>
#map1 = affine_map<(d0, d1) -> (0, 0, 0)>
module attributes {stable_mosaic.version = 14 : i64} {
  func.func @_degree_kernel(%arg0: i32, %arg1: i32, %arg2: memref<2560x128xi32, #tpu.memory_space<hbm>>, %arg3: memref<2560x128xi32, #tpu.memory_space<hbm>>, %arg4: memref<128x128xf32, #tpu.memory_space<hbm>>, %arg5: memref<10240x128xf32, #tpu.memory_space<hbm>>, %arg6: memref<2x10240x128xf32, #tpu.memory_space<hbm>>, %arg7: memref<128xi32, #tpu.memory_space<vmem>>, %arg8: memref<128xi32, #tpu.memory_space<vmem>>, %arg9: memref<128x128xf32, #tpu.memory_space<vmem>>, %arg10: memref<10240x128xf32, #tpu.memory_space<vmem_shared>>, %arg11: memref<!tpu.dma_semaphore, #tpu.memory_space<semaphore_mem>>, %arg12: memref<!tpu.dma_semaphore, #tpu.memory_space<semaphore_mem>>) attributes {dimension_semantics = [#tpu.dimension_semantics<core_parallel>, #tpu.dimension_semantics<subcore_parallel>], iteration_bounds = array<i64: 2, 16>, scalar_prefetch = 0 : i64, scratch_operands = 6 : i64, tpu.core_type = #tpu.core_type<sc_vector_subcore>, window_params = [{transform_indices = #map}, {transform_indices = #map}, {transform_indices = #map}, {transform_indices = #map}, {transform_indices = #map1}]} {
    %mul3A = arith.constant 640 : i32
    %mul3A_0 = arith.muli %arg1, %mul3A : i32
    %mul3A_1 = arith.constant 640 : i32
    %mul3A_2 = arith.muli %arg1, %mul3A_1 : i32
    "tpu.region"() ({
      %run_scoped3A = tpu.sem_alloc : memref<!tpu.dma_semaphore, #tpu.memory_space<semaphore_mem>>
      %dma_start3A = arith.constant 0 : i32
      %dma_start3A_21 = tpu.memref_slice %arg10[%mul3A_2, %dma_start3A] : memref<10240x128xf32, #tpu.memory_space<vmem_shared>> -> memref<640x128xf32, #tpu.memory_space<vmem_shared>>
      %dma_start3A_22 = arith.constant 0 : i32
      %dma_start3A_23 = tpu.memref_slice %arg5[%mul3A_0, %dma_start3A_22] : memref<10240x128xf32, #tpu.memory_space<hbm>> -> memref<640x128xf32, #tpu.memory_space<hbm>>
      tpu.enqueue_dma source(%dma_start3A_23 : memref<640x128xf32, #tpu.memory_space<hbm>>) target(%dma_start3A_21 : memref<640x128xf32, #tpu.memory_space<vmem_shared>>) target_semaphore(%run_scoped3A : memref<!tpu.dma_semaphore, #tpu.memory_space<semaphore_mem>>)
      %dma_wait3A = arith.constant 0 : i32
      %dma_wait3A_24 = tpu.memref_slice %arg10[%mul3A_2, %dma_wait3A] : memref<10240x128xf32, #tpu.memory_space<vmem_shared>> -> memref<640x128xf32, #tpu.memory_space<vmem_shared>>
      %dma_wait3A_25 = arith.constant 0 : i32
      %dma_wait3A_26 = tpu.memref_slice %arg5[%mul3A_0, %dma_wait3A_25] : memref<10240x128xf32, #tpu.memory_space<hbm>> -> memref<640x128xf32, #tpu.memory_space<hbm>>
      tpu.wait_dma2 semaphore(%run_scoped3A : memref<!tpu.dma_semaphore, #tpu.memory_space<semaphore_mem>>) src(%dma_wait3A_26 : memref<640x128xf32, #tpu.memory_space<hbm>>) dst(%dma_wait3A_24 : memref<640x128xf32, #tpu.memory_space<vmem_shared>>)
      tpu.yield
    }) : () -> ()
    "tpu.region"() ({
      %run_scoped3A = tpu.sem_alloc : memref<!tpu.dma_semaphore, #tpu.memory_space<semaphore_mem>>
      tpu.enqueue_dma source(%arg4 : memref<128x128xf32, #tpu.memory_space<hbm>>) target(%arg9 : memref<128x128xf32, #tpu.memory_space<vmem>>) target_semaphore(%run_scoped3A : memref<!tpu.dma_semaphore, #tpu.memory_space<semaphore_mem>>)
      tpu.wait_dma2 semaphore(%run_scoped3A : memref<!tpu.dma_semaphore, #tpu.memory_space<semaphore_mem>>) src(%arg4 : memref<128x128xf32, #tpu.memory_space<hbm>>) dst(%arg9 : memref<128x128xf32, #tpu.memory_space<vmem>>)
      tpu.yield
    }) : () -> ()
    %mul3A_3 = arith.constant 160 : i32
    %mul3A_4 = arith.muli %arg1, %mul3A_3 : i32
    %barrier3A = arith.constant 0 : index
    tpu.barrier barrier_id(%barrier3A)
    %eq3A = arith.constant 0 : i32
    %eq3A_5 = arith.cmpi eq, %arg0, %eq3A : i32
    %convert_element_type3A = arith.extui %eq3A_5 : i1 to i32
    %cond3A = arith.constant 0 : i32
    %cond3A_6 = arith.cmpi ne, %convert_element_type3A, %cond3A : i32
    scf.if %cond3A_6 {
      "tpu.region"() ({
        %run_scoped3A = tpu.sem_alloc : memref<!tpu.dma_semaphore, #tpu.memory_space<semaphore_mem>>
        %dma_start3A = arith.constant 0 : i32
        %dma_start3A_21 = tpu.memref_slice %arg2[%mul3A_4, %dma_start3A] : memref<2560x128xi32, #tpu.memory_space<hbm>> -> memref<1x128xi32, #tpu.memory_space<hbm>>
        %dma_start3A_22 = tpu.memref_squeeze %dma_start3A_21 : memref<1x128xi32, #tpu.memory_space<hbm>> -> memref<128xi32, #tpu.memory_space<hbm>>
        %dma_start3A_23 = arith.constant 0 : i32
        %dma_start3A_24 = tpu.memref_slice %arg2[%mul3A_4, %dma_start3A_23] : memref<2560x128xi32, #tpu.memory_space<hbm>> -> memref<1x128xi32, #tpu.memory_space<hbm>>
        %dma_start3A_25 = tpu.memref_squeeze %dma_start3A_24 : memref<1x128xi32, #tpu.memory_space<hbm>> -> memref<128xi32, #tpu.memory_space<hbm>>
        tpu.enqueue_dma source(%dma_start3A_25 : memref<128xi32, #tpu.memory_space<hbm>>) target(%arg7 : memref<128xi32, #tpu.memory_space<vmem>>) target_semaphore(%run_scoped3A : memref<!tpu.dma_semaphore, #tpu.memory_space<semaphore_mem>>)
        %dma_wait3A = arith.constant 0 : i32
        %dma_wait3A_26 = tpu.memref_slice %arg2[%mul3A_4, %dma_wait3A] : memref<2560x128xi32, #tpu.memory_space<hbm>> -> memref<1x128xi32, #tpu.memory_space<hbm>>
        %dma_wait3A_27 = tpu.memref_squeeze %dma_wait3A_26 : memref<1x128xi32, #tpu.memory_space<hbm>> -> memref<128xi32, #tpu.memory_space<hbm>>
        %dma_wait3A_28 = arith.constant 0 : i32
        %dma_wait3A_29 = tpu.memref_slice %arg2[%mul3A_4, %dma_wait3A_28] : memref<2560x128xi32, #tpu.memory_space<hbm>> -> memref<1x128xi32, #tpu.memory_space<hbm>>
        %dma_wait3A_30 = tpu.memref_squeeze %dma_wait3A_29 : memref<1x128xi32, #tpu.memory_space<hbm>> -> memref<128xi32, #tpu.memory_space<hbm>>
        tpu.wait_dma2 semaphore(%run_scoped3A : memref<!tpu.dma_semaphore, #tpu.memory_space<semaphore_mem>>) src(%dma_wait3A_30 : memref<128xi32, #tpu.memory_space<hbm>>) dst(%arg7 : memref<128xi32, #tpu.memory_space<vmem>>)
        tpu.yield
      }) : () -> ()
    } else {
    }
    %eq3A_7 = arith.constant 1 : i32
    %eq3A_8 = arith.cmpi eq, %arg0, %eq3A_7 : i32
    %convert_element_type3A_9 = arith.extui %eq3A_8 : i1 to i32
    %cond3A_10 = arith.constant 0 : i32
    %cond3A_11 = arith.cmpi ne, %convert_element_type3A_9, %cond3A_10 : i32
    scf.if %cond3A_11 {
      "tpu.region"() ({
        %run_scoped3A = tpu.sem_alloc : memref<!tpu.dma_semaphore, #tpu.memory_space<semaphore_mem>>
        %dma_start3A = arith.constant 0 : i32
        %dma_start3A_21 = tpu.memref_slice %arg3[%mul3A_4, %dma_start3A] : memref<2560x128xi32, #tpu.memory_space<hbm>> -> memref<1x128xi32, #tpu.memory_space<hbm>>
        %dma_start3A_22 = tpu.memref_squeeze %dma_start3A_21 : memref<1x128xi32, #tpu.memory_space<hbm>> -> memref<128xi32, #tpu.memory_space<hbm>>
        %dma_start3A_23 = arith.constant 0 : i32
        %dma_start3A_24 = tpu.memref_slice %arg3[%mul3A_4, %dma_start3A_23] : memref<2560x128xi32, #tpu.memory_space<hbm>> -> memref<1x128xi32, #tpu.memory_space<hbm>>
        %dma_start3A_25 = tpu.memref_squeeze %dma_start3A_24 : memref<1x128xi32, #tpu.memory_space<hbm>> -> memref<128xi32, #tpu.memory_space<hbm>>
        tpu.enqueue_dma source(%dma_start3A_25 : memref<128xi32, #tpu.memory_space<hbm>>) target(%arg7 : memref<128xi32, #tpu.memory_space<vmem>>) target_semaphore(%run_scoped3A : memref<!tpu.dma_semaphore, #tpu.memory_space<semaphore_mem>>)
        %dma_wait3A = arith.constant 0 : i32
        %dma_wait3A_26 = tpu.memref_slice %arg3[%mul3A_4, %dma_wait3A] : memref<2560x128xi32, #tpu.memory_space<hbm>> -> memref<1x128xi32, #tpu.memory_space<hbm>>
        %dma_wait3A_27 = tpu.memref_squeeze %dma_wait3A_26 : memref<1x128xi32, #tpu.memory_space<hbm>> -> memref<128xi32, #tpu.memory_space<hbm>>
        %dma_wait3A_28 = arith.constant 0 : i32
        %dma_wait3A_29 = tpu.memref_slice %arg3[%mul3A_4, %dma_wait3A_28] : memref<2560x128xi32, #tpu.memory_space<hbm>> -> memref<1x128xi32, #tpu.memory_space<hbm>>
        %dma_wait3A_30 = tpu.memref_squeeze %dma_wait3A_29 : memref<1x128xi32, #tpu.memory_space<hbm>> -> memref<128xi32, #tpu.memory_space<hbm>>
        tpu.wait_dma2 semaphore(%run_scoped3A : memref<!tpu.dma_semaphore, #tpu.memory_space<semaphore_mem>>) src(%dma_wait3A_30 : memref<128xi32, #tpu.memory_space<hbm>>) dst(%arg7 : memref<128xi32, #tpu.memory_space<vmem>>)
        tpu.yield
      }) : () -> ()
    } else {
    }
    %scan3A = arith.constant 0 : i32
    %scan3A_12 = arith.constant 80 : i32
    %scan3A_13 = arith.addi %scan3A, %scan3A_12 : i32
    %scan3A_14 = arith.constant 1 : i32
    scf.for %scan3A_21 = %scan3A to %scan3A_13 step %scan3A_14  : i32 {
      %mul3A_22 = arith.constant 1 : i32
      %mul3A_23 = arith.muli %scan3A_21, %mul3A_22 : i32
      %add3A = arith.constant 0 : i32
      %add3A_24 = arith.addi %add3A, %mul3A_23 : i32
      %mul3A_25 = arith.constant 2 : i32
      %mul3A_26 = arith.muli %mul3A_25, %add3A_24 : i32
      %add3A_27 = arith.addi %mul3A_4, %mul3A_26 : i32
      %add3A_28 = arith.constant 1 : i32
      %add3A_29 = arith.addi %add3A_27, %add3A_28 : i32
      %eq3A_30 = arith.constant 0 : i32
      %eq3A_31 = arith.cmpi eq, %arg0, %eq3A_30 : i32
      %convert_element_type3A_32 = arith.extui %eq3A_31 : i1 to i32
      %cond3A_33 = arith.constant 0 : i32
      %cond3A_34 = arith.cmpi ne, %convert_element_type3A_32, %cond3A_33 : i32
      scf.if %cond3A_34 {
        %dma_start3A = arith.constant 0 : i32
        %dma_start3A_54 = tpu.memref_slice %arg2[%add3A_29, %dma_start3A] : memref<2560x128xi32, #tpu.memory_space<hbm>> -> memref<1x128xi32, #tpu.memory_space<hbm>>
        %dma_start3A_55 = tpu.memref_squeeze %dma_start3A_54 : memref<1x128xi32, #tpu.memory_space<hbm>> -> memref<128xi32, #tpu.memory_space<hbm>>
        %dma_start3A_56 = arith.constant 0 : i32
        %dma_start3A_57 = tpu.memref_slice %arg2[%add3A_29, %dma_start3A_56] : memref<2560x128xi32, #tpu.memory_space<hbm>> -> memref<1x128xi32, #tpu.memory_space<hbm>>
        %dma_start3A_58 = tpu.memref_squeeze %dma_start3A_57 : memref<1x128xi32, #tpu.memory_space<hbm>> -> memref<128xi32, #tpu.memory_space<hbm>>
        tpu.enqueue_dma source(%dma_start3A_58 : memref<128xi32, #tpu.memory_space<hbm>>) target(%arg8 : memref<128xi32, #tpu.memory_space<vmem>>) target_semaphore(%arg12 : memref<!tpu.dma_semaphore, #tpu.memory_space<semaphore_mem>>)
      } else {
      }
      %eq3A_35 = arith.constant 1 : i32
      %eq3A_36 = arith.cmpi eq, %arg0, %eq3A_35 : i32
      %convert_element_type3A_37 = arith.extui %eq3A_36 : i1 to i32
      %cond3A_38 = arith.constant 0 : i32
      %cond3A_39 = arith.cmpi ne, %convert_element_type3A_37, %cond3A_38 : i32
      scf.if %cond3A_39 {
        %dma_start3A = arith.constant 0 : i32
        %dma_start3A_54 = tpu.memref_slice %arg3[%add3A_29, %dma_start3A] : memref<2560x128xi32, #tpu.memory_space<hbm>> -> memref<1x128xi32, #tpu.memory_space<hbm>>
        %dma_start3A_55 = tpu.memref_squeeze %dma_start3A_54 : memref<1x128xi32, #tpu.memory_space<hbm>> -> memref<128xi32, #tpu.memory_space<hbm>>
        %dma_start3A_56 = arith.constant 0 : i32
        %dma_start3A_57 = tpu.memref_slice %arg3[%add3A_29, %dma_start3A_56] : memref<2560x128xi32, #tpu.memory_space<hbm>> -> memref<1x128xi32, #tpu.memory_space<hbm>>
        %dma_start3A_58 = tpu.memref_squeeze %dma_start3A_57 : memref<1x128xi32, #tpu.memory_space<hbm>> -> memref<128xi32, #tpu.memory_space<hbm>>
        tpu.enqueue_dma source(%dma_start3A_58 : memref<128xi32, #tpu.memory_space<hbm>>) target(%arg8 : memref<128xi32, #tpu.memory_space<vmem>>) target_semaphore(%arg12 : memref<!tpu.dma_semaphore, #tpu.memory_space<semaphore_mem>>)
      } else {
      }
      "tpu.region"() ({
        %run_scoped3A = tpu.sem_alloc : memref<!tpu.dma_semaphore, #tpu.memory_space<semaphore_mem>>
        %dma_start3A = arith.constant 0 : i32
        %dma_start3A_54 = arith.constant 0 : i32
        %dma_start3A_55 = tpu.memref_slice %arg10[%dma_start3A, %dma_start3A_54] : memref<10240x128xf32, #tpu.memory_space<vmem_shared>> -> memref<10240x128xf32, #tpu.memory_space<vmem_shared>>
        tpu.enqueue_indirect_dma source(%arg9 : memref<128x128xf32, #tpu.memory_space<vmem>>) target(%dma_start3A_55 : memref<10240x128xf32, #tpu.memory_space<vmem_shared>>) offsets(%arg7 : memref<128xi32, #tpu.memory_space<vmem>>) semaphore(%run_scoped3A : memref<!tpu.dma_semaphore, #tpu.memory_space<semaphore_mem>>) {add = true}
        %dma_wait3A_56 = arith.constant 0 : i32
        %dma_wait3A_57 = arith.constant 0 : i32
        %dma_wait3A_58 = tpu.memref_slice %arg10[%dma_wait3A_56, %dma_wait3A_57] : memref<10240x128xf32, #tpu.memory_space<vmem_shared>> -> memref<10240x128xf32, #tpu.memory_space<vmem_shared>>
        tpu.wait_indirect_dma semaphore(%run_scoped3A : memref<!tpu.dma_semaphore, #tpu.memory_space<semaphore_mem>>) src(%arg9 : memref<128x128xf32, #tpu.memory_space<vmem>>) dst(%dma_wait3A_58 : memref<10240x128xf32, #tpu.memory_space<vmem_shared>>)
        tpu.yield
      }) : () -> ()
      %lt3A = arith.constant 79 : i32
      %lt3A_40 = arith.cmpi slt, %add3A_24, %lt3A : i32
      %convert_element_type3A_41 = arith.extui %lt3A_40 : i1 to i32
      %cond3A_42 = arith.constant 0 : i32
      %cond3A_43 = arith.cmpi ne, %convert_element_type3A_41, %cond3A_42 : i32
      scf.if %cond3A_43 {
        %mul3A_54 = arith.constant 2 : i32
        %mul3A_55 = arith.muli %mul3A_54, %add3A_24 : i32
        %add3A_56 = arith.addi %mul3A_4, %mul3A_55 : i32
        %add3A_57 = arith.constant 2 : i32
        %add3A_58 = arith.addi %add3A_56, %add3A_57 : i32
        %eq3A_59 = arith.constant 0 : i32
        %eq3A_60 = arith.cmpi eq, %arg0, %eq3A_59 : i32
        %convert_element_type3A_61 = arith.extui %eq3A_60 : i1 to i32
        %cond3A_62 = arith.constant 0 : i32
        %cond3A_63 = arith.cmpi ne, %convert_element_type3A_61, %cond3A_62 : i32
        scf.if %cond3A_63 {
          %dma_start3A = arith.constant 0 : i32
          %dma_start3A_69 = tpu.memref_slice %arg2[%add3A_58, %dma_start3A] : memref<2560x128xi32, #tpu.memory_space<hbm>> -> memref<1x128xi32, #tpu.memory_space<hbm>>
          %dma_start3A_70 = tpu.memref_squeeze %dma_start3A_69 : memref<1x128xi32, #tpu.memory_space<hbm>> -> memref<128xi32, #tpu.memory_space<hbm>>
          %dma_start3A_71 = arith.constant 0 : i32
          %dma_start3A_72 = tpu.memref_slice %arg2[%add3A_58, %dma_start3A_71] : memref<2560x128xi32, #tpu.memory_space<hbm>> -> memref<1x128xi32, #tpu.memory_space<hbm>>
          %dma_start3A_73 = tpu.memref_squeeze %dma_start3A_72 : memref<1x128xi32, #tpu.memory_space<hbm>> -> memref<128xi32, #tpu.memory_space<hbm>>
          tpu.enqueue_dma source(%dma_start3A_73 : memref<128xi32, #tpu.memory_space<hbm>>) target(%arg7 : memref<128xi32, #tpu.memory_space<vmem>>) target_semaphore(%arg11 : memref<!tpu.dma_semaphore, #tpu.memory_space<semaphore_mem>>)
        } else {
        }
        %eq3A_64 = arith.constant 1 : i32
        %eq3A_65 = arith.cmpi eq, %arg0, %eq3A_64 : i32
        %convert_element_type3A_66 = arith.extui %eq3A_65 : i1 to i32
        %cond3A_67 = arith.constant 0 : i32
        %cond3A_68 = arith.cmpi ne, %convert_element_type3A_66, %cond3A_67 : i32
        scf.if %cond3A_68 {
          %dma_start3A = arith.constant 0 : i32
          %dma_start3A_69 = tpu.memref_slice %arg3[%add3A_58, %dma_start3A] : memref<2560x128xi32, #tpu.memory_space<hbm>> -> memref<1x128xi32, #tpu.memory_space<hbm>>
          %dma_start3A_70 = tpu.memref_squeeze %dma_start3A_69 : memref<1x128xi32, #tpu.memory_space<hbm>> -> memref<128xi32, #tpu.memory_space<hbm>>
          %dma_start3A_71 = arith.constant 0 : i32
          %dma_start3A_72 = tpu.memref_slice %arg3[%add3A_58, %dma_start3A_71] : memref<2560x128xi32, #tpu.memory_space<hbm>> -> memref<1x128xi32, #tpu.memory_space<hbm>>
          %dma_start3A_73 = tpu.memref_squeeze %dma_start3A_72 : memref<1x128xi32, #tpu.memory_space<hbm>> -> memref<128xi32, #tpu.memory_space<hbm>>
          tpu.enqueue_dma source(%dma_start3A_73 : memref<128xi32, #tpu.memory_space<hbm>>) target(%arg7 : memref<128xi32, #tpu.memory_space<vmem>>) target_semaphore(%arg11 : memref<!tpu.dma_semaphore, #tpu.memory_space<semaphore_mem>>)
        } else {
        }
      } else {
      }
      %dma_wait3A = arith.constant 0 : i32
      %dma_wait3A_44 = tpu.memref_slice %arg2[%add3A_29, %dma_wait3A] : memref<2560x128xi32, #tpu.memory_space<hbm>> -> memref<1x128xi32, #tpu.memory_space<hbm>>
      %dma_wait3A_45 = tpu.memref_squeeze %dma_wait3A_44 : memref<1x128xi32, #tpu.memory_space<hbm>> -> memref<128xi32, #tpu.memory_space<hbm>>
      %dma_wait3A_46 = arith.constant 0 : i32
      %dma_wait3A_47 = tpu.memref_slice %arg2[%add3A_29, %dma_wait3A_46] : memref<2560x128xi32, #tpu.memory_space<hbm>> -> memref<1x128xi32, #tpu.memory_space<hbm>>
      %dma_wait3A_48 = tpu.memref_squeeze %dma_wait3A_47 : memref<1x128xi32, #tpu.memory_space<hbm>> -> memref<128xi32, #tpu.memory_space<hbm>>
      tpu.wait_dma2 semaphore(%arg12 : memref<!tpu.dma_semaphore, #tpu.memory_space<semaphore_mem>>) src(%dma_wait3A_48 : memref<128xi32, #tpu.memory_space<hbm>>) dst(%arg8 : memref<128xi32, #tpu.memory_space<vmem>>)
      "tpu.region"() ({
        %run_scoped3A = tpu.sem_alloc : memref<!tpu.dma_semaphore, #tpu.memory_space<semaphore_mem>>
        %dma_start3A = arith.constant 0 : i32
        %dma_start3A_54 = arith.constant 0 : i32
        %dma_start3A_55 = tpu.memref_slice %arg10[%dma_start3A, %dma_start3A_54] : memref<10240x128xf32, #tpu.memory_space<vmem_shared>> -> memref<10240x128xf32, #tpu.memory_space<vmem_shared>>
        tpu.enqueue_indirect_dma source(%arg9 : memref<128x128xf32, #tpu.memory_space<vmem>>) target(%dma_start3A_55 : memref<10240x128xf32, #tpu.memory_space<vmem_shared>>) offsets(%arg8 : memref<128xi32, #tpu.memory_space<vmem>>) semaphore(%run_scoped3A : memref<!tpu.dma_semaphore, #tpu.memory_space<semaphore_mem>>) {add = true}
        %dma_wait3A_56 = arith.constant 0 : i32
        %dma_wait3A_57 = arith.constant 0 : i32
        %dma_wait3A_58 = tpu.memref_slice %arg10[%dma_wait3A_56, %dma_wait3A_57] : memref<10240x128xf32, #tpu.memory_space<vmem_shared>> -> memref<10240x128xf32, #tpu.memory_space<vmem_shared>>
        tpu.wait_indirect_dma semaphore(%run_scoped3A : memref<!tpu.dma_semaphore, #tpu.memory_space<semaphore_mem>>) src(%arg9 : memref<128x128xf32, #tpu.memory_space<vmem>>) dst(%dma_wait3A_58 : memref<10240x128xf32, #tpu.memory_space<vmem_shared>>)
        tpu.yield
      }) : () -> ()
      %lt3A_49 = arith.constant 79 : i32
      %lt3A_50 = arith.cmpi slt, %add3A_24, %lt3A_49 : i32
      %convert_element_type3A_51 = arith.extui %lt3A_50 : i1 to i32
      %cond3A_52 = arith.constant 0 : i32
      %cond3A_53 = arith.cmpi ne, %convert_element_type3A_51, %cond3A_52 : i32
      scf.if %cond3A_53 {
        %dma_wait3A_54 = arith.constant 0 : i32
        %dma_wait3A_55 = tpu.memref_slice %arg2[%mul3A_4, %dma_wait3A_54] : memref<2560x128xi32, #tpu.memory_space<hbm>> -> memref<1x128xi32, #tpu.memory_space<hbm>>
        %dma_wait3A_56 = tpu.memref_squeeze %dma_wait3A_55 : memref<1x128xi32, #tpu.memory_space<hbm>> -> memref<128xi32, #tpu.memory_space<hbm>>
        %dma_wait3A_57 = arith.constant 0 : i32
        %dma_wait3A_58 = tpu.memref_slice %arg2[%mul3A_4, %dma_wait3A_57] : memref<2560x128xi32, #tpu.memory_space<hbm>> -> memref<1x128xi32, #tpu.memory_space<hbm>>
        %dma_wait3A_59 = tpu.memref_squeeze %dma_wait3A_58 : memref<1x128xi32, #tpu.memory_space<hbm>> -> memref<128xi32, #tpu.memory_space<hbm>>
        tpu.wait_dma2 semaphore(%arg11 : memref<!tpu.dma_semaphore, #tpu.memory_space<semaphore_mem>>) src(%dma_wait3A_59 : memref<128xi32, #tpu.memory_space<hbm>>) dst(%arg7 : memref<128xi32, #tpu.memory_space<vmem>>)
      } else {
      }
    }
    %scan3A_15 = arith.constant 80 : i32
    %barrier3A_16 = arith.constant 0 : index
    tpu.barrier barrier_id(%barrier3A_16)
    %mul3A_17 = arith.constant 640 : i32
    %mul3A_18 = arith.muli %arg1, %mul3A_17 : i32
    %mul3A_19 = arith.constant 640 : i32
    %mul3A_20 = arith.muli %arg1, %mul3A_19 : i32
    "tpu.region"() ({
      %run_scoped3A = tpu.sem_alloc : memref<!tpu.dma_semaphore, #tpu.memory_space<semaphore_mem>>
      %dma_start3A = arith.constant 0 : i32
      %dma_start3A_21 = arith.constant 0 : i32
      %dma_start3A_22 = tpu.memref_slice %arg6[%arg0, %dma_start3A, %dma_start3A_21] : memref<2x10240x128xf32, #tpu.memory_space<hbm>> -> memref<1x10240x128xf32, #tpu.memory_space<hbm>>
      %dma_start3A_23 = tpu.memref_squeeze %dma_start3A_22 : memref<1x10240x128xf32, #tpu.memory_space<hbm>> -> memref<10240x128xf32, #tpu.memory_space<hbm>>
      %dma_start3A_24 = arith.constant 0 : i32
      %dma_start3A_25 = tpu.memref_slice %dma_start3A_23[%mul3A_20, %dma_start3A_24] : memref<10240x128xf32, #tpu.memory_space<hbm>> -> memref<640x128xf32, #tpu.memory_space<hbm>>
      %dma_start3A_26 = arith.constant 0 : i32
      %dma_start3A_27 = tpu.memref_slice %arg10[%mul3A_18, %dma_start3A_26] : memref<10240x128xf32, #tpu.memory_space<vmem_shared>> -> memref<640x128xf32, #tpu.memory_space<vmem_shared>>
      tpu.enqueue_dma source(%dma_start3A_27 : memref<640x128xf32, #tpu.memory_space<vmem_shared>>) target(%dma_start3A_25 : memref<640x128xf32, #tpu.memory_space<hbm>>) target_semaphore(%run_scoped3A : memref<!tpu.dma_semaphore, #tpu.memory_space<semaphore_mem>>)
      %dma_wait3A = arith.constant 0 : i32
      %dma_wait3A_28 = arith.constant 0 : i32
      %dma_wait3A_29 = tpu.memref_slice %arg6[%arg0, %dma_wait3A, %dma_wait3A_28] : memref<2x10240x128xf32, #tpu.memory_space<hbm>> -> memref<1x10240x128xf32, #tpu.memory_space<hbm>>
      %dma_wait3A_30 = tpu.memref_squeeze %dma_wait3A_29 : memref<1x10240x128xf32, #tpu.memory_space<hbm>> -> memref<10240x128xf32, #tpu.memory_space<hbm>>
      %dma_wait3A_31 = arith.constant 0 : i32
      %dma_wait3A_32 = tpu.memref_slice %dma_wait3A_30[%mul3A_20, %dma_wait3A_31] : memref<10240x128xf32, #tpu.memory_space<hbm>> -> memref<640x128xf32, #tpu.memory_space<hbm>>
      %dma_wait3A_33 = arith.constant 0 : i32
      %dma_wait3A_34 = tpu.memref_slice %arg10[%mul3A_18, %dma_wait3A_33] : memref<10240x128xf32, #tpu.memory_space<vmem_shared>> -> memref<640x128xf32, #tpu.memory_space<vmem_shared>>
      tpu.wait_dma2 semaphore(%run_scoped3A : memref<!tpu.dma_semaphore, #tpu.memory_space<semaphore_mem>>) src(%dma_wait3A_34 : memref<640x128xf32, #tpu.memory_space<vmem_shared>>) dst(%dma_wait3A_32 : memref<640x128xf32, #tpu.memory_space<hbm>>)
      tpu.yield
    }) : () -> ()
    return
  }
}

#map = affine_map<(d0, d1) -> (0, 0)>
#map1 = affine_map<(d0, d1) -> (0, 0, 0)>
module attributes {stable_mosaic.version = 14 : i64} {
  func.func @_scatter_kernel(%arg0: i32, %arg1: i32, %arg2: memref<10240x128xf32, #tpu.memory_space<hbm>>, %arg3: memref<32x80x128xi32, #tpu.memory_space<hbm>>, %arg4: memref<2560x128xi32, #tpu.memory_space<hbm>>, %arg5: memref<10240x128xf32, #tpu.memory_space<hbm>>, %arg6: memref<2x10240x128xf32, #tpu.memory_space<hbm>>, %arg7: memref<80x128xi32, #tpu.memory_space<vmem>>, %arg8: memref<128xi32, #tpu.memory_space<vmem>>, %arg9: memref<128xi32, #tpu.memory_space<vmem>>, %arg10: memref<128x128xf32, #tpu.memory_space<vmem>>, %arg11: memref<128x128xf32, #tpu.memory_space<vmem>>, %arg12: memref<10240x128xf32, #tpu.memory_space<vmem_shared>>, %arg13: memref<!tpu.dma_semaphore, #tpu.memory_space<semaphore_mem>>, %arg14: memref<!tpu.dma_semaphore, #tpu.memory_space<semaphore_mem>>, %arg15: memref<!tpu.dma_semaphore, #tpu.memory_space<semaphore_mem>>, %arg16: memref<!tpu.dma_semaphore, #tpu.memory_space<semaphore_mem>>) attributes {dimension_semantics = [#tpu.dimension_semantics<core_parallel>, #tpu.dimension_semantics<subcore_parallel>], iteration_bounds = array<i64: 2, 16>, scalar_prefetch = 0 : i64, scratch_operands = 10 : i64, tpu.core_type = #tpu.core_type<sc_vector_subcore>, window_params = [{transform_indices = #map}, {transform_indices = #map1}, {transform_indices = #map}, {transform_indices = #map}, {transform_indices = #map1}]} {
    %mul3A = arith.constant 16 : i32
    %mul3A_0 = arith.muli %arg0, %mul3A : i32
    %add3A = arith.addi %mul3A_0, %arg1 : i32
    %mul3A_1 = arith.constant 80 : i32
    %mul3A_2 = arith.muli %add3A, %mul3A_1 : i32
    %mul3A_3 = arith.constant 640 : i32
    %mul3A_4 = arith.muli %arg1, %mul3A_3 : i32
    %mul3A_5 = arith.constant 640 : i32
    %mul3A_6 = arith.muli %arg1, %mul3A_5 : i32
    "tpu.region"() ({
      %run_scoped3A = tpu.sem_alloc : memref<!tpu.dma_semaphore, #tpu.memory_space<semaphore_mem>>
      %dma_start3A_28 = arith.constant 0 : i32
      %dma_start3A_29 = tpu.memref_slice %arg12[%mul3A_6, %dma_start3A_28] : memref<10240x128xf32, #tpu.memory_space<vmem_shared>> -> memref<640x128xf32, #tpu.memory_space<vmem_shared>>
      %dma_start3A_30 = arith.constant 0 : i32
      %dma_start3A_31 = tpu.memref_slice %arg5[%mul3A_4, %dma_start3A_30] : memref<10240x128xf32, #tpu.memory_space<hbm>> -> memref<640x128xf32, #tpu.memory_space<hbm>>
      tpu.enqueue_dma source(%dma_start3A_31 : memref<640x128xf32, #tpu.memory_space<hbm>>) target(%dma_start3A_29 : memref<640x128xf32, #tpu.memory_space<vmem_shared>>) target_semaphore(%run_scoped3A : memref<!tpu.dma_semaphore, #tpu.memory_space<semaphore_mem>>)
      %dma_wait3A = arith.constant 0 : i32
      %dma_wait3A_32 = tpu.memref_slice %arg12[%mul3A_6, %dma_wait3A] : memref<10240x128xf32, #tpu.memory_space<vmem_shared>> -> memref<640x128xf32, #tpu.memory_space<vmem_shared>>
      %dma_wait3A_33 = arith.constant 0 : i32
      %dma_wait3A_34 = tpu.memref_slice %arg5[%mul3A_4, %dma_wait3A_33] : memref<10240x128xf32, #tpu.memory_space<hbm>> -> memref<640x128xf32, #tpu.memory_space<hbm>>
      tpu.wait_dma2 semaphore(%run_scoped3A : memref<!tpu.dma_semaphore, #tpu.memory_space<semaphore_mem>>) src(%dma_wait3A_34 : memref<640x128xf32, #tpu.memory_space<hbm>>) dst(%dma_wait3A_32 : memref<640x128xf32, #tpu.memory_space<vmem_shared>>)
      tpu.yield
    }) : () -> ()
    "tpu.region"() ({
      %run_scoped3A = tpu.sem_alloc : memref<!tpu.dma_semaphore, #tpu.memory_space<semaphore_mem>>
      %dma_start3A_28 = arith.constant 0 : i32
      %dma_start3A_29 = arith.constant 0 : i32
      %dma_start3A_30 = tpu.memref_slice %arg3[%add3A, %dma_start3A_28, %dma_start3A_29] : memref<32x80x128xi32, #tpu.memory_space<hbm>> -> memref<1x80x128xi32, #tpu.memory_space<hbm>>
      %dma_start3A_31 = tpu.memref_squeeze %dma_start3A_30 : memref<1x80x128xi32, #tpu.memory_space<hbm>> -> memref<80x128xi32, #tpu.memory_space<hbm>>
      %dma_start3A_32 = arith.constant 0 : i32
      %dma_start3A_33 = arith.constant 0 : i32
      %dma_start3A_34 = tpu.memref_slice %arg3[%add3A, %dma_start3A_32, %dma_start3A_33] : memref<32x80x128xi32, #tpu.memory_space<hbm>> -> memref<1x80x128xi32, #tpu.memory_space<hbm>>
      %dma_start3A_35 = tpu.memref_squeeze %dma_start3A_34 : memref<1x80x128xi32, #tpu.memory_space<hbm>> -> memref<80x128xi32, #tpu.memory_space<hbm>>
      tpu.enqueue_dma source(%dma_start3A_35 : memref<80x128xi32, #tpu.memory_space<hbm>>) target(%arg7 : memref<80x128xi32, #tpu.memory_space<vmem>>) target_semaphore(%run_scoped3A : memref<!tpu.dma_semaphore, #tpu.memory_space<semaphore_mem>>)
      %dma_wait3A = arith.constant 0 : i32
      %dma_wait3A_36 = arith.constant 0 : i32
      %dma_wait3A_37 = tpu.memref_slice %arg3[%add3A, %dma_wait3A, %dma_wait3A_36] : memref<32x80x128xi32, #tpu.memory_space<hbm>> -> memref<1x80x128xi32, #tpu.memory_space<hbm>>
      %dma_wait3A_38 = tpu.memref_squeeze %dma_wait3A_37 : memref<1x80x128xi32, #tpu.memory_space<hbm>> -> memref<80x128xi32, #tpu.memory_space<hbm>>
      %dma_wait3A_39 = arith.constant 0 : i32
      %dma_wait3A_40 = arith.constant 0 : i32
      %dma_wait3A_41 = tpu.memref_slice %arg3[%add3A, %dma_wait3A_39, %dma_wait3A_40] : memref<32x80x128xi32, #tpu.memory_space<hbm>> -> memref<1x80x128xi32, #tpu.memory_space<hbm>>
      %dma_wait3A_42 = tpu.memref_squeeze %dma_wait3A_41 : memref<1x80x128xi32, #tpu.memory_space<hbm>> -> memref<80x128xi32, #tpu.memory_space<hbm>>
      tpu.wait_dma2 semaphore(%run_scoped3A : memref<!tpu.dma_semaphore, #tpu.memory_space<semaphore_mem>>) src(%dma_wait3A_42 : memref<80x128xi32, #tpu.memory_space<hbm>>) dst(%arg7 : memref<80x128xi32, #tpu.memory_space<vmem>>)
      tpu.yield
    }) : () -> ()
    %barrier3A = arith.constant 0 : index
    tpu.barrier barrier_id(%barrier3A)
    %dma_start3A = arith.constant 0 : i32
    %dma_start3A_7 = tpu.memref_slice %arg4[%mul3A_2, %dma_start3A] : memref<2560x128xi32, #tpu.memory_space<hbm>> -> memref<1x128xi32, #tpu.memory_space<hbm>>
    %dma_start3A_8 = tpu.memref_squeeze %dma_start3A_7 : memref<1x128xi32, #tpu.memory_space<hbm>> -> memref<128xi32, #tpu.memory_space<hbm>>
    %dma_start3A_9 = arith.constant 0 : i32
    %dma_start3A_10 = tpu.memref_slice %arg4[%mul3A_2, %dma_start3A_9] : memref<2560x128xi32, #tpu.memory_space<hbm>> -> memref<1x128xi32, #tpu.memory_space<hbm>>
    %dma_start3A_11 = tpu.memref_squeeze %dma_start3A_10 : memref<1x128xi32, #tpu.memory_space<hbm>> -> memref<128xi32, #tpu.memory_space<hbm>>
    tpu.enqueue_dma source(%dma_start3A_11 : memref<128xi32, #tpu.memory_space<hbm>>) target(%arg8 : memref<128xi32, #tpu.memory_space<vmem>>) target_semaphore(%arg15 : memref<!tpu.dma_semaphore, #tpu.memory_space<semaphore_mem>>)
    %dma_start3A_12 = arith.constant 0 : i32
    %dma_start3A_13 = arith.constant 0 : i32
    %dma_start3A_14 = tpu.memref_slice %arg7[%dma_start3A_12, %dma_start3A_13] : memref<80x128xi32, #tpu.memory_space<vmem>> -> memref<1x128xi32, #tpu.memory_space<vmem>>
    %dma_start3A_15 = tpu.memref_squeeze %dma_start3A_14 : memref<1x128xi32, #tpu.memory_space<vmem>> -> memref<128xi32, #tpu.memory_space<vmem>>
    %dma_start3A_16 = arith.constant 0 : i32
    %dma_start3A_17 = arith.constant 0 : i32
    %dma_start3A_18 = tpu.memref_slice %arg2[%dma_start3A_16, %dma_start3A_17] : memref<10240x128xf32, #tpu.memory_space<hbm>> -> memref<10240x128xf32, #tpu.memory_space<hbm>>
    tpu.enqueue_indirect_dma source(%dma_start3A_18 : memref<10240x128xf32, #tpu.memory_space<hbm>>) target(%arg10 : memref<128x128xf32, #tpu.memory_space<vmem>>) offsets(%dma_start3A_15 : memref<128xi32, #tpu.memory_space<vmem>>) semaphore(%arg13 : memref<!tpu.dma_semaphore, #tpu.memory_space<semaphore_mem>>)
    %scan3A = arith.constant 0 : i32
    %scan3A_19 = arith.constant 40 : i32
    %scan3A_20 = arith.addi %scan3A, %scan3A_19 : i32
    %scan3A_21 = arith.constant 1 : i32
    scf.for %scan3A_28 = %scan3A to %scan3A_20 step %scan3A_21  : i32 {
      %mul3A_29 = arith.constant 1 : i32
      %mul3A_30 = arith.muli %scan3A_28, %mul3A_29 : i32
      %add3A_31 = arith.constant 0 : i32
      %add3A_32 = arith.addi %add3A_31, %mul3A_30 : i32
      %mul3A_33 = arith.constant 2 : i32
      %mul3A_34 = arith.muli %mul3A_33, %add3A_32 : i32
      %add3A_35 = arith.constant 1 : i32
      %add3A_36 = arith.addi %mul3A_34, %add3A_35 : i32
      %add3A_37 = arith.addi %mul3A_2, %add3A_36 : i32
      %dma_start3A_38 = arith.constant 0 : i32
      %dma_start3A_39 = tpu.memref_slice %arg4[%add3A_37, %dma_start3A_38] : memref<2560x128xi32, #tpu.memory_space<hbm>> -> memref<1x128xi32, #tpu.memory_space<hbm>>
      %dma_start3A_40 = tpu.memref_squeeze %dma_start3A_39 : memref<1x128xi32, #tpu.memory_space<hbm>> -> memref<128xi32, #tpu.memory_space<hbm>>
      %dma_start3A_41 = arith.constant 0 : i32
      %dma_start3A_42 = tpu.memref_slice %arg4[%add3A_37, %dma_start3A_41] : memref<2560x128xi32, #tpu.memory_space<hbm>> -> memref<1x128xi32, #tpu.memory_space<hbm>>
      %dma_start3A_43 = tpu.memref_squeeze %dma_start3A_42 : memref<1x128xi32, #tpu.memory_space<hbm>> -> memref<128xi32, #tpu.memory_space<hbm>>
      tpu.enqueue_dma source(%dma_start3A_43 : memref<128xi32, #tpu.memory_space<hbm>>) target(%arg9 : memref<128xi32, #tpu.memory_space<vmem>>) target_semaphore(%arg16 : memref<!tpu.dma_semaphore, #tpu.memory_space<semaphore_mem>>)
      %dma_start3A_44 = arith.constant 0 : i32
      %dma_start3A_45 = tpu.memref_slice %arg7[%add3A_36, %dma_start3A_44] : memref<80x128xi32, #tpu.memory_space<vmem>> -> memref<1x128xi32, #tpu.memory_space<vmem>>
      %dma_start3A_46 = tpu.memref_squeeze %dma_start3A_45 : memref<1x128xi32, #tpu.memory_space<vmem>> -> memref<128xi32, #tpu.memory_space<vmem>>
      %dma_start3A_47 = arith.constant 0 : i32
      %dma_start3A_48 = arith.constant 0 : i32
      %dma_start3A_49 = tpu.memref_slice %arg2[%dma_start3A_47, %dma_start3A_48] : memref<10240x128xf32, #tpu.memory_space<hbm>> -> memref<10240x128xf32, #tpu.memory_space<hbm>>
      tpu.enqueue_indirect_dma source(%dma_start3A_49 : memref<10240x128xf32, #tpu.memory_space<hbm>>) target(%arg11 : memref<128x128xf32, #tpu.memory_space<vmem>>) offsets(%dma_start3A_46 : memref<128xi32, #tpu.memory_space<vmem>>) semaphore(%arg14 : memref<!tpu.dma_semaphore, #tpu.memory_space<semaphore_mem>>)
      %dma_wait3A = arith.constant 0 : i32
      %dma_wait3A_50 = arith.constant 0 : i32
      %dma_wait3A_51 = tpu.memref_slice %arg7[%dma_wait3A, %dma_wait3A_50] : memref<80x128xi32, #tpu.memory_space<vmem>> -> memref<1x128xi32, #tpu.memory_space<vmem>>
      %dma_wait3A_52 = tpu.memref_squeeze %dma_wait3A_51 : memref<1x128xi32, #tpu.memory_space<vmem>> -> memref<128xi32, #tpu.memory_space<vmem>>
      %dma_wait3A_53 = arith.constant 0 : i32
      %dma_wait3A_54 = arith.constant 0 : i32
      %dma_wait3A_55 = tpu.memref_slice %arg2[%dma_wait3A_53, %dma_wait3A_54] : memref<10240x128xf32, #tpu.memory_space<hbm>> -> memref<10240x128xf32, #tpu.memory_space<hbm>>
      tpu.wait_indirect_dma semaphore(%arg13 : memref<!tpu.dma_semaphore, #tpu.memory_space<semaphore_mem>>) src(%dma_wait3A_55 : memref<10240x128xf32, #tpu.memory_space<hbm>>) dst(%arg10 : memref<128x128xf32, #tpu.memory_space<vmem>>)
      %dma_wait3A_56 = arith.constant 0 : i32
      %dma_wait3A_57 = tpu.memref_slice %arg4[%mul3A_2, %dma_wait3A_56] : memref<2560x128xi32, #tpu.memory_space<hbm>> -> memref<1x128xi32, #tpu.memory_space<hbm>>
      %dma_wait3A_58 = tpu.memref_squeeze %dma_wait3A_57 : memref<1x128xi32, #tpu.memory_space<hbm>> -> memref<128xi32, #tpu.memory_space<hbm>>
      %dma_wait3A_59 = arith.constant 0 : i32
      %dma_wait3A_60 = tpu.memref_slice %arg4[%mul3A_2, %dma_wait3A_59] : memref<2560x128xi32, #tpu.memory_space<hbm>> -> memref<1x128xi32, #tpu.memory_space<hbm>>
      %dma_wait3A_61 = tpu.memref_squeeze %dma_wait3A_60 : memref<1x128xi32, #tpu.memory_space<hbm>> -> memref<128xi32, #tpu.memory_space<hbm>>
      tpu.wait_dma2 semaphore(%arg15 : memref<!tpu.dma_semaphore, #tpu.memory_space<semaphore_mem>>) src(%dma_wait3A_61 : memref<128xi32, #tpu.memory_space<hbm>>) dst(%arg8 : memref<128xi32, #tpu.memory_space<vmem>>)
      "tpu.region"() ({
        %run_scoped3A = tpu.sem_alloc : memref<!tpu.dma_semaphore, #tpu.memory_space<semaphore_mem>>
        %dma_start3A_77 = arith.constant 0 : i32
        %dma_start3A_78 = arith.constant 0 : i32
        %dma_start3A_79 = tpu.memref_slice %arg12[%dma_start3A_77, %dma_start3A_78] : memref<10240x128xf32, #tpu.memory_space<vmem_shared>> -> memref<10240x128xf32, #tpu.memory_space<vmem_shared>>
        tpu.enqueue_indirect_dma source(%arg10 : memref<128x128xf32, #tpu.memory_space<vmem>>) target(%dma_start3A_79 : memref<10240x128xf32, #tpu.memory_space<vmem_shared>>) offsets(%arg8 : memref<128xi32, #tpu.memory_space<vmem>>) semaphore(%run_scoped3A : memref<!tpu.dma_semaphore, #tpu.memory_space<semaphore_mem>>) {add = true}
        %dma_wait3A_80 = arith.constant 0 : i32
        %dma_wait3A_81 = arith.constant 0 : i32
        %dma_wait3A_82 = tpu.memref_slice %arg12[%dma_wait3A_80, %dma_wait3A_81] : memref<10240x128xf32, #tpu.memory_space<vmem_shared>> -> memref<10240x128xf32, #tpu.memory_space<vmem_shared>>
        tpu.wait_indirect_dma semaphore(%run_scoped3A : memref<!tpu.dma_semaphore, #tpu.memory_space<semaphore_mem>>) src(%arg10 : memref<128x128xf32, #tpu.memory_space<vmem>>) dst(%dma_wait3A_82 : memref<10240x128xf32, #tpu.memory_space<vmem_shared>>)
        tpu.yield
      }) : () -> ()
      %lt3A = arith.constant 39 : i32
      %lt3A_62 = arith.cmpi slt, %add3A_32, %lt3A : i32
      %convert_element_type3A = arith.extui %lt3A_62 : i1 to i32
      %cond3A = arith.constant 0 : i32
      %cond3A_63 = arith.cmpi ne, %convert_element_type3A, %cond3A : i32
      scf.if %cond3A_63 {
        %mul3A_77 = arith.constant 2 : i32
        %mul3A_78 = arith.muli %mul3A_77, %add3A_32 : i32
        %add3A_79 = arith.constant 2 : i32
        %add3A_80 = arith.addi %mul3A_78, %add3A_79 : i32
        %add3A_81 = arith.addi %mul3A_2, %add3A_80 : i32
        %dma_start3A_82 = arith.constant 0 : i32
        %dma_start3A_83 = tpu.memref_slice %arg4[%add3A_81, %dma_start3A_82] : memref<2560x128xi32, #tpu.memory_space<hbm>> -> memref<1x128xi32, #tpu.memory_space<hbm>>
        %dma_start3A_84 = tpu.memref_squeeze %dma_start3A_83 : memref<1x128xi32, #tpu.memory_space<hbm>> -> memref<128xi32, #tpu.memory_space<hbm>>
        %dma_start3A_85 = arith.constant 0 : i32
        %dma_start3A_86 = tpu.memref_slice %arg4[%add3A_81, %dma_start3A_85] : memref<2560x128xi32, #tpu.memory_space<hbm>> -> memref<1x128xi32, #tpu.memory_space<hbm>>
        %dma_start3A_87 = tpu.memref_squeeze %dma_start3A_86 : memref<1x128xi32, #tpu.memory_space<hbm>> -> memref<128xi32, #tpu.memory_space<hbm>>
        tpu.enqueue_dma source(%dma_start3A_87 : memref<128xi32, #tpu.memory_space<hbm>>) target(%arg8 : memref<128xi32, #tpu.memory_space<vmem>>) target_semaphore(%arg15 : memref<!tpu.dma_semaphore, #tpu.memory_space<semaphore_mem>>)
        %dma_start3A_88 = arith.constant 0 : i32
        %dma_start3A_89 = tpu.memref_slice %arg7[%add3A_80, %dma_start3A_88] : memref<80x128xi32, #tpu.memory_space<vmem>> -> memref<1x128xi32, #tpu.memory_space<vmem>>
        %dma_start3A_90 = tpu.memref_squeeze %dma_start3A_89 : memref<1x128xi32, #tpu.memory_space<vmem>> -> memref<128xi32, #tpu.memory_space<vmem>>
        %dma_start3A_91 = arith.constant 0 : i32
        %dma_start3A_92 = arith.constant 0 : i32
        %dma_start3A_93 = tpu.memref_slice %arg2[%dma_start3A_91, %dma_start3A_92] : memref<10240x128xf32, #tpu.memory_space<hbm>> -> memref<10240x128xf32, #tpu.memory_space<hbm>>
        tpu.enqueue_indirect_dma source(%dma_start3A_93 : memref<10240x128xf32, #tpu.memory_space<hbm>>) target(%arg10 : memref<128x128xf32, #tpu.memory_space<vmem>>) offsets(%dma_start3A_90 : memref<128xi32, #tpu.memory_space<vmem>>) semaphore(%arg13 : memref<!tpu.dma_semaphore, #tpu.memory_space<semaphore_mem>>)
      } else {
      }
      %dma_wait3A_64 = arith.constant 0 : i32
      %dma_wait3A_65 = arith.constant 0 : i32
      %dma_wait3A_66 = tpu.memref_slice %arg7[%dma_wait3A_64, %dma_wait3A_65] : memref<80x128xi32, #tpu.memory_space<vmem>> -> memref<1x128xi32, #tpu.memory_space<vmem>>
      %dma_wait3A_67 = tpu.memref_squeeze %dma_wait3A_66 : memref<1x128xi32, #tpu.memory_space<vmem>> -> memref<128xi32, #tpu.memory_space<vmem>>
      %dma_wait3A_68 = arith.constant 0 : i32
      %dma_wait3A_69 = arith.constant 0 : i32
      %dma_wait3A_70 = tpu.memref_slice %arg2[%dma_wait3A_68, %dma_wait3A_69] : memref<10240x128xf32, #tpu.memory_space<hbm>> -> memref<10240x128xf32, #tpu.memory_space<hbm>>
      tpu.wait_indirect_dma semaphore(%arg14 : memref<!tpu.dma_semaphore, #tpu.memory_space<semaphore_mem>>) src(%dma_wait3A_70 : memref<10240x128xf32, #tpu.memory_space<hbm>>) dst(%arg11 : memref<128x128xf32, #tpu.memory_space<vmem>>)
      %dma_wait3A_71 = arith.constant 0 : i32
      %dma_wait3A_72 = tpu.memref_slice %arg4[%mul3A_2, %dma_wait3A_71] : memref<2560x128xi32, #tpu.memory_space<hbm>> -> memref<1x128xi32, #tpu.memory_space<hbm>>
      %dma_wait3A_73 = tpu.memref_squeeze %dma_wait3A_72 : memref<1x128xi32, #tpu.memory_space<hbm>> -> memref<128xi32, #tpu.memory_space<hbm>>
      %dma_wait3A_74 = arith.constant 0 : i32
      %dma_wait3A_75 = tpu.memref_slice %arg4[%mul3A_2, %dma_wait3A_74] : memref<2560x128xi32, #tpu.memory_space<hbm>> -> memref<1x128xi32, #tpu.memory_space<hbm>>
      %dma_wait3A_76 = tpu.memref_squeeze %dma_wait3A_75 : memref<1x128xi32, #tpu.memory_space<hbm>> -> memref<128xi32, #tpu.memory_space<hbm>>
      tpu.wait_dma2 semaphore(%arg16 : memref<!tpu.dma_semaphore, #tpu.memory_space<semaphore_mem>>) src(%dma_wait3A_76 : memref<128xi32, #tpu.memory_space<hbm>>) dst(%arg9 : memref<128xi32, #tpu.memory_space<vmem>>)
      "tpu.region"() ({
        %run_scoped3A = tpu.sem_alloc : memref<!tpu.dma_semaphore, #tpu.memory_space<semaphore_mem>>
        %dma_start3A_77 = arith.constant 0 : i32
        %dma_start3A_78 = arith.constant 0 : i32
        %dma_start3A_79 = tpu.memref_slice %arg12[%dma_start3A_77, %dma_start3A_78] : memref<10240x128xf32, #tpu.memory_space<vmem_shared>> -> memref<10240x128xf32, #tpu.memory_space<vmem_shared>>
        tpu.enqueue_indirect_dma source(%arg11 : memref<128x128xf32, #tpu.memory_space<vmem>>) target(%dma_start3A_79 : memref<10240x128xf32, #tpu.memory_space<vmem_shared>>) offsets(%arg9 : memref<128xi32, #tpu.memory_space<vmem>>) semaphore(%run_scoped3A : memref<!tpu.dma_semaphore, #tpu.memory_space<semaphore_mem>>) {add = true}
        %dma_wait3A_80 = arith.constant 0 : i32
        %dma_wait3A_81 = arith.constant 0 : i32
        %dma_wait3A_82 = tpu.memref_slice %arg12[%dma_wait3A_80, %dma_wait3A_81] : memref<10240x128xf32, #tpu.memory_space<vmem_shared>> -> memref<10240x128xf32, #tpu.memory_space<vmem_shared>>
        tpu.wait_indirect_dma semaphore(%run_scoped3A : memref<!tpu.dma_semaphore, #tpu.memory_space<semaphore_mem>>) src(%arg11 : memref<128x128xf32, #tpu.memory_space<vmem>>) dst(%dma_wait3A_82 : memref<10240x128xf32, #tpu.memory_space<vmem_shared>>)
        tpu.yield
      }) : () -> ()
    }
    %scan3A_22 = arith.constant 40 : i32
    %barrier3A_23 = arith.constant 0 : index
    tpu.barrier barrier_id(%barrier3A_23)
    %mul3A_24 = arith.constant 640 : i32
    %mul3A_25 = arith.muli %arg1, %mul3A_24 : i32
    %mul3A_26 = arith.constant 640 : i32
    %mul3A_27 = arith.muli %arg1, %mul3A_26 : i32
    "tpu.region"() ({
      %run_scoped3A = tpu.sem_alloc : memref<!tpu.dma_semaphore, #tpu.memory_space<semaphore_mem>>
      %dma_start3A_28 = arith.constant 0 : i32
      %dma_start3A_29 = arith.constant 0 : i32
      %dma_start3A_30 = tpu.memref_slice %arg6[%arg0, %dma_start3A_28, %dma_start3A_29] : memref<2x10240x128xf32, #tpu.memory_space<hbm>> -> memref<1x10240x128xf32, #tpu.memory_space<hbm>>
      %dma_start3A_31 = tpu.memref_squeeze %dma_start3A_30 : memref<1x10240x128xf32, #tpu.memory_space<hbm>> -> memref<10240x128xf32, #tpu.memory_space<hbm>>
      %dma_start3A_32 = arith.constant 0 : i32
      %dma_start3A_33 = tpu.memref_slice %dma_start3A_31[%mul3A_27, %dma_start3A_32] : memref<10240x128xf32, #tpu.memory_space<hbm>> -> memref<640x128xf32, #tpu.memory_space<hbm>>
      %dma_start3A_34 = arith.constant 0 : i32
      %dma_start3A_35 = tpu.memref_slice %arg12[%mul3A_25, %dma_start3A_34] : memref<10240x128xf32, #tpu.memory_space<vmem_shared>> -> memref<640x128xf32, #tpu.memory_space<vmem_shared>>
      tpu.enqueue_dma source(%dma_start3A_35 : memref<640x128xf32, #tpu.memory_space<vmem_shared>>) target(%dma_start3A_33 : memref<640x128xf32, #tpu.memory_space<hbm>>) target_semaphore(%run_scoped3A : memref<!tpu.dma_semaphore, #tpu.memory_space<semaphore_mem>>)
      %dma_wait3A = arith.constant 0 : i32
      %dma_wait3A_36 = arith.constant 0 : i32
      %dma_wait3A_37 = tpu.memref_slice %arg6[%arg0, %dma_wait3A, %dma_wait3A_36] : memref<2x10240x128xf32, #tpu.memory_space<hbm>> -> memref<1x10240x128xf32, #tpu.memory_space<hbm>>
      %dma_wait3A_38 = tpu.memref_squeeze %dma_wait3A_37 : memref<1x10240x128xf32, #tpu.memory_space<hbm>> -> memref<10240x128xf32, #tpu.memory_space<hbm>>
      %dma_wait3A_39 = arith.constant 0 : i32
      %dma_wait3A_40 = tpu.memref_slice %dma_wait3A_38[%mul3A_27, %dma_wait3A_39] : memref<10240x128xf32, #tpu.memory_space<hbm>> -> memref<640x128xf32, #tpu.memory_space<hbm>>
      %dma_wait3A_41 = arith.constant 0 : i32
      %dma_wait3A_42 = tpu.memref_slice %arg12[%mul3A_25, %dma_wait3A_41] : memref<10240x128xf32, #tpu.memory_space<vmem_shared>> -> memref<640x128xf32, #tpu.memory_space<vmem_shared>>
      tpu.wait_dma2 semaphore(%run_scoped3A : memref<!tpu.dma_semaphore, #tpu.memory_space<semaphore_mem>>) src(%dma_wait3A_42 : memref<640x128xf32, #tpu.memory_space<vmem_shared>>) dst(%dma_wait3A_40 : memref<640x128xf32, #tpu.memory_space<hbm>>)
      tpu.yield
    }) : () -> ()
    return
  }
}

module attributes {stable_mosaic.version = 14 : i64} {
  func.func @_t0_body(%arg0: i32, %arg1: memref<640x128xf32, #tpu.memory_space<vmem>>, %arg2: memref<128x128xf32, #tpu.memory_space<vmem>>, %arg3: memref<640x1xf32, #tpu.memory_space<vmem>>, %arg4: memref<640x128xf32, #tpu.memory_space<vmem>>) attributes {dimension_semantics = [#tpu.dimension_semantics<arbitrary>], iteration_bounds = array<i64: 16>, scalar_prefetch = 0 : i64, scratch_operands = 0 : i64, tpu.core_type = #tpu.core_type<tc>, window_params = [{transform_indices = @transform_0, window_bounds = array<i64: 640, 128>}, {pipeline_mode = #tpu.pipeline_mode<synchronous>, transform_indices = @transform_1, window_bounds = array<i64: 128, 128>}, {transform_indices = @transform_2, window_bounds = array<i64: 640, 1>}, {transform_indices = @transform_3, window_bounds = array<i64: 640, 128>}]} {
    %get3A = arith.constant 0 : index
    %get3A_0 = arith.constant 0 : index
    %get3A_1 = vector.load %arg3[%get3A, %get3A_0] : memref<640x1xf32, #tpu.memory_space<vmem>>, vector<640x1xf32>
    %max3A = arith.constant 1.000000e+00 : f32
    %max3A_2 = vector.broadcast %max3A : f32 to vector<640x1xf32>
    %max3A_3 = arith.maximumf %get3A_1, %max3A_2 : vector<640x1xf32>
    %rsqrt3A = math.rsqrt %max3A_3 : vector<640x1xf32>
    %get3A_4 = arith.constant 0 : index
    %get3A_5 = arith.constant 0 : index
    %get3A_6 = vector.load %arg1[%get3A_4, %get3A_5] : memref<640x128xf32, #tpu.memory_space<vmem>>, vector<640x128xf32>
    %get3A_7 = arith.constant 0 : index
    %get3A_8 = arith.constant 0 : index
    %get3A_9 = vector.load %arg2[%get3A_7, %get3A_8] : memref<128x128xf32, #tpu.memory_space<vmem>>, vector<128x128xf32>
    %dot_general3A = arith.constant dense<0.000000e+00> : vector<640x128xf32>
    %dot_general3A_10 = tpu.matmul %get3A_6, %get3A_9, %dot_general3A {dimension_numbers = #tpu.dot_dimension_numbers<[1], [0], [0], [1], [0, 0, 1, 1], [], []>, transpose_lhs_hint = false} : vector<640x128xf32>, vector<128x128xf32>, vector<640x128xf32> -> vector<640x128xf32>
    %mul3A = vector.broadcast %rsqrt3A : vector<640x1xf32> to vector<640x128xf32>
    %mul3A_11 = arith.mulf %dot_general3A_10, %mul3A : vector<640x128xf32>
    %swap3A = arith.constant 0 : index
    %swap3A_12 = arith.constant 0 : index
    %swap3A_13 = vector.load %arg4[%swap3A, %swap3A_12] : memref<640x128xf32, #tpu.memory_space<vmem>>, vector<640x128xf32>
    tpu.vector_store %arg4[%swap3A, %swap3A_12], %mul3A_11 {strides = array<i32>} : memref<640x128xf32, #tpu.memory_space<vmem>>, vector<640x128xf32>,
    return
  }
  func.func @transform_0(%arg0: i32) -> (i32, i32) {
    %c0_i32 = arith.constant 0 : i32
    %c0_i32_0 = arith.constant 0 : i32
    return %arg0, %c0_i32 : i32, i32
  }
  func.func @transform_1(%arg0: i32) -> (i32, i32) {
    %c0_i32 = arith.constant 0 : i32
    %c0_i32_0 = arith.constant 0 : i32
    %c0_i32_1 = arith.constant 0 : i32
    return %c0_i32, %c0_i32_0 : i32, i32
  }
  func.func @transform_2(%arg0: i32) -> (i32, i32) {
    %c0_i32 = arith.constant 0 : i32
    %c0_i32_0 = arith.constant 0 : i32
    return %arg0, %c0_i32 : i32, i32
  }
  func.func @transform_3(%arg0: i32) -> (i32, i32) {
    %c0_i32 = arith.constant 0 : i32
    %c0_i32_0 = arith.constant 0 : i32
    return %arg0, %c0_i32 : i32, i32
  }
}

module attributes {stable_mosaic.version = 14 : i64} {
  func.func @_mid_body(%arg0: i32, %arg1: memref<640x128xf32, #tpu.memory_space<vmem>>, %arg2: memref<640x128xf32, #tpu.memory_space<vmem>>, %arg3: memref<640x1xf32, #tpu.memory_space<vmem>>, %arg4: memref<640x1xf32, #tpu.memory_space<vmem>>, %arg5: memref<128x128xf32, #tpu.memory_space<vmem>>, %arg6: memref<1x128xf32, #tpu.memory_space<vmem>>, %arg7: memref<640x128xf32, #tpu.memory_space<vmem>>) attributes {dimension_semantics = [#tpu.dimension_semantics<arbitrary>], iteration_bounds = array<i64: 16>, scalar_prefetch = 0 : i64, scratch_operands = 0 : i64, tpu.core_type = #tpu.core_type<tc>, window_params = [{transform_indices = @transform_0, window_bounds = array<i64: 640, 128>}, {transform_indices = @transform_1, window_bounds = array<i64: 640, 128>}, {transform_indices = @transform_2, window_bounds = array<i64: 640, 1>}, {transform_indices = @transform_3, window_bounds = array<i64: 640, 1>}, {pipeline_mode = #tpu.pipeline_mode<synchronous>, transform_indices = @transform_4, window_bounds = array<i64: 128, 128>}, {pipeline_mode = #tpu.pipeline_mode<synchronous>, transform_indices = @transform_5, window_bounds = array<i64: 1, 128>}, {transform_indices = @transform_6, window_bounds = array<i64: 640, 128>}]} {
    %get3A = arith.constant 0 : index
    %get3A_0 = arith.constant 0 : index
    %get3A_1 = vector.load %arg3[%get3A, %get3A_0] : memref<640x1xf32, #tpu.memory_space<vmem>>, vector<640x1xf32>
    %max3A = arith.constant 1.000000e+00 : f32
    %max3A_2 = vector.broadcast %max3A : f32 to vector<640x1xf32>
    %max3A_3 = arith.maximumf %get3A_1, %max3A_2 : vector<640x1xf32>
    %rsqrt3A = math.rsqrt %max3A_3 : vector<640x1xf32>
    %get3A_4 = arith.constant 0 : index
    %get3A_5 = arith.constant 0 : index
    %get3A_6 = vector.load %arg1[%get3A_4, %get3A_5] : memref<640x128xf32, #tpu.memory_space<vmem>>, vector<640x128xf32>
    %get3A_7 = arith.constant 0 : index
    %get3A_8 = arith.constant 0 : index
    %get3A_9 = vector.load %arg2[%get3A_7, %get3A_8] : memref<640x128xf32, #tpu.memory_space<vmem>>, vector<640x128xf32>
    %add3A = arith.addf %get3A_6, %get3A_9 : vector<640x128xf32>
    %mul3A = vector.broadcast %rsqrt3A : vector<640x1xf32> to vector<640x128xf32>
    %mul3A_10 = arith.mulf %add3A, %mul3A : vector<640x128xf32>
    %get3A_11 = arith.constant 0 : index
    %get3A_12 = arith.constant 0 : index
    %get3A_13 = vector.load %arg6[%get3A_11, %get3A_12] : memref<1x128xf32, #tpu.memory_space<vmem>>, vector<1x128xf32>
    %add3A_14 = vector.broadcast %get3A_13 : vector<1x128xf32> to vector<640x128xf32>
    %add3A_15 = arith.addf %mul3A_10, %add3A_14 : vector<640x128xf32>
    %max3A_16 = arith.constant 0.000000e+00 : f32
    %max3A_17 = vector.broadcast %max3A_16 : f32 to vector<640x128xf32>
    %max3A_18 = arith.maximumf %add3A_15, %max3A_17 : vector<640x128xf32>
    %get3A_19 = arith.constant 0 : index
    %get3A_20 = arith.constant 0 : index
    %get3A_21 = vector.load %arg4[%get3A_19, %get3A_20] : memref<640x1xf32, #tpu.memory_space<vmem>>, vector<640x1xf32>
    %max3A_22 = arith.constant 1.000000e+00 : f32
    %max3A_23 = vector.broadcast %max3A_22 : f32 to vector<640x1xf32>
    %max3A_24 = arith.maximumf %get3A_21, %max3A_23 : vector<640x1xf32>
    %rsqrt3A_25 = math.rsqrt %max3A_24 : vector<640x1xf32>
    %get3A_26 = arith.constant 0 : index
    %get3A_27 = arith.constant 0 : index
    %get3A_28 = vector.load %arg5[%get3A_26, %get3A_27] : memref<128x128xf32, #tpu.memory_space<vmem>>, vector<128x128xf32>
    %dot_general3A = arith.constant dense<0.000000e+00> : vector<640x128xf32>
    %dot_general3A_29 = tpu.matmul %max3A_18, %get3A_28, %dot_general3A {dimension_numbers = #tpu.dot_dimension_numbers<[1], [0], [0], [1], [0, 0, 1, 1], [], []>, transpose_lhs_hint = false} : vector<640x128xf32>, vector<128x128xf32>, vector<640x128xf32> -> vector<640x128xf32>
    %mul3A_30 = vector.broadcast %rsqrt3A_25 : vector<640x1xf32> to vector<640x128xf32>
    %mul3A_31 = arith.mulf %dot_general3A_29, %mul3A_30 : vector<640x128xf32>
    %swap3A = arith.constant 0 : index
    %swap3A_32 = arith.constant 0 : index
    %swap3A_33 = vector.load %arg7[%swap3A, %swap3A_32] : memref<640x128xf32, #tpu.memory_space<vmem>>, vector<640x128xf32>
    tpu.vector_store %arg7[%swap3A, %swap3A_32], %mul3A_31 {strides = array<i32>} : memref<640x128xf32, #tpu.memory_space<vmem>>, vector<640x128xf32>,
    return
  }
  func.func @transform_0(%arg0: i32) -> (i32, i32) {
    %c0_i32 = arith.constant 0 : i32
    %c0_i32_0 = arith.constant 0 : i32
    return %arg0, %c0_i32 : i32, i32
  }
  func.func @transform_1(%arg0: i32) -> (i32, i32) {
    %c0_i32 = arith.constant 0 : i32
    %c0_i32_0 = arith.constant 0 : i32
    return %arg0, %c0_i32 : i32, i32
  }
  func.func @transform_2(%arg0: i32) -> (i32, i32) {
    %c0_i32 = arith.constant 0 : i32
    %c0_i32_0 = arith.constant 0 : i32
    return %arg0, %c0_i32 : i32, i32
  }
  func.func @transform_3(%arg0: i32) -> (i32, i32) {
    %c0_i32 = arith.constant 0 : i32
    %c0_i32_0 = arith.constant 0 : i32
    return %arg0, %c0_i32 : i32, i32
  }
  func.func @transform_4(%arg0: i32) -> (i32, i32) {
    %c0_i32 = arith.constant 0 : i32
    %c0_i32_0 = arith.constant 0 : i32
    %c0_i32_1 = arith.constant 0 : i32
    return %c0_i32, %c0_i32_0 : i32, i32
  }
  func.func @transform_5(%arg0: i32) -> (i32, i32) {
    %c0_i32 = arith.constant 0 : i32
    %c0_i32_0 = arith.constant 0 : i32
    %c0_i32_1 = arith.constant 0 : i32
    return %c0_i32, %c0_i32_0 : i32, i32
  }
  func.func @transform_6(%arg0: i32) -> (i32, i32) {
    %c0_i32 = arith.constant 0 : i32
    %c0_i32_0 = arith.constant 0 : i32
    return %arg0, %c0_i32 : i32, i32
  }
}

module attributes {stable_mosaic.version = 14 : i64} {
  func.func @_final_body(%arg0: i32, %arg1: memref<640x128xf32, #tpu.memory_space<vmem>>, %arg2: memref<640x128xf32, #tpu.memory_space<vmem>>, %arg3: memref<640x1xf32, #tpu.memory_space<vmem>>, %arg4: memref<1x128xf32, #tpu.memory_space<vmem>>, %arg5: memref<128x10xf32, #tpu.memory_space<vmem>>, %arg6: memref<1x10xf32, #tpu.memory_space<vmem>>, %arg7: memref<1x10xf32, #tpu.memory_space<vmem>>, %arg8: memref<1x128xf32, #tpu.memory_space<vmem>>) attributes {dimension_semantics = [#tpu.dimension_semantics<arbitrary>], iteration_bounds = array<i64: 16>, scalar_prefetch = 0 : i64, scratch_operands = 1 : i64, tpu.core_type = #tpu.core_type<tc>, window_params = [{transform_indices = @transform_0, window_bounds = array<i64: 640, 128>}, {transform_indices = @transform_1, window_bounds = array<i64: 640, 128>}, {transform_indices = @transform_2, window_bounds = array<i64: 640, 1>}, {pipeline_mode = #tpu.pipeline_mode<synchronous>, transform_indices = @transform_3, window_bounds = array<i64: 1, 128>}, {pipeline_mode = #tpu.pipeline_mode<synchronous>, transform_indices = @transform_4, window_bounds = array<i64: 128, 10>}, {pipeline_mode = #tpu.pipeline_mode<synchronous>, transform_indices = @transform_5, window_bounds = array<i64: 1, 10>}, {pipeline_mode = #tpu.pipeline_mode<synchronous>, transform_indices = @transform_6, window_bounds = array<i64: 1, 10>}]} {
    %eq3A = arith.constant 0 : i32
    %eq3A_0 = arith.cmpi eq, %arg0, %eq3A : i32
    %convert_element_type3A = arith.extui %eq3A_0 : i1 to i32
    %cond3A = arith.constant 0 : i32
    %cond3A_1 = arith.cmpi ne, %convert_element_type3A, %cond3A : i32
    scf.if %cond3A_1 {
      %broadcast_in_dim3A_42 = arith.constant 0.000000e+00 : f32
      %broadcast_in_dim3A_43 = vector.broadcast %broadcast_in_dim3A_42 : f32 to vector<1x128xf32>
      %swap3A_44 = arith.constant 0 : index
      %swap3A_45 = arith.constant 0 : index
      %swap3A_46 = vector.load %arg8[%swap3A_44, %swap3A_45] : memref<1x128xf32, #tpu.memory_space<vmem>>, vector<1x128xf32>
      tpu.vector_store %arg8[%swap3A_44, %swap3A_45], %broadcast_in_dim3A_43 {strides = array<i32>} : memref<1x128xf32, #tpu.memory_space<vmem>>, vector<1x128xf32>,
    } else {
    }
    %get3A = arith.constant 0 : index
    %get3A_2 = arith.constant 0 : index
    %get3A_3 = vector.load %arg3[%get3A, %get3A_2] : memref<640x1xf32, #tpu.memory_space<vmem>>, vector<640x1xf32>
    %max3A = arith.constant 1.000000e+00 : f32
    %max3A_4 = vector.broadcast %max3A : f32 to vector<640x1xf32>
    %max3A_5 = arith.maximumf %get3A_3, %max3A_4 : vector<640x1xf32>
    %rsqrt3A = math.rsqrt %max3A_5 : vector<640x1xf32>
    %get3A_6 = arith.constant 0 : index
    %get3A_7 = arith.constant 0 : index
    %get3A_8 = vector.load %arg1[%get3A_6, %get3A_7] : memref<640x128xf32, #tpu.memory_space<vmem>>, vector<640x128xf32>
    %get3A_9 = arith.constant 0 : index
    %get3A_10 = arith.constant 0 : index
    %get3A_11 = vector.load %arg2[%get3A_9, %get3A_10] : memref<640x128xf32, #tpu.memory_space<vmem>>, vector<640x128xf32>
    %add3A = arith.addf %get3A_8, %get3A_11 : vector<640x128xf32>
    %mul3A = vector.broadcast %rsqrt3A : vector<640x1xf32> to vector<640x128xf32>
    %mul3A_12 = arith.mulf %add3A, %mul3A : vector<640x128xf32>
    %get3A_13 = arith.constant 0 : index
    %get3A_14 = arith.constant 0 : index
    %get3A_15 = vector.load %arg4[%get3A_13, %get3A_14] : memref<1x128xf32, #tpu.memory_space<vmem>>, vector<1x128xf32>
    %add3A_16 = vector.broadcast %get3A_15 : vector<1x128xf32> to vector<640x128xf32>
    %add3A_17 = arith.addf %mul3A_12, %add3A_16 : vector<640x128xf32>
    %max3A_18 = arith.constant 0.000000e+00 : f32
    %max3A_19 = vector.broadcast %max3A_18 : f32 to vector<640x128xf32>
    %max3A_20 = arith.maximumf %add3A_17, %max3A_19 : vector<640x128xf32>
    %mul3A_21 = arith.constant 640 : i32
    %mul3A_22 = arith.muli %arg0, %mul3A_21 : i32
    %iota3A = tpu.iota {dimensions = array<i32: 0>} : vector<640x1xi32>
    %add3A_23 = vector.broadcast %mul3A_22 : i32 to vector<640x1xi32>
    %add3A_24 = arith.addi %add3A_23, %iota3A : vector<640x1xi32>
    %lt3A = arith.constant 10000 : i32
    %lt3A_25 = vector.broadcast %lt3A : i32 to vector<640x1xi32>
    %lt3A_26 = arith.cmpi slt, %add3A_24, %lt3A_25 : vector<640x1xi32>
    %jit3A = arith.constant 0.000000e+00 : f32
    %broadcast_in_dim3A = vector.shape_cast %lt3A_26 : vector<640x1xi1> to vector<640x1xi1>
    %broadcast_in_dim3A_27 = vector.broadcast %broadcast_in_dim3A : vector<640x1xi1> to vector<640x128xi1>
    %broadcast_in_dim3A_28 = vector.broadcast %jit3A : f32 to vector<640x128xf32>
    %select_n3A = arith.select %broadcast_in_dim3A_27, %max3A_20, %broadcast_in_dim3A_28 : vector<640x128xi1>, vector<640x128xf32>
    %get3A_29 = arith.constant 0 : index
    %get3A_30 = arith.constant 0 : index
    %get3A_31 = vector.load %arg8[%get3A_29, %get3A_30] : memref<1x128xf32, #tpu.memory_space<vmem>>, vector<1x128xf32>
    %reduce_sum3A = arith.constant dense<0.000000e+00> : vector<128xf32>
    %reduce_sum3A_32 = vector.multi_reduction <add>, %select_n3A, %reduce_sum3A [0] : vector<640x128xf32> to vector<128xf32>
    %broadcast_in_dim3A_33 = vector.shape_cast %reduce_sum3A_32 : vector<128xf32> to vector<1x128xf32>
    %add3A_34 = arith.addf %get3A_31, %broadcast_in_dim3A_33 : vector<1x128xf32>
    %swap3A = arith.constant 0 : index
    %swap3A_35 = arith.constant 0 : index
    %swap3A_36 = vector.load %arg8[%swap3A, %swap3A_35] : memref<1x128xf32, #tpu.memory_space<vmem>>, vector<1x128xf32>
    tpu.vector_store %arg8[%swap3A, %swap3A_35], %add3A_34 {strides = array<i32>} : memref<1x128xf32, #tpu.memory_space<vmem>>, vector<1x128xf32>,
    %eq3A_37 = arith.constant 15 : i32
    %eq3A_38 = arith.cmpi eq, %arg0, %eq3A_37 : i32
    %convert_element_type3A_39 = arith.extui %eq3A_38 : i1 to i32
    %cond3A_40 = arith.constant 0 : i32
    %cond3A_41 = arith.cmpi ne, %convert_element_type3A_39, %cond3A_40 : i32
    scf.if %cond3A_41 {
      %get3A_42 = arith.constant 0 : index
      %get3A_43 = arith.constant 0 : index
      %get3A_44 = vector.load %arg8[%get3A_42, %get3A_43] : memref<1x128xf32, #tpu.memory_space<vmem>>, vector<1x128xf32>
      %mul3A_45 = arith.constant 9.99999974E-5 : f32
      %mul3A_46 = vector.broadcast %mul3A_45 : f32 to vector<1x128xf32>
      %mul3A_47 = arith.mulf %get3A_44, %mul3A_46 : vector<1x128xf32>
      %get3A_48 = arith.constant 0 : index
      %get3A_49 = arith.constant 0 : index
      %get3A_50 = vector.load %arg5[%get3A_48, %get3A_49] : memref<128x10xf32, #tpu.memory_space<vmem>>, vector<128x10xf32>
      %dot_general3A = arith.constant dense<0.000000e+00> : vector<1x10xf32>
      %dot_general3A_51 = tpu.matmul %mul3A_47, %get3A_50, %dot_general3A {dimension_numbers = #tpu.dot_dimension_numbers<[1], [0], [0], [1], [0, 0, 1, 1], [], []>, transpose_lhs_hint = false} : vector<1x128xf32>, vector<128x10xf32>, vector<1x10xf32> -> vector<1x10xf32>
      %get3A_52 = arith.constant 0 : index
      %get3A_53 = arith.constant 0 : index
      %get3A_54 = vector.load %arg6[%get3A_52, %get3A_53] : memref<1x10xf32, #tpu.memory_space<vmem>>, vector<1x10xf32>
      %add3A_55 = arith.addf %dot_general3A_51, %get3A_54 : vector<1x10xf32>
      %swap3A_56 = arith.constant 0 : index
      %swap3A_57 = arith.constant 0 : index
      %swap3A_58 = vector.load %arg7[%swap3A_56, %swap3A_57] : memref<1x10xf32, #tpu.memory_space<vmem>>, vector<1x10xf32>
      tpu.vector_store %arg7[%swap3A_56, %swap3A_57], %add3A_55 {strides = array<i32>} : memref<1x10xf32, #tpu.memory_space<vmem>>, vector<1x10xf32>,
    } else {
    }
    return
  }
  func.func @transform_0(%arg0: i32) -> (i32, i32) {
    %c0_i32 = arith.constant 0 : i32
    %c0_i32_0 = arith.constant 0 : i32
    return %arg0, %c0_i32 : i32, i32
  }
  func.func @transform_1(%arg0: i32) -> (i32, i32) {
    %c0_i32 = arith.constant 0 : i32
    %c0_i32_0 = arith.constant 0 : i32
    return %arg0, %c0_i32 : i32, i32
  }
  func.func @transform_2(%arg0: i32) -> (i32, i32) {
    %c0_i32 = arith.constant 0 : i32
    %c0_i32_0 = arith.constant 0 : i32
    return %arg0, %c0_i32 : i32, i32
  }
  func.func @transform_3(%arg0: i32) -> (i32, i32) {
    %c0_i32 = arith.constant 0 : i32
    %c0_i32_0 = arith.constant 0 : i32
    %c0_i32_1 = arith.constant 0 : i32
    return %c0_i32, %c0_i32_0 : i32, i32
  }
  func.func @transform_4(%arg0: i32) -> (i32, i32) {
    %c0_i32 = arith.constant 0 : i32
    %c0_i32_0 = arith.constant 0 : i32
    %c0_i32_1 = arith.constant 0 : i32
    return %c0_i32, %c0_i32_0 : i32, i32
  }
  func.func @transform_5(%arg0: i32) -> (i32, i32) {
    %c0_i32 = arith.constant 0 : i32
    %c0_i32_0 = arith.constant 0 : i32
    %c0_i32_1 = arith.constant 0 : i32
    return %c0_i32, %c0_i32_0 : i32, i32
  }
  func.func @transform_6(%arg0: i32) -> (i32, i32) {
    %c0_i32 = arith.constant 0 : i32
    %c0_i32_0 = arith.constant 0 : i32
    %c0_i32_1 = arith.constant 0 : i32
    return %c0_i32, %c0_i32_0 : i32, i32
  }
}

</mosaic_0001>

<sc_bundles>
// kernel: kernel.10.cloned.1.call-start
scs
__scs_entry_jumppad:
0x0: {  	(pc) =	sbr.rel $0x88, $3  }
0x1: {  	(tag) =	ssettag $0x0;
	lr =	simm.s32 $0x1  }
0x2: {  	[smem:$0x3F97] =	sst lr;
	_ =	strace $0xD0000000  }
0x3: {  	_ = 	snop  }
0x4: {  	_ = 	snop  }
0x5: {  	_ = 	snop  }
0x6: {  	_ = 	snop  }
0x7: {  	_ = 	snop  }
__scs_overlays_trampoline_lowered:
0x8: {  	[smem:$0x3FA6] =	sst s0  }
0x9: {  	[smem:$0x3FA7] =	sst s1  }
0xa: {  	[smem:$0x3FA8] =	sst s2  }
0xb: {  	[smem:$0x3FA9] =	sst s3  }
0xc: {  	[smem:$0x3FAA] =	sst s4  }
0xd: {  	[smem:$0x3FAB] =	sst s5  }
0xe: {  	[smem:$0x3FAC] =	sst s6  }
0xf: {  	[smem:$0x3FAD] =	sst s7  }
0x10: {  	[smem:$0x3FAE] =	sst s8  }
0x11: {  	[smem:$0x3FAF] =	sst s9;
	s0 =	simm.s32 @!p0 $0x0  }
0x12: {  	s1 =	sld [smem:$0x3F95];
	s0 =	simm.s32 @p0 $0x1  }
0x13: {  	[smem:$0x3FB0] =	sst s0;
	s0 =	simm.s32 @!p1 $0x0  }
0x14: {  	s2 =	sld [smem:$0x3F94];
	s0 =	simm.s32 @p1 $0x1  }
0x15: {  	[smem:$0x3FB1] =	sst s0;
	s0 =	simm.s32 @!p2 $0x0  }
0x16: {  	s3 =	sld [smem:$0x3FDB];
	s0 =	simm.s32 @p2 $0x1  }
0x17: {  	s4 =	simm.s32 $0x1BF5;
	[smem:$0x3FB3] =	sst s0  }
0x18: {  	s0 =	sld [smem:$0x3F96];
	_ =	swait.ge [sflag:s4], $0x0  }
0x19: {  	s7 =	sld [smem:$0x3F97]  }
0x1a: {  	s8 =	sadd.s32 $0xFFFFE003, lr  }
0x1b: {  	s9 =	sadd.s32 $0xFFFFFEF7, lr;
	s5 =	simm.s32 $0xFFFFFFFF;
	p2 =	slt.u32 s8, $0xFFFFF086  }
0x1c: {  	p1 =	slt.u32 s9, $0xF7A;
	s5 =	simm.s32 @!p2 $0x0  }
0x1d: {  	s5 =	simm.s32 @p1 $0x1;
	p0 =	seq.s32 s7, s2  }
0x1e: {  	s7 =	smul.u32 @!p0 $0xF7A, s2;
	p2 =	seq.s32 @!p0 s5, $0x0  }
0x1f: {  	s9 =	smul.u32 $0xF7A, s1;
	s8 =	simm.s32 @!p0 $0x1BF5;
	p2 =	por !p2, p0  }
0x20: {  	[sflag:s8] =	ssyncset.s32 @!p0 $0xFFFFF086;
	s6 =	sadd.s32 @!p0 s3, s7;
	s7 =	simm.s32 @!p0 $0x108  }
0x21: {  	s3 =	sadd.s32 s3, s9;
	s6 =	sadd.s32 @!p0 $0x88, s6;
	s7 =	simm.s32 @p2 $0x1082  }
0x22: {  	[simem:s7], [sflag:s8] =	dma.local @!p0 [hbm:s6], $0xF7A  }
0x23: {  	s9 =	sor.u32 $0xD0000000, s2;
	s6 =	simm.s32 $0x108;
	_ =	swait.ge @!p0 [sflag:s8], $0x0  }
0x24: {  	s3 =	sadd.s32 $0x88, s3;
	s6 =	simm.s32 @!p1 $0x1082;
	[sflag:s4] =	ssyncset.s32 $0xFFFFF086  }
0x25: {  	[simem:s6], [sflag:s4] =	dma.local [hbm:s3], $0xF7A  }
0x26: {  	[smem:$0x3F97] =	sst s1;
	(tag) =	ssettag s2;
	_ =	strace s9  }
0x27: {  	s1 =	sld [smem:$0x3FA7]  }
0x28: {  	s2 =	sld [smem:$0x3FA8]  }
0x29: {  	s4 =	sld [smem:$0x3FAA]  }
0x2a: {  	p0 =	seq.s32 s5, $0x0;
	s5 =	sld [smem:$0x3FAB]  }
0x2b: {  	s6 =	sld [smem:$0x3FAC]  }
0x2c: {  	s7 =	sld [smem:$0x3FAD]  }
0x2d: {  	s3 =	simm.s32 $0x108;
	s8 =	sld [smem:$0x3FAE]  }
0x2e: {  	s3 =	simm.s32 @!p0 $0x1082;
	s9 =	sld [smem:$0x3FAF]  }
0x2f: {  	lr =	sadd.s32 s0, s3;
	s0 =	sld [smem:$0x3FA6]  }
0x30: {  	s3 =	sld [smem:$0x3FA9]  }
0x31: {  	[smem:$0x3FB2] =	sst s10  }
0x32: {  	s10 =	sld [smem:$0x3FB0];
	_ =	sdelay $0x3  }
0x33: {  	p0 =	seq.s32 s10, $0x1;
	s10 =	sld [smem:$0x3FB2];
	_ =	sdelay $0x3  }
0x34: {  	[smem:$0x3FB2] =	sst s10  }
0x35: {  	s10 =	sld [smem:$0x3FB1];
	_ =	sdelay $0x3  }
0x36: {  	p1 =	seq.s32 s10, $0x1;
	s10 =	sld [smem:$0x3FB2];
	_ =	sdelay $0x3  }
0x37: {  	[smem:$0x3FB2] =	sst s10  }
0x38: {  	s10 =	sld [smem:$0x3FB3]  }
0x39: {  	_ = 	snop;
	(pc) =	sbr.ind lr, $3  }
0x3a: {  	_ = 	snop  }
0x3b: {  	_ = 	snop  }
0x3c: {  	p2 =	seq.s32 s10, $0x1;
	s10 =	sld [smem:$0x3FB2]  }
0x3d: {  	_ =	shalt  }
0x3e: {  	_ =	shalt  }
0x3f: {  	_ =	shalt  }
0x40: {  	_ =	shalt  }
0x41: {  	_ =	shalt  }
0x42: {  	_ =	shalt  }
0x43: {  	_ =	shalt  }
0x44: {  	_ =	shalt  }
0x45: {  	_ =	shalt  }
0x46: {  	_ =	shalt  }
0x47: {  	_ =	shalt  }
0x48: {  	_ =	shalt  }
0x49: {  	_ =	shalt  }
0x4a: {  	_ =	shalt  }
0x4b: {  	_ =	shalt  }
0x4c: {  	_ =	shalt  }
0x4d: {  	_ =	shalt  }
0x4e: {  	_ =	shalt  }
0x4f: {  	_ =	shalt  }
0x50: {  	_ =	shalt  }
0x51: {  	_ =	shalt  }
0x52: {  	_ =	shalt  }
0x53: {  	_ =	shalt  }
0x54: {  	_ =	shalt  }
0x55: {  	_ =	shalt  }
0x56: {  	_ =	shalt  }
0x57: {  	_ =	shalt  }
0x58: {  	_ =	shalt  }
0x59: {  	_ =	shalt  }
0x5a: {  	_ =	shalt  }
0x5b: {  	_ =	shalt  }
0x5c: {  	_ =	shalt  }
0x5d: {  	_ =	shalt  }
0x5e: {  	_ =	shalt  }
0x5f: {  	_ =	shalt  }
0x60: {  	_ =	shalt  }
0x61: {  	_ =	shalt  }
0x62: {  	_ =	shalt  }
0x63: {  	_ =	shalt  }
0x64: {  	_ =	shalt  }
0x65: {  	_ =	shalt  }
0x66: {  	_ =	shalt  }
0x67: {  	_ =	shalt  }
0x68: {  	_ =	shalt  }
0x69: {  	_ =	shalt  }
0x6a: {  	_ =	shalt  }
0x6b: {  	_ =	shalt  }
0x6c: {  	_ =	shalt  }
0x6d: {  	_ =	shalt  }
0x6e: {  	_ =	shalt  }
0x6f: {  	_ =	shalt  }
0x70: {  	_ =	shalt  }
0x71: {  	_ =	shalt  }
0x72: {  	_ =	shalt  }
0x73: {  	_ =	shalt  }
0x74: {  	_ =	shalt  }
0x75: {  	_ =	shalt  }
0x76: {  	_ =	shalt  }
0x77: {  	_ =	shalt  }
0x78: {  	_ =	shalt  }
0x79: {  	_ =	shalt  }
0x7a: {  	_ =	shalt  }
0x7b: {  	_ =	shalt  }
0x7c: {  	_ =	shalt  }
0x7d: {  	_ =	shalt  }
0x7e: {  	_ =	shalt  }
0x7f: {  	_ =	shalt  }
0x80: {  	_ =	shalt  }
0x81: {  	_ =	shalt  }
0x82: {  	_ =	shalt  }
0x83: {  	_ =	shalt  }
0x84: {  	_ =	shalt  }
0x85: {  	_ =	shalt  }
0x86: {  	_ =	shalt  }
0x87: {  	_ =	shalt  }
.Lfunc_end0:
.L_simem_size_0:
called_computation_lowered:
.L_overlay_start_0:
0x88: {  	s2 =	sld [smem:$0x3FD9]  }
0x89: {  	s3 =	sld [smem:$0x3FFE];
	_ =	sdelay $0x1  }
0x8a: {  	s1 =	srdreg.scid  }
0x8b: {  	s0 =	sand.u32 $0x1, s1  }
0x8c: {  	s16 =	sshll.u32 s0, $0xA;
	s2 =	sadd.s32 s3, s2  }
0x8d: {  	s2 =	sadd.s32 s2, s16  }
0x8e: {  	[smem:$0x3FBE] =	sst s2  }
0x8f: {  	_ = 	snop  }
0x90: {  	(tm) =	ssettm $0x1  }
0x91: {  	s17 =	sld [smem:$0x3FFB];
	_ =	sdelay $0x3  }
0x92: {  	_ =	strace s17  }
0x93: {  	s2 =	sld [smem:$0x3FFC];
	_ =	sdelay $0x3  }
0x94: {  	_ =	strace s2  }
0x95: {  	s2 =	sld [smem:$0x3FFD];
	_ =	sdelay $0x3  }
0x96: {  	_ =	strace s2  }
0x97: {  	_ =	strace $0x8FFFFFFF  }
0x98: {  	s18 =	sld [smem:$0x3FDB];
	_ =	sdelay $0x1  }
0x99: {  	s19 =	simm.s32 $_scs_section_size  }
0x9a: {  	s4 =	simm.s32 $_size__tile_overlayer_lowered;
	s5 =	simm.s32 $_tile_overlayer_lowered  }
0x9b: {  	s22 =	simm.s32 $0x1BFF;
	s21 =	sshll.u32 s5, $0x1;
	s2 =	sadd.s32 s19, s18  }
0x9c: {  	s6 =	simm.s32 $0x0;
	s20 =	sshll.u32 s4, $0x1;
	s4 =	sadd.s32 s21, s2  }
0x9d: {  	[timem:s6], [sflag:s22] =	dma.local [hbm:s4], s20  }
0x9e: {  	_ =	swait.ge [sflag:s22], s20  }
0x9f: {  	s3 =	ssub.s32 $0x0, s20;
	[sflag:s22] =	ssyncset.done $0x0  }
0xa0: {  	[sflag:s22] =	ssyncadd.s32 s3;
	_ =	sdelay $0x1  }
0xa1: {  	s23 =	simm.s32 $0x1B8B  }
0xa2: {  	_ =	swait.ge [sflag:s23], $0x1  }
0xa3: {  	[sflag:s23] =	ssyncset.done $0x0  }
0xa4: {  	s25 =	simm.s32 $0x1B8E;
	s24 =	sld [smem:$0x3FFE];
	[sflag:s23] =	ssyncadd.s32 $0xFFFFFFFF  }
0xa5: {  	s26 =	simm.s32 $execute0_lowered;
	[smem:$0x3FD2] =	sst s25  }
0xa6: {  	s4 =	sshll.u32 s26, $0x1;
	_ =	strace $0x80000046;
	[dreg:$0x1] =	wrdreg $0xFFFFFFFF  }
0xa7: {  	s28 =	simm.s32 $_size_execute0_lowered;
	s2 =	sadd.s32 s2, s4;
	[dreg:$0x0] =	wrdreg $0x0  }
0xa8: {  	s4 =	sshll.u32 s28, $0x1;
	[dreg:$0x2] =	wrdreg s2  }
0xa9: {  	[dreg:$0x3] =	wrdreg s4  }
0xaa: {  	[dreg:$0x4] =	wrdreg $0xC0  }
0xab: {  	_ =	task [dreg:s6], $0x5FFFF  }
0xac: {  	[dreg:$0x1] =	wrdreg $0xFFFFFFFF  }
0xad: {  	[dreg:$0x0] =	wrdreg $0x60  }
0xae: {  	[dreg:$0x2] =	wrdreg s24  }
0xaf: {  	[dreg:$0x3] =	wrdreg $0x41000  }
0xb0: {  	[dreg:$0x4] =	wrdreg $0x9  }
0xb1: {  	_ =	task.clear_ibuf [dreg:s6], $0x5FFFF;
	_ =	strace $0x90000046  }
0xb2: {  	s29 =	simm.s32 $0x9;
	_ =	strace $0x80000048  }
0xb3: {  	_ =	swait.ge [sflag:s29], $0x1  }
0xb4: {  	[sflag:s29] =	ssyncadd.s32 $0xFFFFFFFF  }
0xb5: {  	_ =	strace $0x90000048  }
0xb6: {  	_ =	sfence  }
0xb7: {  	s30 =	sld [smem:$0x0];
	_ =	sdelay $0x2  }
0xb8: {  	s31 =	sshll.u32 s1, $0xD;
	s1 =	sshrl.u32 s1, $0x2  }
0xb9: {  	s3 =	sand.u32 $0x4000, s31;
	s1 =	sadd.s32 s1, s30  }
0xba: {  	s0 =	sor.u32 s3, s0;
	s1 =	sshll.u32 s1, $0x11  }
0xbb: {  	s0 =	sor.u32 s1, s0  }
0xbc: {  	s0 =	sadd.s32 $0x8F2B, s0  }
0xbd: {  	[sflag:s0] =	ssyncadd.remote.s32 $0x1  }
0xbe: {  	_ =	sfence.sel $0xFFFF  }
0xbf: {  	[dreg:$0x0] =	wrdreg $0xFFFFFFFF;
	(pc) =	sbr.abs _section_cstart, $3  }
0xc0: {  	[dreg:$0x1] =	wrdreg $0xFFFFFFFF  }
0xc1: {  	_ =	task.clear_ibuf [dreg:s6], $0x2FFFF;
	_ =	strace $0x9FFFFFFF  }
0xc2: {  	(tm) =	ssettm $0x7FFFFFFF  }
0xc3: {  	_ =	shalt  }
tec
execute0_lowered:
.L_overlay_start_1:
0x0: {  	(tag) =	ssettag $0x1  }
0x1: {  	s6 =	rddreg [dreg:$0x0]  }
0x2: {  	s2 =	rddreg [dreg:$0x1]  }
0x3: {  	s0 =	rddreg [dreg:$0x2];
	s3 =	simm.s32 $0x0;
	s1 =	stileid.u32  }
0x4: {  	s4 =	srdreg.scid;
	s14 =	simm.s32 $0x3;
	s15 =	simm.s32 $0x100  }
0x5: {  	s16 =	simm.s32 $0x80;
	s17 =	simm.s32 $0x2;
	s18 =	simm.s32 $0x1  }
0x6: {  	[smem:$0x7FF] =	sst s3;
	s19 =	smul.u32 $0x2800, s1;
	s5 =	sand.u32 $0x1, s4  }
0x7: {  	s4 =	sadd.s32 $0x3F200, s6;
	s11 =	smul.u32 $0x50000, s1;
	s31 =	sshll.u32 s1, $0x6  }
0x8: {  	_ =	strace $0x80000047;
	s7 =	smul.u32 $0x28000, s5;
	s9 =	ssub.s32 $0x2, s5  }
0x9: {  	p0 =	seq.s32 s5, $0x0;
	s5 =	smul.u32 $0xA00, s1;
	s8 =	sadd.s32 s19, s6  }
0xa: {  	s29 =	sshrl.u32 s9, $0x1;
	s30 =	sshrl.u32 s11, $0x2;
	s10 =	sadd.s32 s7, s6  }
0xb: {  	s12 =	ssub.s32 s9, s29;
	s7 =	simm.s32 $0xD200;
	s13 =	sadd.s32 s30, s2  }
0xc: {  	s7 =	simm.s32 @!p0 $0x3200;
	s20 =	sadd.s32 $0x3FA00, s10;
	s10 =	smax.u32 s12, $0x1  }
0xd: {  	s13 =	sshrl.u32 s13, $0x3;
	s6 =	sadd.s32 s7, s6;
	s7 =	sadd.s32 $0x17200, s8  }
0xe: {  	s8 =	sor.u32 $0x1C03, s31;
	s19 =	sadd.s32 s19, s20;
	s9 =	sadd.s32 s6, s5  }
0xf: {  	s20 =	simm.s32 $0x0;
	s11 =	sadd.s32 $0x9F0, s9;
	s12 =	sadd.s32 $0x20, s9  }
.LBB2_1:
0x10: {  	[spmem:s13], [sflag:s8] =	dma.local [hbm:s7], $0x2800  }
0x11: {  	_ =	swait.ge [sflag:s14], $0x2800  }
0x12: {  	[sflag:s14] =	ssyncset.done $0x0  }
0x13: {  	[sflag:s14] =	ssyncadd.s32 $0xFFFFD800  }
0x14: {  	[tilespmem:s15], [sflag:$0x3] =	stream.linear.gather [hbm4b:s4+s3], $0x4000, $0x38;
	[tilespmem:$0x18100] =	vst v63  }
0x15: {  	_ =	swait.ge [sflag:s14], $0x4000  }
0x16: {  	[sflag:s14] =	ssyncset.done $0x0  }
0x17: {  	s21 =	sadd.s32 $0x0, s5;
	[sflag:s14] =	ssyncadd.s32 $0xFFFFC000  }
0x18: {  	s21 =	sand.u32 $0x1FF80, s21;
	[bflag:$0x0] =	sbarrier.arrive $0xFFFF  }
0x19: {  	[tilespmem:s3], [sflag:$0x3] =	stream.linear.gather [hbm4b:s9+s3], $0x80, $0x38;
	[tilespmem:$0x18100] =	vst v63  }
0x1a: {  	s22 =	sand.u32 $0x60, s3;
	s21 =	sadd.s32 s6, s21;
	_ =	swait.ge [sflag:s14], $0x80  }
0x1b: {  	s21 =	sadd.s32 s22, s21;
	[sflag:s14] =	ssyncset.done $0x0  }
0x1c: {  	s21 =	sadd.s32 $0x10, s21;
	[sflag:s14] =	ssyncadd.s32 $0xFFFFFF80  }
0x1d: {  	[tilespmem:s16], [sflag:$0x2] =	stream.linear.gather [hbm4b:s21+s3], $0x80, $0x38;
	[tilespmem:$0x18100] =	vst v63  }
0x1e: {  	_ = 	snop  }
0x1f: {  	[spmem:s2] =	stream.indirect.scatter.add.f32 [tilespmem:s15], [sflag:$0x3], $0x80, s3, s16, $0xb8;
	[tilespmem:$0x18100] =	vst v63  }
0x20: {  	_ =	swait.ge [sflag:s14], $0x4000  }
0x21: {  	[sflag:s14] =	ssyncset.done $0x0  }
0x22: {  	s30 =	sadd.s32 $0x0, s12;
	[sflag:s14] =	ssyncadd.s32 $0xFFFFC000  }
0x23: {  	[tilespmem:s3], [sflag:$0x1] =	stream.linear.gather [hbm4b:s30+s3], $0x80, $0x38;
	[tilespmem:$0x18100] =	vst v63  }
0x24: {  	_ =	swait.ge [sflag:s17], $0x80  }
0x25: {  	[sflag:s17] =	ssyncset.done $0x0  }
0x26: {  	[sflag:s17] =	ssyncadd.s32 $0xFFFFFF80  }
0x27: {  	[spmem:s2] =	stream.indirect.scatter.add.f32 [tilespmem:s15], [sflag:$0x3], $0x80, s16, s16, $0xb8;
	[tilespmem:$0x18100] =	vst v63  }
0x28: {  	_ =	swait.ge [sflag:s14], $0x4000  }
0x29: {  	s31 =	sadd.s32 $0x20, s5;
	[sflag:s14] =	ssyncset.done $0x0  }
0x2a: {  	s22 =	sand.u32 $0x1FF80, s31;
	s21 =	simm.s32 $0x20;
	[sflag:s14] =	ssyncadd.s32 $0xFFFFC000  }
0x2b: {  	s24 =	sadd.s32 s6, s22;
	s23 =	sand.u32 $0x60, s21;
	_ =	swait.ge [sflag:s18], $0x80  }
0x2c: {  	s22 =	simm.s32 $0x40;
	s23 =	sadd.s32 s23, s24;
	[sflag:s18] =	ssyncset.done $0x0  }
.LBB2_2:
0x2d: {  	s23 =	sadd.s32 $0x10, s23  }
0x2e: {  	[sflag:s18] =	ssyncadd.s32 $0xFFFFFF80;
	s24 =	smov.u32 s22;
	s25 =	sadd.s32 $0x20, s22  }
0x2f: {  	[tilespmem:s16], [sflag:$0x2] =	stream.linear.gather [hbm4b:s23+s3], $0x80, $0x38;
	[tilespmem:$0x18100] =	vst v63  }
0x30: {  	p0 =	sne.s32 s22, $0x9C0  }
0x31: {  	[spmem:s2] =	stream.indirect.scatter.add.f32 [tilespmem:s15], [sflag:$0x3], $0x80, s3, s16, $0xb8;
	[tilespmem:$0x18100] =	vst v63  }
0x32: {  	_ =	swait.ge [sflag:s14], $0x4000  }
0x33: {  	[sflag:s14] =	ssyncset.done $0x0  }
0x34: {  	s22 =	sadd.s32 s21, s12;
	s21 =	smov.u32 s24;
	[sflag:s14] =	ssyncadd.s32 $0xFFFFC000  }
0x35: {  	[tilespmem:s3], [sflag:$0x1] =	stream.linear.gather [hbm4b:s22+s3], $0x80, $0x38;
	[tilespmem:$0x18100] =	vst v63  }
0x36: {  	_ =	swait.ge [sflag:s17], $0x80  }
0x37: {  	[sflag:s17] =	ssyncset.done $0x0  }
0x38: {  	[sflag:s17] =	ssyncadd.s32 $0xFFFFFF80  }
0x39: {  	[spmem:s2] =	stream.indirect.scatter.add.f32 [tilespmem:s15], [sflag:$0x3], $0x80, s16, s16, $0xb8;
	[tilespmem:$0x18100] =	vst v63  }
.Ltmp0:
0x3a: {  	_ =	swait.ge [sflag:s14], $0x4000;
	(pc) =	sbr.rel @p0 .LBB2_2-.Ltmp0, $4  }
0x3b: {  	s22 =	sadd.s32 s21, s5;
	[sflag:s14] =	ssyncset.done $0x0  }
0x3c: {  	s22 =	sand.u32 $0x1FF80, s22;
	[sflag:s14] =	ssyncadd.s32 $0xFFFFC000  }
0x3d: {  	s23 =	sand.u32 $0x60, s21;
	s22 =	sadd.s32 s6, s22;
	_ =	swait.ge [sflag:s18], $0x80  }
0x3e: {  	s23 =	sadd.s32 s23, s22;
	s22 =	smov.u32 s25;
	[sflag:s18] =	ssyncset.done $0x0  }
0x3f: {  	s22 =	sadd.s32 $0x10, s23;
	[sflag:s18] =	ssyncadd.s32 $0xFFFFFF80  }
0x40: {  	[tilespmem:s16], [sflag:$0x2] =	stream.linear.gather [hbm4b:s22+s3], $0x80, $0x38;
	[tilespmem:$0x18100] =	vst v63  }
0x41: {  	_ = 	snop  }
0x42: {  	[spmem:s2] =	stream.indirect.scatter.add.f32 [tilespmem:s15], [sflag:$0x3], $0x80, s3, s16, $0xb8;
	[tilespmem:$0x18100] =	vst v63  }
0x43: {  	_ =	swait.ge [sflag:s14], $0x4000  }
0x44: {  	[sflag:s14] =	ssyncset.done $0x0  }
0x45: {  	s21 =	sadd.s32 s21, s12;
	[sflag:s14] =	ssyncadd.s32 $0xFFFFC000  }
0x46: {  	[tilespmem:s3], [sflag:$0x1] =	stream.linear.gather [hbm4b:s21+s3], $0x80, $0x38;
	[tilespmem:$0x18100] =	vst v63  }
0x47: {  	_ =	swait.ge [sflag:s17], $0x80  }
0x48: {  	[sflag:s17] =	ssyncset.done $0x0  }
0x49: {  	[sflag:s17] =	ssyncadd.s32 $0xFFFFFF80  }
0x4a: {  	[spmem:s2] =	stream.indirect.scatter.add.f32 [tilespmem:s15], [sflag:$0x3], $0x80, s16, s16, $0xb8;
	[tilespmem:$0x18100] =	vst v63  }
0x4b: {  	_ =	swait.ge [sflag:s14], $0x4000  }
0x4c: {  	[sflag:s14] =	ssyncset.done $0x0  }
0x4d: {  	[sflag:s14] =	ssyncadd.s32 $0xFFFFC000  }
0x4e: {  	_ =	swait.ge [sflag:s18], $0x80  }
0x4f: {  	[sflag:s18] =	ssyncset.done $0x0  }
0x50: {  	[sflag:s18] =	ssyncadd.s32 $0xFFFFFF80  }
0x51: {  	[tilespmem:s16], [sflag:$0x2] =	stream.linear.gather [hbm4b:s11+s3], $0x80, $0x38;
	[tilespmem:$0x18100] =	vst v63  }
0x52: {  	_ = 	snop  }
0x53: {  	[spmem:s2] =	stream.indirect.scatter.add.f32 [tilespmem:s15], [sflag:$0x3], $0x80, s3, s16, $0xb8;
	[tilespmem:$0x18100] =	vst v63  }
0x54: {  	_ =	swait.ge [sflag:s14], $0x4000  }
0x55: {  	[sflag:s14] =	ssyncset.done $0x0  }
0x56: {  	[sflag:s14] =	ssyncadd.s32 $0xFFFFC000  }
0x57: {  	_ =	swait.ge [sflag:s17], $0x80  }
0x58: {  	[sflag:s17] =	ssyncset.done $0x0  }
0x59: {  	[sflag:s17] =	ssyncadd.s32 $0xFFFFFF80  }
0x5a: {  	[spmem:s2] =	stream.indirect.scatter.add.f32 [tilespmem:s15], [sflag:$0x3], $0x80, s16, s16, $0xb8;
	[tilespmem:$0x18100] =	vst v63  }
0x5b: {  	_ =	swait.ge [sflag:s14], $0x4000  }
0x5c: {  	s20 =	sadd.s32 $0x1, s20;
	[sflag:s14] =	ssyncset.done $0x0  }
0x5d: {  	p0 =	sne.s32 s20, s10;
	[sflag:s14] =	ssyncadd.s32 $0xFFFFC000  }
.Ltmp1:
0x5e: {  	[bflag:$0x0] =	sbarrier.arrive $0xFFFF;
	(pc) =	sbr.rel @p0 .LBB2_1-.Ltmp1, $4  }
0x5f: {  	[hbm:s19], [sflag:s8] =	dma.local [spmem:s13], $0x2800  }
0x60: {  	_ =	swait.ge [sflag:s14], $0x2800  }
0x61: {  	[sflag:s14] =	ssyncset.done $0x0  }
0x62: {  	[sflag:s14] =	ssyncadd.s32 $0xFFFFD800  }
0x63: {  	_ =	sfence.sel $0x180000  }
0x64: {  	[bflag:$0x0] =	sbarrier.arrive $0xFFFF  }
0x65: {  	p0 =	sne.s32 s1, $0x0;
	_ =	strace $0x90000047  }
0x66: {  	s0 =	sadd.s32 @!p0 $0x100000, s0;
	[bflag:$0x2] =	sbarrier.arrive $0xFFFF  }
0x67: {  	[sflag:s0] =	ssyncadd.tile.s32 @!p0 $0x1;
	_ =	shalt  }
.Lfunc_end2:
_tile_overlayer_lowered:
.L_overlay_start_2:
0x68: {  	(tag) =	ssettag $0x2  }
0x69: {  	s0 =	rddreg [dreg:$0x0];
	s2 =	stileid.u32  }
0x6a: {  	s1 =	rddreg [dreg:$0x1];
	p0 =	sne.s32 s2, $0x0  }
0x6b: {  	s3 =	rddreg [dreg:$0x2];
	[bflag:$0x3] =	sbarrier.arrive $0xFFFF;
	s2 =	simm.s32 @!p0 $0x1C03  }
0x6c: {  	[timem:s3], [sflag:s2] =	dma.local @!p0 [hbm:s0], s1  }
0x6d: {  	s0 =	simm.s32 @!p0 $0x3  }
0x6e: {  	_ =	swait.ge @!p0 [sflag:s0], s1  }
0x6f: {  	s1 =	ssub.s32 @!p0 $0x0, s1;
	[sflag:s0] =	ssyncset.done @!p0 $0x0  }
0x70: {  	[sflag:s0] =	ssyncadd.s32 @!p0 s1  }
0x71: {  	[bflag:$0x3] =	sbarrier.arrive $0xFFFF  }
0x72: {  	_ =	shalt  }

// kernel: kernel.13.cloned.1.call-start
scs
__scs_entry_jumppad:
0x0: {  	(pc) =	sbr.rel $0x88, $3  }
0x1: {  	(tag) =	ssettag $0x0;
	lr =	simm.s32 $0x1  }
0x2: {  	[smem:$0x3F97] =	sst lr;
	_ =	strace $0xD0000000  }
0x3: {  	_ = 	snop  }
0x4: {  	_ = 	snop  }
0x5: {  	_ = 	snop  }
0x6: {  	_ = 	snop  }
0x7: {  	_ = 	snop  }
__scs_overlays_trampoline_lowered:
0x8: {  	[smem:$0x3FA6] =	sst s0  }
0x9: {  	[smem:$0x3FA7] =	sst s1  }
0xa: {  	[smem:$0x3FA8] =	sst s2  }
0xb: {  	[smem:$0x3FA9] =	sst s3  }
0xc: {  	[smem:$0x3FAA] =	sst s4  }
0xd: {  	[smem:$0x3FAB] =	sst s5  }
0xe: {  	[smem:$0x3FAC] =	sst s6  }
0xf: {  	[smem:$0x3FAD] =	sst s7  }
0x10: {  	[smem:$0x3FAE] =	sst s8  }
0x11: {  	[smem:$0x3FAF] =	sst s9;
	s0 =	simm.s32 @!p0 $0x0  }
0x12: {  	s1 =	sld [smem:$0x3F95];
	s0 =	simm.s32 @p0 $0x1  }
0x13: {  	[smem:$0x3FB0] =	sst s0;
	s0 =	simm.s32 @!p1 $0x0  }
0x14: {  	s2 =	sld [smem:$0x3F94];
	s0 =	simm.s32 @p1 $0x1  }
0x15: {  	[smem:$0x3FB1] =	sst s0;
	s0 =	simm.s32 @!p2 $0x0  }
0x16: {  	s3 =	sld [smem:$0x3FDB];
	s0 =	simm.s32 @p2 $0x1  }
0x17: {  	s4 =	simm.s32 $0x1BF5;
	[smem:$0x3FB3] =	sst s0  }
0x18: {  	s0 =	sld [smem:$0x3F96];
	_ =	swait.ge [sflag:s4], $0x0  }
0x19: {  	s7 =	sld [smem:$0x3F97]  }
0x1a: {  	s8 =	sadd.s32 $0xFFFFE003, lr  }
0x1b: {  	s9 =	sadd.s32 $0xFFFFFEF7, lr;
	s5 =	simm.s32 $0xFFFFFFFF;
	p2 =	slt.u32 s8, $0xFFFFF086  }
0x1c: {  	p1 =	slt.u32 s9, $0xF7A;
	s5 =	simm.s32 @!p2 $0x0  }
0x1d: {  	s5 =	simm.s32 @p1 $0x1;
	p0 =	seq.s32 s7, s2  }
0x1e: {  	s7 =	smul.u32 @!p0 $0xF7A, s2;
	p2 =	seq.s32 @!p0 s5, $0x0  }
0x1f: {  	s9 =	smul.u32 $0xF7A, s1;
	s8 =	simm.s32 @!p0 $0x1BF5;
	p2 =	por !p2, p0  }
0x20: {  	[sflag:s8] =	ssyncset.s32 @!p0 $0xFFFFF086;
	s6 =	sadd.s32 @!p0 s3, s7;
	s7 =	simm.s32 @!p0 $0x108  }
0x21: {  	s3 =	sadd.s32 s3, s9;
	s6 =	sadd.s32 @!p0 $0x88, s6;
	s7 =	simm.s32 @p2 $0x1082  }
0x22: {  	[simem:s7], [sflag:s8] =	dma.local @!p0 [hbm:s6], $0xF7A  }
0x23: {  	s9 =	sor.u32 $0xD0000000, s2;
	s6 =	simm.s32 $0x108;
	_ =	swait.ge @!p0 [sflag:s8], $0x0  }
0x24: {  	s3 =	sadd.s32 $0x88, s3;
	s6 =	simm.s32 @!p1 $0x1082;
	[sflag:s4] =	ssyncset.s32 $0xFFFFF086  }
0x25: {  	[simem:s6], [sflag:s4] =	dma.local [hbm:s3], $0xF7A  }
0x26: {  	[smem:$0x3F97] =	sst s1;
	(tag) =	ssettag s2;
	_ =	strace s9  }
0x27: {  	s1 =	sld [smem:$0x3FA7]  }
0x28: {  	s2 =	sld [smem:$0x3FA8]  }
0x29: {  	s4 =	sld [smem:$0x3FAA]  }
0x2a: {  	p0 =	seq.s32 s5, $0x0;
	s5 =	sld [smem:$0x3FAB]  }
0x2b: {  	s6 =	sld [smem:$0x3FAC]  }
0x2c: {  	s7 =	sld [smem:$0x3FAD]  }
0x2d: {  	s3 =	simm.s32 $0x108;
	s8 =	sld [smem:$0x3FAE]  }
0x2e: {  	s3 =	simm.s32 @!p0 $0x1082;
	s9 =	sld [smem:$0x3FAF]  }
0x2f: {  	lr =	sadd.s32 s0, s3;
	s0 =	sld [smem:$0x3FA6]  }
0x30: {  	s3 =	sld [smem:$0x3FA9]  }
0x31: {  	[smem:$0x3FB2] =	sst s10  }
0x32: {  	s10 =	sld [smem:$0x3FB0];
	_ =	sdelay $0x3  }
0x33: {  	p0 =	seq.s32 s10, $0x1;
	s10 =	sld [smem:$0x3FB2];
	_ =	sdelay $0x3  }
0x34: {  	[smem:$0x3FB2] =	sst s10  }
0x35: {  	s10 =	sld [smem:$0x3FB1];
	_ =	sdelay $0x3  }
0x36: {  	p1 =	seq.s32 s10, $0x1;
	s10 =	sld [smem:$0x3FB2];
	_ =	sdelay $0x3  }
0x37: {  	[smem:$0x3FB2] =	sst s10  }
0x38: {  	s10 =	sld [smem:$0x3FB3]  }
0x39: {  	_ = 	snop;
	(pc) =	sbr.ind lr, $3  }
0x3a: {  	_ = 	snop  }
0x3b: {  	_ = 	snop  }
0x3c: {  	p2 =	seq.s32 s10, $0x1;
	s10 =	sld [smem:$0x3FB2]  }
0x3d: {  	_ =	shalt  }
0x3e: {  	_ =	shalt  }
0x3f: {  	_ =	shalt  }
0x40: {  	_ =	shalt  }
0x41: {  	_ =	shalt  }
0x42: {  	_ =	shalt  }
0x43: {  	_ =	shalt  }
0x44: {  	_ =	shalt  }
0x45: {  	_ =	shalt  }
0x46: {  	_ =	shalt  }
0x47: {  	_ =	shalt  }
0x48: {  	_ =	shalt  }
0x49: {  	_ =	shalt  }
0x4a: {  	_ =	shalt  }
0x4b: {  	_ =	shalt  }
0x4c: {  	_ =	shalt  }
0x4d: {  	_ =	shalt  }
0x4e: {  	_ =	shalt  }
0x4f: {  	_ =	shalt  }
0x50: {  	_ =	shalt  }
0x51: {  	_ =	shalt  }
0x52: {  	_ =	shalt  }
0x53: {  	_ =	shalt  }
0x54: {  	_ =	shalt  }
0x55: {  	_ =	shalt  }
0x56: {  	_ =	shalt  }
0x57: {  	_ =	shalt  }
0x58: {  	_ =	shalt  }
0x59: {  	_ =	shalt  }
0x5a: {  	_ =	shalt  }
0x5b: {  	_ =	shalt  }
0x5c: {  	_ =	shalt  }
0x5d: {  	_ =	shalt  }
0x5e: {  	_ =	shalt  }
0x5f: {  	_ =	shalt  }
0x60: {  	_ =	shalt  }
0x61: {  	_ =	shalt  }
0x62: {  	_ =	shalt  }
0x63: {  	_ =	shalt  }
0x64: {  	_ =	shalt  }
0x65: {  	_ =	shalt  }
0x66: {  	_ =	shalt  }
0x67: {  	_ =	shalt  }
0x68: {  	_ =	shalt  }
0x69: {  	_ =	shalt  }
0x6a: {  	_ =	shalt  }
0x6b: {  	_ =	shalt  }
0x6c: {  	_ =	shalt  }
0x6d: {  	_ =	shalt  }
0x6e: {  	_ =	shalt  }
0x6f: {  	_ =	shalt  }
0x70: {  	_ =	shalt  }
0x71: {  	_ =	shalt  }
0x72: {  	_ =	shalt  }
0x73: {  	_ =	shalt  }
0x74: {  	_ =	shalt  }
0x75: {  	_ =	shalt  }
0x76: {  	_ =	shalt  }
0x77: {  	_ =	shalt  }
0x78: {  	_ =	shalt  }
0x79: {  	_ =	shalt  }
0x7a: {  	_ =	shalt  }
0x7b: {  	_ =	shalt  }
0x7c: {  	_ =	shalt  }
0x7d: {  	_ =	shalt  }
0x7e: {  	_ =	shalt  }
0x7f: {  	_ =	shalt  }
0x80: {  	_ =	shalt  }
0x81: {  	_ =	shalt  }
0x82: {  	_ =	shalt  }
0x83: {  	_ =	shalt  }
0x84: {  	_ =	shalt  }
0x85: {  	_ =	shalt  }
0x86: {  	_ =	shalt  }
0x87: {  	_ =	shalt  }
.Lfunc_end0:
.L_simem_size_0:
called_computation.1_lowered:
.L_overlay_start_0:
0x88: {  	s2 =	sld [smem:$0x3FD9]  }
0x89: {  	s3 =	sld [smem:$0x3FFE];
	_ =	sdelay $0x1  }
0x8a: {  	s1 =	srdreg.scid  }
0x8b: {  	s0 =	sand.u32 $0x1, s1  }
0x8c: {  	s16 =	sshll.u32 s0, $0xA;
	s2 =	sadd.s32 s3, s2  }
0x8d: {  	s2 =	sadd.s32 s2, s16  }
0x8e: {  	[smem:$0x3FBE] =	sst s2  }
0x8f: {  	_ = 	snop  }
0x90: {  	(tm) =	ssettm $0x1  }
0x91: {  	s17 =	sld [smem:$0x3FFB];
	_ =	sdelay $0x3  }
0x92: {  	_ =	strace s17  }
0x93: {  	s2 =	sld [smem:$0x3FFC];
	_ =	sdelay $0x3  }
0x94: {  	_ =	strace s2  }
0x95: {  	s2 =	sld [smem:$0x3FFD];
	_ =	sdelay $0x3  }
0x96: {  	_ =	strace s2  }
0x97: {  	_ =	strace $0x8FFFFFFF  }
0x98: {  	s18 =	sld [smem:$0x3FDB];
	_ =	sdelay $0x1  }
0x99: {  	s19 =	simm.s32 $_scs_section_size  }
0x9a: {  	s4 =	simm.s32 $_size__tile_overlayer_lowered;
	s5 =	simm.s32 $_tile_overlayer_lowered  }
0x9b: {  	s22 =	simm.s32 $0x1BFF;
	s21 =	sshll.u32 s5, $0x1;
	s2 =	sadd.s32 s19, s18  }
0x9c: {  	s6 =	simm.s32 $0x0;
	s20 =	sshll.u32 s4, $0x1;
	s4 =	sadd.s32 s21, s2  }
0x9d: {  	[timem:s6], [sflag:s22] =	dma.local [hbm:s4], s20  }
0x9e: {  	_ =	swait.ge [sflag:s22], s20  }
0x9f: {  	s3 =	ssub.s32 $0x0, s20;
	[sflag:s22] =	ssyncset.done $0x0  }
0xa0: {  	[sflag:s22] =	ssyncadd.s32 s3;
	_ =	sdelay $0x1  }
0xa1: {  	s23 =	simm.s32 $0x1B8B  }
0xa2: {  	_ =	swait.ge [sflag:s23], $0x1  }
0xa3: {  	[sflag:s23] =	ssyncset.done $0x0  }
0xa4: {  	s25 =	simm.s32 $0x1B8E;
	s24 =	sld [smem:$0x3FFE];
	[sflag:s23] =	ssyncadd.s32 $0xFFFFFFFF  }
0xa5: {  	s26 =	simm.s32 $execute0_lowered;
	[smem:$0x3FD2] =	sst s25  }
0xa6: {  	s4 =	sshll.u32 s26, $0x1;
	_ =	strace $0x80000049;
	[dreg:$0x1] =	wrdreg $0xFFFFFFFF  }
0xa7: {  	s28 =	simm.s32 $_size_execute0_lowered;
	s2 =	sadd.s32 s2, s4;
	[dreg:$0x0] =	wrdreg $0x0  }
0xa8: {  	s4 =	sshll.u32 s28, $0x1;
	[dreg:$0x2] =	wrdreg s2  }
0xa9: {  	[dreg:$0x3] =	wrdreg s4  }
0xaa: {  	[dreg:$0x4] =	wrdreg $0xC0  }
0xab: {  	_ =	task [dreg:s6], $0x5FFFF  }
0xac: {  	[dreg:$0x1] =	wrdreg $0xFFFFFFFF  }
0xad: {  	[dreg:$0x0] =	wrdreg $0x60  }
0xae: {  	[dreg:$0x2] =	wrdreg s24  }
0xaf: {  	[dreg:$0x3] =	wrdreg $0xA9000  }
0xb0: {  	[dreg:$0x4] =	wrdreg $0x9  }
0xb1: {  	_ =	task.clear_ibuf [dreg:s6], $0x5FFFF;
	_ =	strace $0x90000049  }
0xb2: {  	s29 =	simm.s32 $0x9;
	_ =	strace $0x8000004B  }
0xb3: {  	_ =	swait.ge [sflag:s29], $0x1  }
0xb4: {  	[sflag:s29] =	ssyncadd.s32 $0xFFFFFFFF  }
0xb5: {  	_ =	strace $0x9000004B  }
0xb6: {  	_ =	sfence  }
0xb7: {  	s30 =	sld [smem:$0x0];
	_ =	sdelay $0x2  }
0xb8: {  	s31 =	sshll.u32 s1, $0xD;
	s1 =	sshrl.u32 s1, $0x2  }
0xb9: {  	s3 =	sand.u32 $0x4000, s31;
	s1 =	sadd.s32 s1, s30  }
0xba: {  	s0 =	sor.u32 s3, s0;
	s1 =	sshll.u32 s1, $0x11  }
0xbb: {  	s0 =	sor.u32 s1, s0  }
0xbc: {  	s0 =	sadd.s32 $0x8F2B, s0  }
0xbd: {  	[sflag:s0] =	ssyncadd.remote.s32 $0x1  }
0xbe: {  	_ =	sfence.sel $0xFFFF  }
0xbf: {  	[dreg:$0x0] =	wrdreg $0xFFFFFFFF;
	(pc) =	sbr.abs _section_cstart, $3  }
0xc0: {  	[dreg:$0x1] =	wrdreg $0xFFFFFFFF  }
0xc1: {  	_ =	task.clear_ibuf [dreg:s6], $0x2FFFF;
	_ =	strace $0x9FFFFFFF  }
0xc2: {  	(tm) =	ssettm $0x7FFFFFFF  }
0xc3: {  	_ =	shalt  }
tec
execute0_lowered:
.L_overlay_start_1:
0x0: {  	(tag) =	ssettag $0x1  }
0x1: {  	s0 =	srdreg.scid;
	s1 =	rddreg [dreg:$0x0]  }
0x2: {  	s12 =	stileid.u32;
	s2 =	rddreg [dreg:$0x1]  }
0x3: {  	s14 =	simm.s32 $0x5;
	s15 =	simm.s32 $0x2800;
	s16 =	simm.s32 $0x2900  }
0x4: {  	s17 =	simm.s32 $0x2880;
	s18 =	simm.s32 $0x80;
	s19 =	simm.s32 $0x6900  }
0x5: {  	s20 =	simm.s32 $0x1;
	s21 =	simm.s32 $0x3;
	s22 =	simm.s32 $0x2  }
0x6: {  	s23 =	simm.s32 $0x4;
	s25 =	simm.s32 $0x2780;
	s24 =	smul.u32 $0x2800, s12  }
0x7: {  	s26 =	simm.s32 $0x0;
	s0 =	sand.u32 $0x1, s0;
	s7 =	smul.u32 $0x50000, s12  }
0x8: {  	s5 =	sadd.s32 $0x3200, s1;
	s31 =	sshll.u32 s12, $0x6;
	s6 =	smul.u32 $0x28000, s0  }
0x9: {  	s3 =	sshll.u32 s0, $0x4;
	s11 =	ssub.s32 $0x2, s0;
	s0 =	smul.u32 $0x5000, s0  }
0xa: {  	s4 =	sor.u32 s12, s3;
	s3 =	simm.s32 $0x0;
	s10 =	sadd.s32 s24, s1  }
0xb: {  	s30 =	sshrl.u32 s11, $0x1;
	s7 =	sshrl.u32 s7, $0x2;
	s12 =	smul.u32 $0x500, s12  }
0xc: {  	s9 =	smul.u32 $0x500, s4;
	[smem:$0x7FF] =	sst s3;
	s4 =	sadd.s32 $0x67200, s1  }
0xd: {  	s11 =	ssub.s32 s11, s30;
	s13 =	sadd.s32 s7, s2;
	s7 =	sor.u32 $0x1C05, s31  }
0xe: {  	_ =	strace $0x8000004A;
	s12 =	sadd.s32 s12, s0;
	s13 =	sshrl.u32 s13, $0x3  }
0xf: {  	s8 =	sadd.s32 s9, s1;
	s1 =	sadd.s32 s6, s1;
	s6 =	sadd.s32 $0x17200, s10  }
0x10: {  	s9 =	sadd.s32 s5, s9;
	s10 =	smax.u32 s11, $0x1;
	s1 =	sadd.s32 $0x8F200, s1  }
0x11: {  	s8 =	sadd.s32 $0xD200, s8;
	s11 =	sadd.s32 $0x4F0, s9;
	s24 =	sadd.s32 s24, s1  }
.LBB2_1:
0x12: {  	[spmem:s13], [sflag:s7] =	dma.local [hbm:s6], $0x2800  }
0x13: {  	_ =	swait.ge [sflag:s14], $0x2800  }
0x14: {  	[sflag:s14] =	ssyncset.done $0x0  }
0x15: {  	[sflag:s14] =	ssyncadd.s32 $0xFFFFD800  }
0x16: {  	[tilespmem:s3], [sflag:$0x5] =	stream.linear.gather [hbm4b:s8+s3], $0x2800, $0x38;
	[tilespmem:$0x1E900] =	vst v63  }
0x17: {  	_ =	swait.ge [sflag:s14], $0x2800  }
0x18: {  	[sflag:s14] =	ssyncset.done $0x0  }
0x19: {  	s0 =	sadd.s32 $0x20, s12;
	s1 =	simm.s32 $0x10;
	[sflag:s14] =	ssyncadd.s32 $0xFFFFD800  }
0x1a: {  	s28 =	sadd.s32 $0xFFFFFFE0, s0;
	s1 =	sand.u32 $0x70, s1;
	[bflag:$0x0] =	sbarrier.arrive $0xFFFF  }
0x1b: {  	[tilespmem:s15], [sflag:$0x3] =	stream.linear.gather [hbm4b:s9+s3], $0x80, $0x38;
	[tilespmem:$0x1E900] =	vst v63  }
0x1c: {  	s28 =	sand.u32 $0xFFFFF80, s28;
	s1 =	sadd.s32 s5, s1  }
0x1d: {  	[tilespmem:s16], [sflag:$0x1] =	stream.indirect.gather [hbm4b:s4+s18], $0x80, s3, s18, $0xb8;
	[tilespmem:$0x1E900] =	vst v63  }
0x1e: {  	s1 =	sadd.s32 s28, s1  }
0x1f: {  	[tilespmem:s17], [sflag:$0x4] =	stream.linear.gather [hbm4b:s1+s3], $0x80, $0x38;
	[tilespmem:$0x1E900] =	vst v63  }
0x20: {  	_ = 	snop  }
0x21: {  	[tilespmem:s19], [sflag:$0x2] =	stream.indirect.gather [hbm4b:s4+s18], $0x80, s18, s18, $0xb8;
	[tilespmem:$0x1E900] =	vst v63  }
0x22: {  	_ =	swait.ge [sflag:s20], $0x4000  }
0x23: {  	[sflag:s20] =	ssyncset.done $0x0  }
0x24: {  	[sflag:s20] =	ssyncadd.s32 $0xFFFFC000  }
0x25: {  	_ =	swait.ge [sflag:s21], $0x80  }
0x26: {  	[sflag:s21] =	ssyncset.done $0x0  }
0x27: {  	s1 =	simm.s32 $0x20;
	[sflag:s21] =	ssyncadd.s32 $0xFFFFFF80  }
0x28: {  	[spmem:s2] =	stream.indirect.scatter.add.f32 [tilespmem:s16], [sflag:$0x5], $0x80, s15, s18, $0xb8;
	[tilespmem:$0x1E900] =	vst v63  }
0x29: {  	s1 =	sand.u32 $0x60, s1;
	_ =	swait.ge [sflag:s14], $0x4000  }
0x2a: {  	s0 =	sand.u32 $0xFFFFF80, s0;
	s1 =	sadd.s32 s5, s1;
	[sflag:s14] =	ssyncset.done $0x0  }
0x2b: {  	s0 =	sadd.s32 s0, s1;
	[sflag:s14] =	ssyncadd.s32 $0xFFFFC000  }
0x2c: {  	[tilespmem:s15], [sflag:$0x3] =	stream.linear.gather [hbm4b:s0+s3], $0x80, $0x38;
	[tilespmem:$0x1E900] =	vst v63  }
0x2d: {  	s1 =	simm.s32 $0x100  }
0x2e: {  	[tilespmem:s16], [sflag:$0x1] =	stream.indirect.gather [hbm4b:s4+s18], $0x80, s1, s18, $0xb8;
	[tilespmem:$0x1E900] =	vst v63  }
0x2f: {  	_ =	swait.ge [sflag:s22], $0x4000  }
0x30: {  	[sflag:s22] =	ssyncset.done $0x0  }
0x31: {  	[sflag:s22] =	ssyncadd.s32 $0xFFFFC000  }
0x32: {  	s29 =	simm.s32 $0x40;
	_ =	swait.ge [sflag:s23], $0x80  }
0x33: {  	s30 =	simm.s32 $0x60;
	s31 =	sadd.s32 $0x40, s12;
	[sflag:s23] =	ssyncset.done $0x0  }
0x34: {  	s28 =	simm.s32 $0x180;
	s0 =	simm.s32 $0x30;
	[sflag:s23] =	ssyncadd.s32 $0xFFFFFF80  }
0x35: {  	[spmem:s2] =	stream.indirect.scatter.add.f32 [tilespmem:s19], [sflag:$0x5], $0x80, s17, s18, $0xb8;
	[tilespmem:$0x1E900] =	vst v63  }
0x36: {  	s0 =	sand.u32 $0x70, s0;
	s1 =	sadd.s32 $0xFFFFFFE0, s31;
	_ =	swait.ge [sflag:s14], $0x4000  }
0x37: {  	s0 =	sadd.s32 s5, s0;
	s1 =	sand.u32 $0xFFFFF80, s1;
	[sflag:s14] =	ssyncset.done $0x0  }
.LBB2_2:
0x38: {  	s0 =	sadd.s32 s1, s0;
	s1 =	sand.u32 $0xFFFFF80, s31;
	[sflag:s14] =	ssyncadd.s32 $0xFFFFC000  }
0x39: {  	[tilespmem:s17], [sflag:$0x4] =	stream.linear.gather [hbm4b:s0+s3], $0x80, $0x38;
	[tilespmem:$0x1E900] =	vst v63  }
0x3a: {  	p0 =	sne.s32 s30, $0x4E0;
	s0 =	smov.u32 s30;
	s30 =	sadd.s32 $0x20, s30  }
0x3b: {  	[tilespmem:s19], [sflag:$0x2] =	stream.indirect.gather [hbm4b:s4+s18], $0x80, s28, s18, $0xb8;
	[tilespmem:$0x1E900] =	vst v63  }
0x3c: {  	_ =	swait.ge [sflag:s20], $0x4000  }
0x3d: {  	[sflag:s20] =	ssyncset.done $0x0  }
0x3e: {  	[sflag:s20] =	ssyncadd.s32 $0xFFFFC000  }
0x3f: {  	_ =	swait.ge [sflag:s21], $0x80  }
0x40: {  	[sflag:s21] =	ssyncset.done $0x0  }
0x41: {  	[sflag:s21] =	ssyncadd.s32 $0xFFFFFF80  }
0x42: {  	[spmem:s2] =	stream.indirect.scatter.add.f32 [tilespmem:s16], [sflag:$0x5], $0x80, s15, s18, $0xb8;
	[tilespmem:$0x1E900] =	vst v63  }
0x43: {  	s31 =	sand.u32 $0x60, s29;
	s29 =	smov.u32 s0;
	_ =	swait.ge [sflag:s14], $0x4000  }
0x44: {  	s0 =	sadd.s32 s5, s31;
	[sflag:s14] =	ssyncset.done $0x0  }
0x45: {  	s0 =	sadd.s32 s1, s0;
	[sflag:s14] =	ssyncadd.s32 $0xFFFFC000  }
0x46: {  	[tilespmem:s15], [sflag:$0x3] =	stream.linear.gather [hbm4b:s0+s3], $0x80, $0x38;
	[tilespmem:$0x1E900] =	vst v63  }
0x47: {  	s0 =	sadd.s32 $0x80, s28  }
0x48: {  	[tilespmem:s16], [sflag:$0x1] =	stream.indirect.gather [hbm4b:s4+s18], $0x80, s0, s18, $0xb8;
	[tilespmem:$0x1E900] =	vst v63  }
0x49: {  	_ =	swait.ge [sflag:s22], $0x4000  }
0x4a: {  	[sflag:s22] =	ssyncset.done $0x0  }
0x4b: {  	[sflag:s22] =	ssyncadd.s32 $0xFFFFC000  }
0x4c: {  	_ =	swait.ge [sflag:s23], $0x80  }
.Ltmp0:
0x4d: {  	s28 =	sadd.s32 $0x100, s28;
	[sflag:s23] =	ssyncset.done $0x0;
	(pc) =	sbr.rel @p0 .LBB2_2-.Ltmp0, $4  }
0x4e: {  	s31 =	sadd.s32 s29, s12;
	s0 =	sadd.s32 $0xFFFFFFF0, s29;
	[sflag:s23] =	ssyncadd.s32 $0xFFFFFF80  }
0x4f: {  	[spmem:s2] =	stream.indirect.scatter.add.f32 [tilespmem:s19], [sflag:$0x5], $0x80, s17, s18, $0xb8;
	[tilespmem:$0x1E900] =	vst v63  }
0x50: {  	s1 =	sadd.s32 $0xFFFFFFE0, s31;
	s0 =	sand.u32 $0x70, s0;
	_ =	swait.ge [sflag:s14], $0x4000  }
0x51: {  	s1 =	sand.u32 $0xFFFFF80, s1;
	s0 =	sadd.s32 s5, s0;
	[sflag:s14] =	ssyncset.done $0x0  }
0x52: {  	s0 =	sadd.s32 s1, s0;
	[sflag:s14] =	ssyncadd.s32 $0xFFFFC000  }
0x53: {  	[tilespmem:s17], [sflag:$0x4] =	stream.linear.gather [hbm4b:s0+s3], $0x80, $0x38;
	[tilespmem:$0x1E900] =	vst v63  }
0x54: {  	_ = 	snop  }
0x55: {  	[tilespmem:s19], [sflag:$0x2] =	stream.indirect.gather [hbm4b:s4+s18], $0x80, s28, s18, $0xb8;
	[tilespmem:$0x1E900] =	vst v63  }
0x56: {  	_ =	swait.ge [sflag:s20], $0x4000  }
0x57: {  	[sflag:s20] =	ssyncset.done $0x0  }
0x58: {  	[sflag:s20] =	ssyncadd.s32 $0xFFFFC000  }
0x59: {  	_ =	swait.ge [sflag:s21], $0x80  }
0x5a: {  	[sflag:s21] =	ssyncset.done $0x0  }
0x5b: {  	[sflag:s21] =	ssyncadd.s32 $0xFFFFFF80  }
0x5c: {  	[spmem:s2] =	stream.indirect.scatter.add.f32 [tilespmem:s16], [sflag:$0x5], $0x80, s15, s18, $0xb8;
	[tilespmem:$0x1E900] =	vst v63  }
0x5d: {  	s29 =	sand.u32 $0x60, s29;
	_ =	swait.ge [sflag:s14], $0x4000  }
0x5e: {  	s30 =	sand.u32 $0xFFFFF80, s31;
	s0 =	sadd.s32 s5, s29;
	[sflag:s14] =	ssyncset.done $0x0  }
0x5f: {  	s0 =	sadd.s32 s30, s0;
	[sflag:s14] =	ssyncadd.s32 $0xFFFFC000  }
0x60: {  	[tilespmem:s15], [sflag:$0x3] =	stream.linear.gather [hbm4b:s0+s3], $0x80, $0x38;
	[tilespmem:$0x1E900] =	vst v63  }
0x61: {  	s31 =	sadd.s32 $0x80, s28  }
0x62: {  	[tilespmem:s16], [sflag:$0x1] =	stream.indirect.gather [hbm4b:s4+s18], $0x80, s31, s18, $0xb8;
	[tilespmem:$0x1E900] =	vst v63  }
0x63: {  	_ =	swait.ge [sflag:s22], $0x4000  }
0x64: {  	[sflag:s22] =	ssyncset.done $0x0  }
0x65: {  	[sflag:s22] =	ssyncadd.s32 $0xFFFFC000  }
0x66: {  	_ =	swait.ge [sflag:s23], $0x80  }
0x67: {  	[sflag:s23] =	ssyncset.done $0x0  }
0x68: {  	[sflag:s23] =	ssyncadd.s32 $0xFFFFFF80  }
0x69: {  	[spmem:s2] =	stream.indirect.scatter.add.f32 [tilespmem:s19], [sflag:$0x5], $0x80, s17, s18, $0xb8;
	[tilespmem:$0x1E900] =	vst v63  }
0x6a: {  	_ =	swait.ge [sflag:s14], $0x4000  }
0x6b: {  	[sflag:s14] =	ssyncset.done $0x0  }
0x6c: {  	[sflag:s14] =	ssyncadd.s32 $0xFFFFC000  }
0x6d: {  	[tilespmem:s17], [sflag:$0x4] =	stream.linear.gather [hbm4b:s11+s3], $0x80, $0x38;
	[tilespmem:$0x1E900] =	vst v63  }
0x6e: {  	_ = 	snop  }
0x6f: {  	[tilespmem:s19], [sflag:$0x2] =	stream.indirect.gather [hbm4b:s4+s18], $0x80, s25, s18, $0xb8;
	[tilespmem:$0x1E900] =	vst v63  }
0x70: {  	_ =	swait.ge [sflag:s20], $0x4000  }
0x71: {  	[sflag:s20] =	ssyncset.done $0x0  }
0x72: {  	[sflag:s20] =	ssyncadd.s32 $0xFFFFC000  }
0x73: {  	_ =	swait.ge [sflag:s21], $0x80  }
0x74: {  	[sflag:s21] =	ssyncset.done $0x0  }
0x75: {  	[sflag:s21] =	ssyncadd.s32 $0xFFFFFF80  }
0x76: {  	[spmem:s2] =	stream.indirect.scatter.add.f32 [tilespmem:s16], [sflag:$0x5], $0x80, s15, s18, $0xb8;
	[tilespmem:$0x1E900] =	vst v63  }
0x77: {  	_ =	swait.ge [sflag:s14], $0x4000  }
0x78: {  	[sflag:s14] =	ssyncset.done $0x0  }
0x79: {  	[sflag:s14] =	ssyncadd.s32 $0xFFFFC000  }
0x7a: {  	_ =	swait.ge [sflag:s22], $0x4000  }
0x7b: {  	[sflag:s22] =	ssyncset.done $0x0  }
0x7c: {  	[sflag:s22] =	ssyncadd.s32 $0xFFFFC000  }
0x7d: {  	_ =	swait.ge [sflag:s23], $0x80  }
0x7e: {  	[sflag:s23] =	ssyncset.done $0x0  }
0x7f: {  	[sflag:s23] =	ssyncadd.s32 $0xFFFFFF80  }
0x80: {  	[spmem:s2] =	stream.indirect.scatter.add.f32 [tilespmem:s19], [sflag:$0x5], $0x80, s17, s18, $0xb8;
	[tilespmem:$0x1E900] =	vst v63  }
0x81: {  	_ =	swait.ge [sflag:s14], $0x4000  }
0x82: {  	s26 =	sadd.s32 $0x1, s26;
	[sflag:s14] =	ssyncset.done $0x0  }
0x83: {  	p0 =	sne.s32 s26, s10;
	[sflag:s14] =	ssyncadd.s32 $0xFFFFC000  }
.Ltmp1:
0x84: {  	[bflag:$0x0] =	sbarrier.arrive $0xFFFF;
	(pc) =	sbr.rel @p0 .LBB2_1-.Ltmp1, $4  }
0x85: {  	[hbm:s24], [sflag:s7] =	dma.local [spmem:s13], $0x2800  }
0x86: {  	_ =	swait.ge [sflag:s14], $0x2800  }
0x87: {  	[sflag:s14] =	ssyncset.done $0x0  }
0x88: {  	[sflag:s14] =	ssyncadd.s32 $0xFFFFD800  }
0x89: {  	_ =	sfence.sel $0x180000  }
0x8a: {  	[bflag:$0x0] =	sbarrier.arrive $0xFFFF  }
0x8b: {  	_ =	strace $0x9000004A  }
0x8c: {  	s0 =	stileid.u32;
	[bflag:$0x2] =	sbarrier.arrive $0xFFFF  }
0x8d: {  	p0 =	sne.s32 s0, $0x0;
	s0 =	rddreg [dreg:$0x2]  }
0x8e: {  	s0 =	sadd.s32 @!p0 $0x100000, s0  }
0x8f: {  	[sflag:s0] =	ssyncadd.tile.s32 @!p0 $0x1;
	_ =	shalt  }
.Lfunc_end2:
_tile_overlayer_lowered:
.L_overlay_start_2:
0x90: {  	(tag) =	ssettag $0x2  }
0x91: {  	s0 =	rddreg [dreg:$0x0];
	s2 =	stileid.u32  }
0x92: {  	s1 =	rddreg [dreg:$0x1];
	p0 =	sne.s32 s2, $0x0  }
0x93: {  	s3 =	rddreg [dreg:$0x2];
	[bflag:$0x3] =	sbarrier.arrive $0xFFFF;
	s2 =	simm.s32 @!p0 $0x1C05  }
0x94: {  	[timem:s3], [sflag:s2] =	dma.local @!p0 [hbm:s0], s1  }
0x95: {  	s0 =	simm.s32 @!p0 $0x5  }
0x96: {  	_ =	swait.ge @!p0 [sflag:s0], s1  }
0x97: {  	s1 =	ssub.s32 @!p0 $0x0, s1;
	[sflag:s0] =	ssyncset.done @!p0 $0x0  }
0x98: {  	[sflag:s0] =	ssyncadd.s32 @!p0 s1  }
0x99: {  	[bflag:$0x3] =	sbarrier.arrive $0xFFFF  }
0x9a: {  	_ =	shalt  }

// kernel: kernel.16.cloned.1.call-start
scs
__scs_entry_jumppad:
0x0: {  	(pc) =	sbr.rel $0x88, $3  }
0x1: {  	(tag) =	ssettag $0x0;
	lr =	simm.s32 $0x1  }
0x2: {  	[smem:$0x3F97] =	sst lr;
	_ =	strace $0xD0000000  }
0x3: {  	_ = 	snop  }
0x4: {  	_ = 	snop  }
0x5: {  	_ = 	snop  }
0x6: {  	_ = 	snop  }
0x7: {  	_ = 	snop  }
__scs_overlays_trampoline_lowered:
0x8: {  	[smem:$0x3FA6] =	sst s0  }
0x9: {  	[smem:$0x3FA7] =	sst s1  }
0xa: {  	[smem:$0x3FA8] =	sst s2  }
0xb: {  	[smem:$0x3FA9] =	sst s3  }
0xc: {  	[smem:$0x3FAA] =	sst s4  }
0xd: {  	[smem:$0x3FAB] =	sst s5  }
0xe: {  	[smem:$0x3FAC] =	sst s6  }
0xf: {  	[smem:$0x3FAD] =	sst s7  }
0x10: {  	[smem:$0x3FAE] =	sst s8  }
0x11: {  	[smem:$0x3FAF] =	sst s9;
	s0 =	simm.s32 @!p0 $0x0  }
0x12: {  	s1 =	sld [smem:$0x3F95];
	s0 =	simm.s32 @p0 $0x1  }
0x13: {  	[smem:$0x3FB0] =	sst s0;
	s0 =	simm.s32 @!p1 $0x0  }
0x14: {  	s2 =	sld [smem:$0x3F94];
	s0 =	simm.s32 @p1 $0x1  }
0x15: {  	[smem:$0x3FB1] =	sst s0;
	s0 =	simm.s32 @!p2 $0x0  }
0x16: {  	s3 =	sld [smem:$0x3FDB];
	s0 =	simm.s32 @p2 $0x1  }
0x17: {  	s4 =	simm.s32 $0x1BF5;
	[smem:$0x3FB3] =	sst s0  }
0x18: {  	s0 =	sld [smem:$0x3F96];
	_ =	swait.ge [sflag:s4], $0x0  }
0x19: {  	s7 =	sld [smem:$0x3F97]  }
0x1a: {  	s8 =	sadd.s32 $0xFFFFE003, lr  }
0x1b: {  	s9 =	sadd.s32 $0xFFFFFEF7, lr;
	s5 =	simm.s32 $0xFFFFFFFF;
	p2 =	slt.u32 s8, $0xFFFFF086  }
0x1c: {  	p1 =	slt.u32 s9, $0xF7A;
	s5 =	simm.s32 @!p2 $0x0  }
0x1d: {  	s5 =	simm.s32 @p1 $0x1;
	p0 =	seq.s32 s7, s2  }
0x1e: {  	s7 =	smul.u32 @!p0 $0xF7A, s2;
	p2 =	seq.s32 @!p0 s5, $0x0  }
0x1f: {  	s9 =	smul.u32 $0xF7A, s1;
	s8 =	simm.s32 @!p0 $0x1BF5;
	p2 =	por !p2, p0  }
0x20: {  	[sflag:s8] =	ssyncset.s32 @!p0 $0xFFFFF086;
	s6 =	sadd.s32 @!p0 s3, s7;
	s7 =	simm.s32 @!p0 $0x108  }
0x21: {  	s3 =	sadd.s32 s3, s9;
	s6 =	sadd.s32 @!p0 $0x88, s6;
	s7 =	simm.s32 @p2 $0x1082  }
0x22: {  	[simem:s7], [sflag:s8] =	dma.local @!p0 [hbm:s6], $0xF7A  }
0x23: {  	s9 =	sor.u32 $0xD0000000, s2;
	s6 =	simm.s32 $0x108;
	_ =	swait.ge @!p0 [sflag:s8], $0x0  }
0x24: {  	s3 =	sadd.s32 $0x88, s3;
	s6 =	simm.s32 @!p1 $0x1082;
	[sflag:s4] =	ssyncset.s32 $0xFFFFF086  }
0x25: {  	[simem:s6], [sflag:s4] =	dma.local [hbm:s3], $0xF7A  }
0x26: {  	[smem:$0x3F97] =	sst s1;
	(tag) =	ssettag s2;
	_ =	strace s9  }
0x27: {  	s1 =	sld [smem:$0x3FA7]  }
0x28: {  	s2 =	sld [smem:$0x3FA8]  }
0x29: {  	s4 =	sld [smem:$0x3FAA]  }
0x2a: {  	p0 =	seq.s32 s5, $0x0;
	s5 =	sld [smem:$0x3FAB]  }
0x2b: {  	s6 =	sld [smem:$0x3FAC]  }
0x2c: {  	s7 =	sld [smem:$0x3FAD]  }
0x2d: {  	s3 =	simm.s32 $0x108;
	s8 =	sld [smem:$0x3FAE]  }
0x2e: {  	s3 =	simm.s32 @!p0 $0x1082;
	s9 =	sld [smem:$0x3FAF]  }
0x2f: {  	lr =	sadd.s32 s0, s3;
	s0 =	sld [smem:$0x3FA6]  }
0x30: {  	s3 =	sld [smem:$0x3FA9]  }
0x31: {  	[smem:$0x3FB2] =	sst s10  }
0x32: {  	s10 =	sld [smem:$0x3FB0];
	_ =	sdelay $0x3  }
0x33: {  	p0 =	seq.s32 s10, $0x1;
	s10 =	sld [smem:$0x3FB2];
	_ =	sdelay $0x3  }
0x34: {  	[smem:$0x3FB2] =	sst s10  }
0x35: {  	s10 =	sld [smem:$0x3FB1];
	_ =	sdelay $0x3  }
0x36: {  	p1 =	seq.s32 s10, $0x1;
	s10 =	sld [smem:$0x3FB2];
	_ =	sdelay $0x3  }
0x37: {  	[smem:$0x3FB2] =	sst s10  }
0x38: {  	s10 =	sld [smem:$0x3FB3]  }
0x39: {  	_ = 	snop;
	(pc) =	sbr.ind lr, $3  }
0x3a: {  	_ = 	snop  }
0x3b: {  	_ = 	snop  }
0x3c: {  	p2 =	seq.s32 s10, $0x1;
	s10 =	sld [smem:$0x3FB2]  }
0x3d: {  	_ =	shalt  }
0x3e: {  	_ =	shalt  }
0x3f: {  	_ =	shalt  }
0x40: {  	_ =	shalt  }
0x41: {  	_ =	shalt  }
0x42: {  	_ =	shalt  }
0x43: {  	_ =	shalt  }
0x44: {  	_ =	shalt  }
0x45: {  	_ =	shalt  }
0x46: {  	_ =	shalt  }
0x47: {  	_ =	shalt  }
0x48: {  	_ =	shalt  }
0x49: {  	_ =	shalt  }
0x4a: {  	_ =	shalt  }
0x4b: {  	_ =	shalt  }
0x4c: {  	_ =	shalt  }
0x4d: {  	_ =	shalt  }
0x4e: {  	_ =	shalt  }
0x4f: {  	_ =	shalt  }
0x50: {  	_ =	shalt  }
0x51: {  	_ =	shalt  }
0x52: {  	_ =	shalt  }
0x53: {  	_ =	shalt  }
0x54: {  	_ =	shalt  }
0x55: {  	_ =	shalt  }
0x56: {  	_ =	shalt  }
0x57: {  	_ =	shalt  }
0x58: {  	_ =	shalt  }
0x59: {  	_ =	shalt  }
0x5a: {  	_ =	shalt  }
0x5b: {  	_ =	shalt  }
0x5c: {  	_ =	shalt  }
0x5d: {  	_ =	shalt  }
0x5e: {  	_ =	shalt  }
0x5f: {  	_ =	shalt  }
0x60: {  	_ =	shalt  }
0x61: {  	_ =	shalt  }
0x62: {  	_ =	shalt  }
0x63: {  	_ =	shalt  }
0x64: {  	_ =	shalt  }
0x65: {  	_ =	shalt  }
0x66: {  	_ =	shalt  }
0x67: {  	_ =	shalt  }
0x68: {  	_ =	shalt  }
0x69: {  	_ =	shalt  }
0x6a: {  	_ =	shalt  }
0x6b: {  	_ =	shalt  }
0x6c: {  	_ =	shalt  }
0x6d: {  	_ =	shalt  }
0x6e: {  	_ =	shalt  }
0x6f: {  	_ =	shalt  }
0x70: {  	_ =	shalt  }
0x71: {  	_ =	shalt  }
0x72: {  	_ =	shalt  }
0x73: {  	_ =	shalt  }
0x74: {  	_ =	shalt  }
0x75: {  	_ =	shalt  }
0x76: {  	_ =	shalt  }
0x77: {  	_ =	shalt  }
0x78: {  	_ =	shalt  }
0x79: {  	_ =	shalt  }
0x7a: {  	_ =	shalt  }
0x7b: {  	_ =	shalt  }
0x7c: {  	_ =	shalt  }
0x7d: {  	_ =	shalt  }
0x7e: {  	_ =	shalt  }
0x7f: {  	_ =	shalt  }
0x80: {  	_ =	shalt  }
0x81: {  	_ =	shalt  }
0x82: {  	_ =	shalt  }
0x83: {  	_ =	shalt  }
0x84: {  	_ =	shalt  }
0x85: {  	_ =	shalt  }
0x86: {  	_ =	shalt  }
0x87: {  	_ =	shalt  }
.Lfunc_end0:
.L_simem_size_0:
called_computation.2_lowered:
.L_overlay_start_0:
0x88: {  	s2 =	sld [smem:$0x3FD9]  }
0x89: {  	s3 =	sld [smem:$0x3FFE];
	_ =	sdelay $0x1  }
0x8a: {  	s1 =	srdreg.scid  }
0x8b: {  	s0 =	sand.u32 $0x1, s1  }
0x8c: {  	s16 =	sshll.u32 s0, $0xA;
	s2 =	sadd.s32 s3, s2  }
0x8d: {  	s2 =	sadd.s32 s2, s16  }
0x8e: {  	[smem:$0x3FBE] =	sst s2  }
0x8f: {  	_ = 	snop  }
0x90: {  	(tm) =	ssettm $0x1  }
0x91: {  	s17 =	sld [smem:$0x3FFB];
	_ =	sdelay $0x3  }
0x92: {  	_ =	strace s17  }
0x93: {  	s2 =	sld [smem:$0x3FFC];
	_ =	sdelay $0x3  }
0x94: {  	_ =	strace s2  }
0x95: {  	s2 =	sld [smem:$0x3FFD];
	_ =	sdelay $0x3  }
0x96: {  	_ =	strace s2  }
0x97: {  	_ =	strace $0x8FFFFFFF  }
0x98: {  	s18 =	sld [smem:$0x3FDB];
	_ =	sdelay $0x1  }
0x99: {  	s19 =	simm.s32 $_scs_section_size  }
0x9a: {  	s4 =	simm.s32 $_size__tile_overlayer_lowered;
	s5 =	simm.s32 $_tile_overlayer_lowered  }
0x9b: {  	s22 =	simm.s32 $0x1BFF;
	s21 =	sshll.u32 s5, $0x1;
	s2 =	sadd.s32 s19, s18  }
0x9c: {  	s6 =	simm.s32 $0x0;
	s20 =	sshll.u32 s4, $0x1;
	s4 =	sadd.s32 s21, s2  }
0x9d: {  	[timem:s6], [sflag:s22] =	dma.local [hbm:s4], s20  }
0x9e: {  	_ =	swait.ge [sflag:s22], s20  }
0x9f: {  	s3 =	ssub.s32 $0x0, s20;
	[sflag:s22] =	ssyncset.done $0x0  }
0xa0: {  	[sflag:s22] =	ssyncadd.s32 s3;
	_ =	sdelay $0x1  }
0xa1: {  	s23 =	simm.s32 $0x1B8B  }
0xa2: {  	_ =	swait.ge [sflag:s23], $0x1  }
0xa3: {  	[sflag:s23] =	ssyncset.done $0x0  }
0xa4: {  	s25 =	simm.s32 $0x1B8E;
	s24 =	sld [smem:$0x3FFE];
	[sflag:s23] =	ssyncadd.s32 $0xFFFFFFFF  }
0xa5: {  	s26 =	simm.s32 $execute0_lowered;
	[smem:$0x3FD2] =	sst s25  }
0xa6: {  	s4 =	sshll.u32 s26, $0x1;
	_ =	strace $0x8000004C;
	[dreg:$0x1] =	wrdreg $0xFFFFFFFF  }
0xa7: {  	s28 =	simm.s32 $_size_execute0_lowered;
	s2 =	sadd.s32 s2, s4;
	[dreg:$0x0] =	wrdreg $0x0  }
0xa8: {  	s4 =	sshll.u32 s28, $0x1;
	[dreg:$0x2] =	wrdreg s2  }
0xa9: {  	[dreg:$0x3] =	wrdreg s4  }
0xaa: {  	[dreg:$0x4] =	wrdreg $0xC0  }
0xab: {  	_ =	task [dreg:s6], $0x5FFFF  }
0xac: {  	[dreg:$0x1] =	wrdreg $0xFFFFFFFF  }
0xad: {  	[dreg:$0x0] =	wrdreg $0x60  }
0xae: {  	[dreg:$0x2] =	wrdreg s24  }
0xaf: {  	[dreg:$0x3] =	wrdreg $0xA9000  }
0xb0: {  	[dreg:$0x4] =	wrdreg $0x9  }
0xb1: {  	_ =	task.clear_ibuf [dreg:s6], $0x5FFFF;
	_ =	strace $0x9000004C  }
0xb2: {  	s29 =	simm.s32 $0x9;
	_ =	strace $0x8000004E  }
0xb3: {  	_ =	swait.ge [sflag:s29], $0x1  }
0xb4: {  	[sflag:s29] =	ssyncadd.s32 $0xFFFFFFFF  }
0xb5: {  	_ =	strace $0x9000004E  }
0xb6: {  	_ =	sfence  }
0xb7: {  	s30 =	sld [smem:$0x0];
	_ =	sdelay $0x2  }
0xb8: {  	s31 =	sshll.u32 s1, $0xD;
	s1 =	sshrl.u32 s1, $0x2  }
0xb9: {  	s3 =	sand.u32 $0x4000, s31;
	s1 =	sadd.s32 s1, s30  }
0xba: {  	s0 =	sor.u32 s3, s0;
	s1 =	sshll.u32 s1, $0x11  }
0xbb: {  	s0 =	sor.u32 s1, s0  }
0xbc: {  	s0 =	sadd.s32 $0x8F2B, s0  }
0xbd: {  	[sflag:s0] =	ssyncadd.remote.s32 $0x1  }
0xbe: {  	_ =	sfence.sel $0xFFFF  }
0xbf: {  	[dreg:$0x0] =	wrdreg $0xFFFFFFFF;
	(pc) =	sbr.abs _section_cstart, $3  }
0xc0: {  	[dreg:$0x1] =	wrdreg $0xFFFFFFFF  }
0xc1: {  	_ =	task.clear_ibuf [dreg:s6], $0x2FFFF;
	_ =	strace $0x9FFFFFFF  }
0xc2: {  	(tm) =	ssettm $0x7FFFFFFF  }
0xc3: {  	_ =	shalt  }
tec
execute0_lowered:
.L_overlay_start_1:
0x0: {  	(tag) =	ssettag $0x1  }
0x1: {  	s0 =	srdreg.scid;
	s1 =	rddreg [dreg:$0x0]  }
0x2: {  	s12 =	stileid.u32;
	s2 =	rddreg [dreg:$0x1]  }
0x3: {  	s14 =	simm.s32 $0x5;
	s15 =	simm.s32 $0x2800;
	s16 =	simm.s32 $0x2900  }
0x4: {  	s17 =	simm.s32 $0x2880;
	s18 =	simm.s32 $0x80;
	s19 =	simm.s32 $0x6900  }
0x5: {  	s20 =	simm.s32 $0x1;
	s21 =	simm.s32 $0x3;
	s22 =	simm.s32 $0x2  }
0x6: {  	s23 =	simm.s32 $0x4;
	s25 =	simm.s32 $0x2780;
	s24 =	smul.u32 $0x2800, s12  }
0x7: {  	s26 =	simm.s32 $0x0;
	s0 =	sand.u32 $0x1, s0;
	s7 =	smul.u32 $0x50000, s12  }
0x8: {  	s5 =	sadd.s32 $0x3200, s1;
	s31 =	sshll.u32 s12, $0x6;
	s6 =	smul.u32 $0x28000, s0  }
0x9: {  	s3 =	sshll.u32 s0, $0x4;
	s11 =	ssub.s32 $0x2, s0;
	s0 =	smul.u32 $0x5000, s0  }
0xa: {  	s4 =	sor.u32 s12, s3;
	s3 =	simm.s32 $0x0;
	s10 =	sadd.s32 s24, s1  }
0xb: {  	s30 =	sshrl.u32 s11, $0x1;
	s7 =	sshrl.u32 s7, $0x2;
	s12 =	smul.u32 $0x500, s12  }
0xc: {  	s9 =	smul.u32 $0x500, s4;
	[smem:$0x7FF] =	sst s3;
	s4 =	sadd.s32 $0x67200, s1  }
0xd: {  	s11 =	ssub.s32 s11, s30;
	s13 =	sadd.s32 s7, s2;
	s7 =	sor.u32 $0x1C05, s31  }
0xe: {  	_ =	strace $0x8000004D;
	s12 =	sadd.s32 s12, s0;
	s13 =	sshrl.u32 s13, $0x3  }
0xf: {  	s8 =	sadd.s32 s9, s1;
	s1 =	sadd.s32 s6, s1;
	s6 =	sadd.s32 $0x17200, s10  }
0x10: {  	s9 =	sadd.s32 s5, s9;
	s10 =	smax.u32 s11, $0x1;
	s1 =	sadd.s32 $0x8F200, s1  }
0x11: {  	s8 =	sadd.s32 $0xD200, s8;
	s11 =	sadd.s32 $0x4F0, s9;
	s24 =	sadd.s32 s24, s1  }
.LBB2_1:
0x12: {  	[spmem:s13], [sflag:s7] =	dma.local [hbm:s6], $0x2800  }
0x13: {  	_ =	swait.ge [sflag:s14], $0x2800  }
0x14: {  	[sflag:s14] =	ssyncset.done $0x0  }
0x15: {  	[sflag:s14] =	ssyncadd.s32 $0xFFFFD800  }
0x16: {  	[tilespmem:s3], [sflag:$0x5] =	stream.linear.gather [hbm4b:s8+s3], $0x2800, $0x38;
	[tilespmem:$0x1E900] =	vst v63  }
0x17: {  	_ =	swait.ge [sflag:s14], $0x2800  }
0x18: {  	[sflag:s14] =	ssyncset.done $0x0  }
0x19: {  	s0 =	sadd.s32 $0x20, s12;
	s1 =	simm.s32 $0x10;
	[sflag:s14] =	ssyncadd.s32 $0xFFFFD800  }
0x1a: {  	s28 =	sadd.s32 $0xFFFFFFE0, s0;
	s1 =	sand.u32 $0x70, s1;
	[bflag:$0x0] =	sbarrier.arrive $0xFFFF  }
0x1b: {  	[tilespmem:s15], [sflag:$0x3] =	stream.linear.gather [hbm4b:s9+s3], $0x80, $0x38;
	[tilespmem:$0x1E900] =	vst v63  }
0x1c: {  	s28 =	sand.u32 $0xFFFFF80, s28;
	s1 =	sadd.s32 s5, s1  }
0x1d: {  	[tilespmem:s16], [sflag:$0x1] =	stream.indirect.gather [hbm4b:s4+s18], $0x80, s3, s18, $0xb8;
	[tilespmem:$0x1E900] =	vst v63  }
0x1e: {  	s1 =	sadd.s32 s28, s1  }
0x1f: {  	[tilespmem:s17], [sflag:$0x4] =	stream.linear.gather [hbm4b:s1+s3], $0x80, $0x38;
	[tilespmem:$0x1E900] =	vst v63  }
0x20: {  	_ = 	snop  }
0x21: {  	[tilespmem:s19], [sflag:$0x2] =	stream.indirect.gather [hbm4b:s4+s18], $0x80, s18, s18, $0xb8;
	[tilespmem:$0x1E900] =	vst v63  }
0x22: {  	_ =	swait.ge [sflag:s20], $0x4000  }
0x23: {  	[sflag:s20] =	ssyncset.done $0x0  }
0x24: {  	[sflag:s20] =	ssyncadd.s32 $0xFFFFC000  }
0x25: {  	_ =	swait.ge [sflag:s21], $0x80  }
0x26: {  	[sflag:s21] =	ssyncset.done $0x0  }
0x27: {  	s1 =	simm.s32 $0x20;
	[sflag:s21] =	ssyncadd.s32 $0xFFFFFF80  }
0x28: {  	[spmem:s2] =	stream.indirect.scatter.add.f32 [tilespmem:s16], [sflag:$0x5], $0x80, s15, s18, $0xb8;
	[tilespmem:$0x1E900] =	vst v63  }
0x29: {  	s1 =	sand.u32 $0x60, s1;
	_ =	swait.ge [sflag:s14], $0x4000  }
0x2a: {  	s0 =	sand.u32 $0xFFFFF80, s0;
	s1 =	sadd.s32 s5, s1;
	[sflag:s14] =	ssyncset.done $0x0  }
0x2b: {  	s0 =	sadd.s32 s0, s1;
	[sflag:s14] =	ssyncadd.s32 $0xFFFFC000  }
0x2c: {  	[tilespmem:s15], [sflag:$0x3] =	stream.linear.gather [hbm4b:s0+s3], $0x80, $0x38;
	[tilespmem:$0x1E900] =	vst v63  }
0x2d: {  	s1 =	simm.s32 $0x100  }
0x2e: {  	[tilespmem:s16], [sflag:$0x1] =	stream.indirect.gather [hbm4b:s4+s18], $0x80, s1, s18, $0xb8;
	[tilespmem:$0x1E900] =	vst v63  }
0x2f: {  	_ =	swait.ge [sflag:s22], $0x4000  }
0x30: {  	[sflag:s22] =	ssyncset.done $0x0  }
0x31: {  	[sflag:s22] =	ssyncadd.s32 $0xFFFFC000  }
0x32: {  	s29 =	simm.s32 $0x40;
	_ =	swait.ge [sflag:s23], $0x80  }
0x33: {  	s30 =	simm.s32 $0x60;
	s31 =	sadd.s32 $0x40, s12;
	[sflag:s23] =	ssyncset.done $0x0  }
0x34: {  	s28 =	simm.s32 $0x180;
	s0 =	simm.s32 $0x30;
	[sflag:s23] =	ssyncadd.s32 $0xFFFFFF80  }
0x35: {  	[spmem:s2] =	stream.indirect.scatter.add.f32 [tilespmem:s19], [sflag:$0x5], $0x80, s17, s18, $0xb8;
	[tilespmem:$0x1E900] =	vst v63  }
0x36: {  	s0 =	sand.u32 $0x70, s0;
	s1 =	sadd.s32 $0xFFFFFFE0, s31;
	_ =	swait.ge [sflag:s14], $0x4000  }
0x37: {  	s0 =	sadd.s32 s5, s0;
	s1 =	sand.u32 $0xFFFFF80, s1;
	[sflag:s14] =	ssyncset.done $0x0  }
.LBB2_2:
0x38: {  	s0 =	sadd.s32 s1, s0;
	s1 =	sand.u32 $0xFFFFF80, s31;
	[sflag:s14] =	ssyncadd.s32 $0xFFFFC000  }
0x39: {  	[tilespmem:s17], [sflag:$0x4] =	stream.linear.gather [hbm4b:s0+s3], $0x80, $0x38;
	[tilespmem:$0x1E900] =	vst v63  }
0x3a: {  	p0 =	sne.s32 s30, $0x4E0;
	s0 =	smov.u32 s30;
	s30 =	sadd.s32 $0x20, s30  }
0x3b: {  	[tilespmem:s19], [sflag:$0x2] =	stream.indirect.gather [hbm4b:s4+s18], $0x80, s28, s18, $0xb8;
	[tilespmem:$0x1E900] =	vst v63  }
0x3c: {  	_ =	swait.ge [sflag:s20], $0x4000  }
0x3d: {  	[sflag:s20] =	ssyncset.done $0x0  }
0x3e: {  	[sflag:s20] =	ssyncadd.s32 $0xFFFFC000  }
0x3f: {  	_ =	swait.ge [sflag:s21], $0x80  }
0x40: {  	[sflag:s21] =	ssyncset.done $0x0  }
0x41: {  	[sflag:s21] =	ssyncadd.s32 $0xFFFFFF80  }
0x42: {  	[spmem:s2] =	stream.indirect.scatter.add.f32 [tilespmem:s16], [sflag:$0x5], $0x80, s15, s18, $0xb8;
	[tilespmem:$0x1E900] =	vst v63  }
0x43: {  	s31 =	sand.u32 $0x60, s29;
	s29 =	smov.u32 s0;
	_ =	swait.ge [sflag:s14], $0x4000  }
0x44: {  	s0 =	sadd.s32 s5, s31;
	[sflag:s14] =	ssyncset.done $0x0  }
0x45: {  	s0 =	sadd.s32 s1, s0;
	[sflag:s14] =	ssyncadd.s32 $0xFFFFC000  }
0x46: {  	[tilespmem:s15], [sflag:$0x3] =	stream.linear.gather [hbm4b:s0+s3], $0x80, $0x38;
	[tilespmem:$0x1E900] =	vst v63  }
0x47: {  	s0 =	sadd.s32 $0x80, s28  }
0x48: {  	[tilespmem:s16], [sflag:$0x1] =	stream.indirect.gather [hbm4b:s4+s18], $0x80, s0, s18, $0xb8;
	[tilespmem:$0x1E900] =	vst v63  }
0x49: {  	_ =	swait.ge [sflag:s22], $0x4000  }
0x4a: {  	[sflag:s22] =	ssyncset.done $0x0  }
0x4b: {  	[sflag:s22] =	ssyncadd.s32 $0xFFFFC000  }
0x4c: {  	_ =	swait.ge [sflag:s23], $0x80  }
.Ltmp0:
0x4d: {  	s28 =	sadd.s32 $0x100, s28;
	[sflag:s23] =	ssyncset.done $0x0;
	(pc) =	sbr.rel @p0 .LBB2_2-.Ltmp0, $4  }
0x4e: {  	s31 =	sadd.s32 s29, s12;
	s0 =	sadd.s32 $0xFFFFFFF0, s29;
	[sflag:s23] =	ssyncadd.s32 $0xFFFFFF80  }
0x4f: {  	[spmem:s2] =	stream.indirect.scatter.add.f32 [tilespmem:s19], [sflag:$0x5], $0x80, s17, s18, $0xb8;
	[tilespmem:$0x1E900] =	vst v63  }
0x50: {  	s1 =	sadd.s32 $0xFFFFFFE0, s31;
	s0 =	sand.u32 $0x70, s0;
	_ =	swait.ge [sflag:s14], $0x4000  }
0x51: {  	s1 =	sand.u32 $0xFFFFF80, s1;
	s0 =	sadd.s32 s5, s0;
	[sflag:s14] =	ssyncset.done $0x0  }
0x52: {  	s0 =	sadd.s32 s1, s0;
	[sflag:s14] =	ssyncadd.s32 $0xFFFFC000  }
0x53: {  	[tilespmem:s17], [sflag:$0x4] =	stream.linear.gather [hbm4b:s0+s3], $0x80, $0x38;
	[tilespmem:$0x1E900] =	vst v63  }
0x54: {  	_ = 	snop  }
0x55: {  	[tilespmem:s19], [sflag:$0x2] =	stream.indirect.gather [hbm4b:s4+s18], $0x80, s28, s18, $0xb8;
	[tilespmem:$0x1E900] =	vst v63  }
0x56: {  	_ =	swait.ge [sflag:s20], $0x4000  }
0x57: {  	[sflag:s20] =	ssyncset.done $0x0  }
0x58: {  	[sflag:s20] =	ssyncadd.s32 $0xFFFFC000  }
0x59: {  	_ =	swait.ge [sflag:s21], $0x80  }
0x5a: {  	[sflag:s21] =	ssyncset.done $0x0  }
0x5b: {  	[sflag:s21] =	ssyncadd.s32 $0xFFFFFF80  }
0x5c: {  	[spmem:s2] =	stream.indirect.scatter.add.f32 [tilespmem:s16], [sflag:$0x5], $0x80, s15, s18, $0xb8;
	[tilespmem:$0x1E900] =	vst v63  }
0x5d: {  	s29 =	sand.u32 $0x60, s29;
	_ =	swait.ge [sflag:s14], $0x4000  }
0x5e: {  	s30 =	sand.u32 $0xFFFFF80, s31;
	s0 =	sadd.s32 s5, s29;
	[sflag:s14] =	ssyncset.done $0x0  }
0x5f: {  	s0 =	sadd.s32 s30, s0;
	[sflag:s14] =	ssyncadd.s32 $0xFFFFC000  }
0x60: {  	[tilespmem:s15], [sflag:$0x3] =	stream.linear.gather [hbm4b:s0+s3], $0x80, $0x38;
	[tilespmem:$0x1E900] =	vst v63  }
0x61: {  	s31 =	sadd.s32 $0x80, s28  }
0x62: {  	[tilespmem:s16], [sflag:$0x1] =	stream.indirect.gather [hbm4b:s4+s18], $0x80, s31, s18, $0xb8;
	[tilespmem:$0x1E900] =	vst v63  }
0x63: {  	_ =	swait.ge [sflag:s22], $0x4000  }
0x64: {  	[sflag:s22] =	ssyncset.done $0x0  }
0x65: {  	[sflag:s22] =	ssyncadd.s32 $0xFFFFC000  }
0x66: {  	_ =	swait.ge [sflag:s23], $0x80  }
0x67: {  	[sflag:s23] =	ssyncset.done $0x0  }
0x68: {  	[sflag:s23] =	ssyncadd.s32 $0xFFFFFF80  }
0x69: {  	[spmem:s2] =	stream.indirect.scatter.add.f32 [tilespmem:s19], [sflag:$0x5], $0x80, s17, s18, $0xb8;
	[tilespmem:$0x1E900] =	vst v63  }
0x6a: {  	_ =	swait.ge [sflag:s14], $0x4000  }
0x6b: {  	[sflag:s14] =	ssyncset.done $0x0  }
0x6c: {  	[sflag:s14] =	ssyncadd.s32 $0xFFFFC000  }
0x6d: {  	[tilespmem:s17], [sflag:$0x4] =	stream.linear.gather [hbm4b:s11+s3], $0x80, $0x38;
	[tilespmem:$0x1E900] =	vst v63  }
0x6e: {  	_ = 	snop  }
0x6f: {  	[tilespmem:s19], [sflag:$0x2] =	stream.indirect.gather [hbm4b:s4+s18], $0x80, s25, s18, $0xb8;
	[tilespmem:$0x1E900] =	vst v63  }
0x70: {  	_ =	swait.ge [sflag:s20], $0x4000  }
0x71: {  	[sflag:s20] =	ssyncset.done $0x0  }
0x72: {  	[sflag:s20] =	ssyncadd.s32 $0xFFFFC000  }
0x73: {  	_ =	swait.ge [sflag:s21], $0x80  }
0x74: {  	[sflag:s21] =	ssyncset.done $0x0  }
0x75: {  	[sflag:s21] =	ssyncadd.s32 $0xFFFFFF80  }
0x76: {  	[spmem:s2] =	stream.indirect.scatter.add.f32 [tilespmem:s16], [sflag:$0x5], $0x80, s15, s18, $0xb8;
	[tilespmem:$0x1E900] =	vst v63  }
0x77: {  	_ =	swait.ge [sflag:s14], $0x4000  }
0x78: {  	[sflag:s14] =	ssyncset.done $0x0  }
0x79: {  	[sflag:s14] =	ssyncadd.s32 $0xFFFFC000  }
0x7a: {  	_ =	swait.ge [sflag:s22], $0x4000  }
0x7b: {  	[sflag:s22] =	ssyncset.done $0x0  }
0x7c: {  	[sflag:s22] =	ssyncadd.s32 $0xFFFFC000  }
0x7d: {  	_ =	swait.ge [sflag:s23], $0x80  }
0x7e: {  	[sflag:s23] =	ssyncset.done $0x0  }
0x7f: {  	[sflag:s23] =	ssyncadd.s32 $0xFFFFFF80  }
0x80: {  	[spmem:s2] =	stream.indirect.scatter.add.f32 [tilespmem:s19], [sflag:$0x5], $0x80, s17, s18, $0xb8;
	[tilespmem:$0x1E900] =	vst v63  }
0x81: {  	_ =	swait.ge [sflag:s14], $0x4000  }
0x82: {  	s26 =	sadd.s32 $0x1, s26;
	[sflag:s14] =	ssyncset.done $0x0  }
0x83: {  	p0 =	sne.s32 s26, s10;
	[sflag:s14] =	ssyncadd.s32 $0xFFFFC000  }
.Ltmp1:
0x84: {  	[bflag:$0x0] =	sbarrier.arrive $0xFFFF;
	(pc) =	sbr.rel @p0 .LBB2_1-.Ltmp1, $4  }
0x85: {  	[hbm:s24], [sflag:s7] =	dma.local [spmem:s13], $0x2800  }
0x86: {  	_ =	swait.ge [sflag:s14], $0x2800  }
0x87: {  	[sflag:s14] =	ssyncset.done $0x0  }
0x88: {  	[sflag:s14] =	ssyncadd.s32 $0xFFFFD800  }
0x89: {  	_ =	sfence.sel $0x180000  }
0x8a: {  	[bflag:$0x0] =	sbarrier.arrive $0xFFFF  }
0x8b: {  	_ =	strace $0x9000004D  }
0x8c: {  	s0 =	stileid.u32;
	[bflag:$0x2] =	sbarrier.arrive $0xFFFF  }
0x8d: {  	p0 =	sne.s32 s0, $0x0;
	s0 =	rddreg [dreg:$0x2]  }
0x8e: {  	s0 =	sadd.s32 @!p0 $0x100000, s0  }
0x8f: {  	[sflag:s0] =	ssyncadd.tile.s32 @!p0 $0x1;
	_ =	shalt  }
.Lfunc_end2:
_tile_overlayer_lowered:
.L_overlay_start_2:
0x90: {  	(tag) =	ssettag $0x2  }
0x91: {  	s0 =	rddreg [dreg:$0x0];
	s2 =	stileid.u32  }
0x92: {  	s1 =	rddreg [dreg:$0x1];
	p0 =	sne.s32 s2, $0x0  }
0x93: {  	s3 =	rddreg [dreg:$0x2];
	[bflag:$0x3] =	sbarrier.arrive $0xFFFF;
	s2 =	simm.s32 @!p0 $0x1C05  }
0x94: {  	[timem:s3], [sflag:s2] =	dma.local @!p0 [hbm:s0], s1  }
0x95: {  	s0 =	simm.s32 @!p0 $0x5  }
0x96: {  	_ =	swait.ge @!p0 [sflag:s0], s1  }
0x97: {  	s1 =	ssub.s32 @!p0 $0x0, s1;
	[sflag:s0] =	ssyncset.done @!p0 $0x0  }
0x98: {  	[sflag:s0] =	ssyncadd.s32 @!p0 s1  }
0x99: {  	[bflag:$0x3] =	sbarrier.arrive $0xFFFF  }
0x9a: {  	_ =	shalt  }

// kernel: kernel.19.cloned.1.call-start
scs
__scs_entry_jumppad:
0x0: {  	(pc) =	sbr.rel $0x88, $3  }
0x1: {  	(tag) =	ssettag $0x0;
	lr =	simm.s32 $0x1  }
0x2: {  	[smem:$0x3F97] =	sst lr;
	_ =	strace $0xD0000000  }
0x3: {  	_ = 	snop  }
0x4: {  	_ = 	snop  }
0x5: {  	_ = 	snop  }
0x6: {  	_ = 	snop  }
0x7: {  	_ = 	snop  }
__scs_overlays_trampoline_lowered:
0x8: {  	[smem:$0x3FA6] =	sst s0  }
0x9: {  	[smem:$0x3FA7] =	sst s1  }
0xa: {  	[smem:$0x3FA8] =	sst s2  }
0xb: {  	[smem:$0x3FA9] =	sst s3  }
0xc: {  	[smem:$0x3FAA] =	sst s4  }
0xd: {  	[smem:$0x3FAB] =	sst s5  }
0xe: {  	[smem:$0x3FAC] =	sst s6  }
0xf: {  	[smem:$0x3FAD] =	sst s7  }
0x10: {  	[smem:$0x3FAE] =	sst s8  }
0x11: {  	[smem:$0x3FAF] =	sst s9;
	s0 =	simm.s32 @!p0 $0x0  }
0x12: {  	s1 =	sld [smem:$0x3F95];
	s0 =	simm.s32 @p0 $0x1  }
0x13: {  	[smem:$0x3FB0] =	sst s0;
	s0 =	simm.s32 @!p1 $0x0  }
0x14: {  	s2 =	sld [smem:$0x3F94];
	s0 =	simm.s32 @p1 $0x1  }
0x15: {  	[smem:$0x3FB1] =	sst s0;
	s0 =	simm.s32 @!p2 $0x0  }
0x16: {  	s3 =	sld [smem:$0x3FDB];
	s0 =	simm.s32 @p2 $0x1  }
0x17: {  	s4 =	simm.s32 $0x1BF5;
	[smem:$0x3FB3] =	sst s0  }
0x18: {  	s0 =	sld [smem:$0x3F96];
	_ =	swait.ge [sflag:s4], $0x0  }
0x19: {  	s7 =	sld [smem:$0x3F97]  }
0x1a: {  	s8 =	sadd.s32 $0xFFFFE003, lr  }
0x1b: {  	s9 =	sadd.s32 $0xFFFFFEF7, lr;
	s5 =	simm.s32 $0xFFFFFFFF;
	p2 =	slt.u32 s8, $0xFFFFF086  }
0x1c: {  	p1 =	slt.u32 s9, $0xF7A;
	s5 =	simm.s32 @!p2 $0x0  }
0x1d: {  	s5 =	simm.s32 @p1 $0x1;
	p0 =	seq.s32 s7, s2  }
0x1e: {  	s7 =	smul.u32 @!p0 $0xF7A, s2;
	p2 =	seq.s32 @!p0 s5, $0x0  }
0x1f: {  	s9 =	smul.u32 $0xF7A, s1;
	s8 =	simm.s32 @!p0 $0x1BF5;
	p2 =	por !p2, p0  }
0x20: {  	[sflag:s8] =	ssyncset.s32 @!p0 $0xFFFFF086;
	s6 =	sadd.s32 @!p0 s3, s7;
	s7 =	simm.s32 @!p0 $0x108  }
0x21: {  	s3 =	sadd.s32 s3, s9;
	s6 =	sadd.s32 @!p0 $0x88, s6;
	s7 =	simm.s32 @p2 $0x1082  }
0x22: {  	[simem:s7], [sflag:s8] =	dma.local @!p0 [hbm:s6], $0xF7A  }
0x23: {  	s9 =	sor.u32 $0xD0000000, s2;
	s6 =	simm.s32 $0x108;
	_ =	swait.ge @!p0 [sflag:s8], $0x0  }
0x24: {  	s3 =	sadd.s32 $0x88, s3;
	s6 =	simm.s32 @!p1 $0x1082;
	[sflag:s4] =	ssyncset.s32 $0xFFFFF086  }
0x25: {  	[simem:s6], [sflag:s4] =	dma.local [hbm:s3], $0xF7A  }
0x26: {  	[smem:$0x3F97] =	sst s1;
	(tag) =	ssettag s2;
	_ =	strace s9  }
0x27: {  	s1 =	sld [smem:$0x3FA7]  }
0x28: {  	s2 =	sld [smem:$0x3FA8]  }
0x29: {  	s4 =	sld [smem:$0x3FAA]  }
0x2a: {  	p0 =	seq.s32 s5, $0x0;
	s5 =	sld [smem:$0x3FAB]  }
0x2b: {  	s6 =	sld [smem:$0x3FAC]  }
0x2c: {  	s7 =	sld [smem:$0x3FAD]  }
0x2d: {  	s3 =	simm.s32 $0x108;
	s8 =	sld [smem:$0x3FAE]  }
0x2e: {  	s3 =	simm.s32 @!p0 $0x1082;
	s9 =	sld [smem:$0x3FAF]  }
0x2f: {  	lr =	sadd.s32 s0, s3;
	s0 =	sld [smem:$0x3FA6]  }
0x30: {  	s3 =	sld [smem:$0x3FA9]  }
0x31: {  	[smem:$0x3FB2] =	sst s10  }
0x32: {  	s10 =	sld [smem:$0x3FB0];
	_ =	sdelay $0x3  }
0x33: {  	p0 =	seq.s32 s10, $0x1;
	s10 =	sld [smem:$0x3FB2];
	_ =	sdelay $0x3  }
0x34: {  	[smem:$0x3FB2] =	sst s10  }
0x35: {  	s10 =	sld [smem:$0x3FB1];
	_ =	sdelay $0x3  }
0x36: {  	p1 =	seq.s32 s10, $0x1;
	s10 =	sld [smem:$0x3FB2];
	_ =	sdelay $0x3  }
0x37: {  	[smem:$0x3FB2] =	sst s10  }
0x38: {  	s10 =	sld [smem:$0x3FB3]  }
0x39: {  	_ = 	snop;
	(pc) =	sbr.ind lr, $3  }
0x3a: {  	_ = 	snop  }
0x3b: {  	_ = 	snop  }
0x3c: {  	p2 =	seq.s32 s10, $0x1;
	s10 =	sld [smem:$0x3FB2]  }
0x3d: {  	_ =	shalt  }
0x3e: {  	_ =	shalt  }
0x3f: {  	_ =	shalt  }
0x40: {  	_ =	shalt  }
0x41: {  	_ =	shalt  }
0x42: {  	_ =	shalt  }
0x43: {  	_ =	shalt  }
0x44: {  	_ =	shalt  }
0x45: {  	_ =	shalt  }
0x46: {  	_ =	shalt  }
0x47: {  	_ =	shalt  }
0x48: {  	_ =	shalt  }
0x49: {  	_ =	shalt  }
0x4a: {  	_ =	shalt  }
0x4b: {  	_ =	shalt  }
0x4c: {  	_ =	shalt  }
0x4d: {  	_ =	shalt  }
0x4e: {  	_ =	shalt  }
0x4f: {  	_ =	shalt  }
0x50: {  	_ =	shalt  }
0x51: {  	_ =	shalt  }
0x52: {  	_ =	shalt  }
0x53: {  	_ =	shalt  }
0x54: {  	_ =	shalt  }
0x55: {  	_ =	shalt  }
0x56: {  	_ =	shalt  }
0x57: {  	_ =	shalt  }
0x58: {  	_ =	shalt  }
0x59: {  	_ =	shalt  }
0x5a: {  	_ =	shalt  }
0x5b: {  	_ =	shalt  }
0x5c: {  	_ =	shalt  }
0x5d: {  	_ =	shalt  }
0x5e: {  	_ =	shalt  }
0x5f: {  	_ =	shalt  }
0x60: {  	_ =	shalt  }
0x61: {  	_ =	shalt  }
0x62: {  	_ =	shalt  }
0x63: {  	_ =	shalt  }
0x64: {  	_ =	shalt  }
0x65: {  	_ =	shalt  }
0x66: {  	_ =	shalt  }
0x67: {  	_ =	shalt  }
0x68: {  	_ =	shalt  }
0x69: {  	_ =	shalt  }
0x6a: {  	_ =	shalt  }
0x6b: {  	_ =	shalt  }
0x6c: {  	_ =	shalt  }
0x6d: {  	_ =	shalt  }
0x6e: {  	_ =	shalt  }
0x6f: {  	_ =	shalt  }
0x70: {  	_ =	shalt  }
0x71: {  	_ =	shalt  }
0x72: {  	_ =	shalt  }
0x73: {  	_ =	shalt  }
0x74: {  	_ =	shalt  }
0x75: {  	_ =	shalt  }
0x76: {  	_ =	shalt  }
0x77: {  	_ =	shalt  }
0x78: {  	_ =	shalt  }
0x79: {  	_ =	shalt  }
0x7a: {  	_ =	shalt  }
0x7b: {  	_ =	shalt  }
0x7c: {  	_ =	shalt  }
0x7d: {  	_ =	shalt  }
0x7e: {  	_ =	shalt  }
0x7f: {  	_ =	shalt  }
0x80: {  	_ =	shalt  }
0x81: {  	_ =	shalt  }
0x82: {  	_ =	shalt  }
0x83: {  	_ =	shalt  }
0x84: {  	_ =	shalt  }
0x85: {  	_ =	shalt  }
0x86: {  	_ =	shalt  }
0x87: {  	_ =	shalt  }
.Lfunc_end0:
.L_simem_size_0:
called_computation.3_lowered:
.L_overlay_start_0:
0x88: {  	s2 =	sld [smem:$0x3FD9]  }
0x89: {  	s3 =	sld [smem:$0x3FFE];
	_ =	sdelay $0x1  }
0x8a: {  	s1 =	srdreg.scid  }
0x8b: {  	s0 =	sand.u32 $0x1, s1  }
0x8c: {  	s16 =	sshll.u32 s0, $0xA;
	s2 =	sadd.s32 s3, s2  }
0x8d: {  	s2 =	sadd.s32 s2, s16  }
0x8e: {  	[smem:$0x3FBE] =	sst s2  }
0x8f: {  	_ = 	snop  }
0x90: {  	(tm) =	ssettm $0x1  }
0x91: {  	s17 =	sld [smem:$0x3FFB];
	_ =	sdelay $0x3  }
0x92: {  	_ =	strace s17  }
0x93: {  	s2 =	sld [smem:$0x3FFC];
	_ =	sdelay $0x3  }
0x94: {  	_ =	strace s2  }
0x95: {  	s2 =	sld [smem:$0x3FFD];
	_ =	sdelay $0x3  }
0x96: {  	_ =	strace s2  }
0x97: {  	_ =	strace $0x8FFFFFFF  }
0x98: {  	s18 =	sld [smem:$0x3FDB];
	_ =	sdelay $0x1  }
0x99: {  	s19 =	simm.s32 $_scs_section_size  }
0x9a: {  	s4 =	simm.s32 $_size__tile_overlayer_lowered;
	s5 =	simm.s32 $_tile_overlayer_lowered  }
0x9b: {  	s22 =	simm.s32 $0x1BFF;
	s21 =	sshll.u32 s5, $0x1;
	s2 =	sadd.s32 s19, s18  }
0x9c: {  	s6 =	simm.s32 $0x0;
	s20 =	sshll.u32 s4, $0x1;
	s4 =	sadd.s32 s21, s2  }
0x9d: {  	[timem:s6], [sflag:s22] =	dma.local [hbm:s4], s20  }
0x9e: {  	_ =	swait.ge [sflag:s22], s20  }
0x9f: {  	s3 =	ssub.s32 $0x0, s20;
	[sflag:s22] =	ssyncset.done $0x0  }
0xa0: {  	[sflag:s22] =	ssyncadd.s32 s3;
	_ =	sdelay $0x1  }
0xa1: {  	s23 =	simm.s32 $0x1B8B  }
0xa2: {  	_ =	swait.ge [sflag:s23], $0x1  }
0xa3: {  	[sflag:s23] =	ssyncset.done $0x0  }
0xa4: {  	s25 =	simm.s32 $0x1B8E;
	s24 =	sld [smem:$0x3FFE];
	[sflag:s23] =	ssyncadd.s32 $0xFFFFFFFF  }
0xa5: {  	s26 =	simm.s32 $execute0_lowered;
	[smem:$0x3FD2] =	sst s25  }
0xa6: {  	s4 =	sshll.u32 s26, $0x1;
	_ =	strace $0x8000004F;
	[dreg:$0x1] =	wrdreg $0xFFFFFFFF  }
0xa7: {  	s28 =	simm.s32 $_size_execute0_lowered;
	s2 =	sadd.s32 s2, s4;
	[dreg:$0x0] =	wrdreg $0x0  }
0xa8: {  	s4 =	sshll.u32 s28, $0x1;
	[dreg:$0x2] =	wrdreg s2  }
0xa9: {  	[dreg:$0x3] =	wrdreg s4  }
0xaa: {  	[dreg:$0x4] =	wrdreg $0xC0  }
0xab: {  	_ =	task [dreg:s6], $0x5FFFF  }
0xac: {  	[dreg:$0x1] =	wrdreg $0xFFFFFFFF  }
0xad: {  	[dreg:$0x0] =	wrdreg $0x60  }
0xae: {  	[dreg:$0x2] =	wrdreg s24  }
0xaf: {  	[dreg:$0x3] =	wrdreg $0xA9000  }
0xb0: {  	[dreg:$0x4] =	wrdreg $0x9  }
0xb1: {  	_ =	task.clear_ibuf [dreg:s6], $0x5FFFF;
	_ =	strace $0x9000004F  }
0xb2: {  	s29 =	simm.s32 $0x9;
	_ =	strace $0x80000051  }
0xb3: {  	_ =	swait.ge [sflag:s29], $0x1  }
0xb4: {  	[sflag:s29] =	ssyncadd.s32 $0xFFFFFFFF  }
0xb5: {  	_ =	strace $0x90000051  }
0xb6: {  	_ =	sfence  }
0xb7: {  	s30 =	sld [smem:$0x0];
	_ =	sdelay $0x2  }
0xb8: {  	s31 =	sshll.u32 s1, $0xD;
	s1 =	sshrl.u32 s1, $0x2  }
0xb9: {  	s3 =	sand.u32 $0x4000, s31;
	s1 =	sadd.s32 s1, s30  }
0xba: {  	s0 =	sor.u32 s3, s0;
	s1 =	sshll.u32 s1, $0x11  }
0xbb: {  	s0 =	sor.u32 s1, s0  }
0xbc: {  	s0 =	sadd.s32 $0x8F2B, s0  }
0xbd: {  	[sflag:s0] =	ssyncadd.remote.s32 $0x1  }
0xbe: {  	_ =	sfence.sel $0xFFFF  }
0xbf: {  	[dreg:$0x0] =	wrdreg $0xFFFFFFFF;
	(pc) =	sbr.abs _section_cstart, $3  }
0xc0: {  	[dreg:$0x1] =	wrdreg $0xFFFFFFFF  }
0xc1: {  	_ =	task.clear_ibuf [dreg:s6], $0x2FFFF;
	_ =	strace $0x9FFFFFFF  }
0xc2: {  	(tm) =	ssettm $0x7FFFFFFF  }
0xc3: {  	_ =	shalt  }
tec
execute0_lowered:
.L_overlay_start_1:
0x0: {  	(tag) =	ssettag $0x1  }
0x1: {  	s0 =	srdreg.scid;
	s1 =	rddreg [dreg:$0x0]  }
0x2: {  	s12 =	stileid.u32;
	s2 =	rddreg [dreg:$0x1]  }
0x3: {  	s14 =	simm.s32 $0x5;
	s15 =	simm.s32 $0x2800;
	s16 =	simm.s32 $0x2900  }
0x4: {  	s17 =	simm.s32 $0x2880;
	s18 =	simm.s32 $0x80;
	s19 =	simm.s32 $0x6900  }
0x5: {  	s20 =	simm.s32 $0x1;
	s21 =	simm.s32 $0x3;
	s22 =	simm.s32 $0x2  }
0x6: {  	s23 =	simm.s32 $0x4;
	s25 =	simm.s32 $0x2780;
	s24 =	smul.u32 $0x2800, s12  }
0x7: {  	s26 =	simm.s32 $0x0;
	s0 =	sand.u32 $0x1, s0;
	s7 =	smul.u32 $0x50000, s12  }
0x8: {  	s5 =	sadd.s32 $0x3200, s1;
	s31 =	sshll.u32 s12, $0x6;
	s6 =	smul.u32 $0x28000, s0  }
0x9: {  	s3 =	sshll.u32 s0, $0x4;
	s11 =	ssub.s32 $0x2, s0;
	s0 =	smul.u32 $0x5000, s0  }
0xa: {  	s4 =	sor.u32 s12, s3;
	s3 =	simm.s32 $0x0;
	s10 =	sadd.s32 s24, s1  }
0xb: {  	s30 =	sshrl.u32 s11, $0x1;
	s7 =	sshrl.u32 s7, $0x2;
	s12 =	smul.u32 $0x500, s12  }
0xc: {  	s9 =	smul.u32 $0x500, s4;
	[smem:$0x7FF] =	sst s3;
	s4 =	sadd.s32 $0x3F200, s1  }
0xd: {  	s11 =	ssub.s32 s11, s30;
	s13 =	sadd.s32 s7, s2;
	s7 =	sor.u32 $0x1C05, s31  }
0xe: {  	_ =	strace $0x80000050;
	s12 =	sadd.s32 s12, s0;
	s13 =	sshrl.u32 s13, $0x3  }
0xf: {  	s8 =	sadd.s32 s9, s1;
	s1 =	sadd.s32 s6, s1;
	s6 =	sadd.s32 $0x17200, s10  }
0x10: {  	s9 =	sadd.s32 s5, s9;
	s10 =	smax.u32 s11, $0x1;
	s1 =	sadd.s32 $0x67200, s1  }
0x11: {  	s8 =	sadd.s32 $0xD200, s8;
	s11 =	sadd.s32 $0x4F0, s9;
	s24 =	sadd.s32 s24, s1  }
.LBB2_1:
0x12: {  	[spmem:s13], [sflag:s7] =	dma.local [hbm:s6], $0x2800  }
0x13: {  	_ =	swait.ge [sflag:s14], $0x2800  }
0x14: {  	[sflag:s14] =	ssyncset.done $0x0  }
0x15: {  	[sflag:s14] =	ssyncadd.s32 $0xFFFFD800  }
0x16: {  	[tilespmem:s3], [sflag:$0x5] =	stream.linear.gather [hbm4b:s8+s3], $0x2800, $0x38;
	[tilespmem:$0x1E900] =	vst v63  }
0x17: {  	_ =	swait.ge [sflag:s14], $0x2800  }
0x18: {  	[sflag:s14] =	ssyncset.done $0x0  }
0x19: {  	s0 =	sadd.s32 $0x20, s12;
	s1 =	simm.s32 $0x10;
	[sflag:s14] =	ssyncadd.s32 $0xFFFFD800  }
0x1a: {  	s28 =	sadd.s32 $0xFFFFFFE0, s0;
	s1 =	sand.u32 $0x70, s1;
	[bflag:$0x0] =	sbarrier.arrive $0xFFFF  }
0x1b: {  	[tilespmem:s15], [sflag:$0x3] =	stream.linear.gather [hbm4b:s9+s3], $0x80, $0x38;
	[tilespmem:$0x1E900] =	vst v63  }
0x1c: {  	s28 =	sand.u32 $0xFFFFF80, s28;
	s1 =	sadd.s32 s5, s1  }
0x1d: {  	[tilespmem:s16], [sflag:$0x1] =	stream.indirect.gather [hbm4b:s4+s18], $0x80, s3, s18, $0xb8;
	[tilespmem:$0x1E900] =	vst v63  }
0x1e: {  	s1 =	sadd.s32 s28, s1  }
0x1f: {  	[tilespmem:s17], [sflag:$0x4] =	stream.linear.gather [hbm4b:s1+s3], $0x80, $0x38;
	[tilespmem:$0x1E900] =	vst v63  }
0x20: {  	_ = 	snop  }
0x21: {  	[tilespmem:s19], [sflag:$0x2] =	stream.indirect.gather [hbm4b:s4+s18], $0x80, s18, s18, $0xb8;
	[tilespmem:$0x1E900] =	vst v63  }
0x22: {  	_ =	swait.ge [sflag:s20], $0x4000  }
0x23: {  	[sflag:s20] =	ssyncset.done $0x0  }
0x24: {  	[sflag:s20] =	ssyncadd.s32 $0xFFFFC000  }
0x25: {  	_ =	swait.ge [sflag:s21], $0x80  }
0x26: {  	[sflag:s21] =	ssyncset.done $0x0  }
0x27: {  	s1 =	simm.s32 $0x20;
	[sflag:s21] =	ssyncadd.s32 $0xFFFFFF80  }
0x28: {  	[spmem:s2] =	stream.indirect.scatter.add.f32 [tilespmem:s16], [sflag:$0x5], $0x80, s15, s18, $0xb8;
	[tilespmem:$0x1E900] =	vst v63  }
0x29: {  	s1 =	sand.u32 $0x60, s1;
	_ =	swait.ge [sflag:s14], $0x4000  }
0x2a: {  	s0 =	sand.u32 $0xFFFFF80, s0;
	s1 =	sadd.s32 s5, s1;
	[sflag:s14] =	ssyncset.done $0x0  }
0x2b: {  	s0 =	sadd.s32 s0, s1;
	[sflag:s14] =	ssyncadd.s32 $0xFFFFC000  }
0x2c: {  	[tilespmem:s15], [sflag:$0x3] =	stream.linear.gather [hbm4b:s0+s3], $0x80, $0x38;
	[tilespmem:$0x1E900] =	vst v63  }
0x2d: {  	s1 =	simm.s32 $0x100  }
0x2e: {  	[tilespmem:s16], [sflag:$0x1] =	stream.indirect.gather [hbm4b:s4+s18], $0x80, s1, s18, $0xb8;
	[tilespmem:$0x1E900] =	vst v63  }
0x2f: {  	_ =	swait.ge [sflag:s22], $0x4000  }
0x30: {  	[sflag:s22] =	ssyncset.done $0x0  }
0x31: {  	[sflag:s22] =	ssyncadd.s32 $0xFFFFC000  }
0x32: {  	s29 =	simm.s32 $0x40;
	_ =	swait.ge [sflag:s23], $0x80  }
0x33: {  	s30 =	simm.s32 $0x60;
	s31 =	sadd.s32 $0x40, s12;
	[sflag:s23] =	ssyncset.done $0x0  }
0x34: {  	s28 =	simm.s32 $0x180;
	s0 =	simm.s32 $0x30;
	[sflag:s23] =	ssyncadd.s32 $0xFFFFFF80  }
0x35: {  	[spmem:s2] =	stream.indirect.scatter.add.f32 [tilespmem:s19], [sflag:$0x5], $0x80, s17, s18, $0xb8;
	[tilespmem:$0x1E900] =	vst v63  }
0x36: {  	s0 =	sand.u32 $0x70, s0;
	s1 =	sadd.s32 $0xFFFFFFE0, s31;
	_ =	swait.ge [sflag:s14], $0x4000  }
0x37: {  	s0 =	sadd.s32 s5, s0;
	s1 =	sand.u32 $0xFFFFF80, s1;
	[sflag:s14] =	ssyncset.done $0x0  }
.LBB2_2:
0x38: {  	s0 =	sadd.s32 s1, s0;
	s1 =	sand.u32 $0xFFFFF80, s31;
	[sflag:s14] =	ssyncadd.s32 $0xFFFFC000  }
0x39: {  	[tilespmem:s17], [sflag:$0x4] =	stream.linear.gather [hbm4b:s0+s3], $0x80, $0x38;
	[tilespmem:$0x1E900] =	vst v63  }
0x3a: {  	p0 =	sne.s32 s30, $0x4E0;
	s0 =	smov.u32 s30;
	s30 =	sadd.s32 $0x20, s30  }
0x3b: {  	[tilespmem:s19], [sflag:$0x2] =	stream.indirect.gather [hbm4b:s4+s18], $0x80, s28, s18, $0xb8;
	[tilespmem:$0x1E900] =	vst v63  }
0x3c: {  	_ =	swait.ge [sflag:s20], $0x4000  }
0x3d: {  	[sflag:s20] =	ssyncset.done $0x0  }
0x3e: {  	[sflag:s20] =	ssyncadd.s32 $0xFFFFC000  }
0x3f: {  	_ =	swait.ge [sflag:s21], $0x80  }
0x40: {  	[sflag:s21] =	ssyncset.done $0x0  }
0x41: {  	[sflag:s21] =	ssyncadd.s32 $0xFFFFFF80  }
0x42: {  	[spmem:s2] =	stream.indirect.scatter.add.f32 [tilespmem:s16], [sflag:$0x5], $0x80, s15, s18, $0xb8;
	[tilespmem:$0x1E900] =	vst v63  }
0x43: {  	s31 =	sand.u32 $0x60, s29;
	s29 =	smov.u32 s0;
	_ =	swait.ge [sflag:s14], $0x4000  }
0x44: {  	s0 =	sadd.s32 s5, s31;
	[sflag:s14] =	ssyncset.done $0x0  }
0x45: {  	s0 =	sadd.s32 s1, s0;
	[sflag:s14] =	ssyncadd.s32 $0xFFFFC000  }
0x46: {  	[tilespmem:s15], [sflag:$0x3] =	stream.linear.gather [hbm4b:s0+s3], $0x80, $0x38;
	[tilespmem:$0x1E900] =	vst v63  }
0x47: {  	s0 =	sadd.s32 $0x80, s28  }
0x48: {  	[tilespmem:s16], [sflag:$0x1] =	stream.indirect.gather [hbm4b:s4+s18], $0x80, s0, s18, $0xb8;
	[tilespmem:$0x1E900] =	vst v63  }
0x49: {  	_ =	swait.ge [sflag:s22], $0x4000  }
0x4a: {  	[sflag:s22] =	ssyncset.done $0x0  }
0x4b: {  	[sflag:s22] =	ssyncadd.s32 $0xFFFFC000  }
0x4c: {  	_ =	swait.ge [sflag:s23], $0x80  }
.Ltmp0:
0x4d: {  	s28 =	sadd.s32 $0x100, s28;
	[sflag:s23] =	ssyncset.done $0x0;
	(pc) =	sbr.rel @p0 .LBB2_2-.Ltmp0, $4  }
0x4e: {  	s31 =	sadd.s32 s29, s12;
	s0 =	sadd.s32 $0xFFFFFFF0, s29;
	[sflag:s23] =	ssyncadd.s32 $0xFFFFFF80  }
0x4f: {  	[spmem:s2] =	stream.indirect.scatter.add.f32 [tilespmem:s19], [sflag:$0x5], $0x80, s17, s18, $0xb8;
	[tilespmem:$0x1E900] =	vst v63  }
0x50: {  	s1 =	sadd.s32 $0xFFFFFFE0, s31;
	s0 =	sand.u32 $0x70, s0;
	_ =	swait.ge [sflag:s14], $0x4000  }
0x51: {  	s1 =	sand.u32 $0xFFFFF80, s1;
	s0 =	sadd.s32 s5, s0;
	[sflag:s14] =	ssyncset.done $0x0  }
0x52: {  	s0 =	sadd.s32 s1, s0;
	[sflag:s14] =	ssyncadd.s32 $0xFFFFC000  }
0x53: {  	[tilespmem:s17], [sflag:$0x4] =	stream.linear.gather [hbm4b:s0+s3], $0x80, $0x38;
	[tilespmem:$0x1E900] =	vst v63  }
0x54: {  	_ = 	snop  }
0x55: {  	[tilespmem:s19], [sflag:$0x2] =	stream.indirect.gather [hbm4b:s4+s18], $0x80, s28, s18, $0xb8;
	[tilespmem:$0x1E900] =	vst v63  }
0x56: {  	_ =	swait.ge [sflag:s20], $0x4000  }
0x57: {  	[sflag:s20] =	ssyncset.done $0x0  }
0x58: {  	[sflag:s20] =	ssyncadd.s32 $0xFFFFC000  }
0x59: {  	_ =	swait.ge [sflag:s21], $0x80  }
0x5a: {  	[sflag:s21] =	ssyncset.done $0x0  }
0x5b: {  	[sflag:s21] =	ssyncadd.s32 $0xFFFFFF80  }
0x5c: {  	[spmem:s2] =	stream.indirect.scatter.add.f32 [tilespmem:s16], [sflag:$0x5], $0x80, s15, s18, $0xb8;
	[tilespmem:$0x1E900] =	vst v63  }
0x5d: {  	s29 =	sand.u32 $0x60, s29;
	_ =	swait.ge [sflag:s14], $0x4000  }
0x5e: {  	s30 =	sand.u32 $0xFFFFF80, s31;
	s0 =	sadd.s32 s5, s29;
	[sflag:s14] =	ssyncset.done $0x0  }
0x5f: {  	s0 =	sadd.s32 s30, s0;
	[sflag:s14] =	ssyncadd.s32 $0xFFFFC000  }
0x60: {  	[tilespmem:s15], [sflag:$0x3] =	stream.linear.gather [hbm4b:s0+s3], $0x80, $0x38;
	[tilespmem:$0x1E900] =	vst v63  }
0x61: {  	s31 =	sadd.s32 $0x80, s28  }
0x62: {  	[tilespmem:s16], [sflag:$0x1] =	stream.indirect.gather [hbm4b:s4+s18], $0x80, s31, s18, $0xb8;
	[tilespmem:$0x1E900] =	vst v63  }
0x63: {  	_ =	swait.ge [sflag:s22], $0x4000  }
0x64: {  	[sflag:s22] =	ssyncset.done $0x0  }
0x65: {  	[sflag:s22] =	ssyncadd.s32 $0xFFFFC000  }
0x66: {  	_ =	swait.ge [sflag:s23], $0x80  }
0x67: {  	[sflag:s23] =	ssyncset.done $0x0  }
0x68: {  	[sflag:s23] =	ssyncadd.s32 $0xFFFFFF80  }
0x69: {  	[spmem:s2] =	stream.indirect.scatter.add.f32 [tilespmem:s19], [sflag:$0x5], $0x80, s17, s18, $0xb8;
	[tilespmem:$0x1E900] =	vst v63  }
0x6a: {  	_ =	swait.ge [sflag:s14], $0x4000  }
0x6b: {  	[sflag:s14] =	ssyncset.done $0x0  }
0x6c: {  	[sflag:s14] =	ssyncadd.s32 $0xFFFFC000  }
0x6d: {  	[tilespmem:s17], [sflag:$0x4] =	stream.linear.gather [hbm4b:s11+s3], $0x80, $0x38;
	[tilespmem:$0x1E900] =	vst v63  }
0x6e: {  	_ = 	snop  }
0x6f: {  	[tilespmem:s19], [sflag:$0x2] =	stream.indirect.gather [hbm4b:s4+s18], $0x80, s25, s18, $0xb8;
	[tilespmem:$0x1E900] =	vst v63  }
0x70: {  	_ =	swait.ge [sflag:s20], $0x4000  }
0x71: {  	[sflag:s20] =	ssyncset.done $0x0  }
0x72: {  	[sflag:s20] =	ssyncadd.s32 $0xFFFFC000  }
0x73: {  	_ =	swait.ge [sflag:s21], $0x80  }
0x74: {  	[sflag:s21] =	ssyncset.done $0x0  }
0x75: {  	[sflag:s21] =	ssyncadd.s32 $0xFFFFFF80  }
0x76: {  	[spmem:s2] =	stream.indirect.scatter.add.f32 [tilespmem:s16], [sflag:$0x5], $0x80, s15, s18, $0xb8;
	[tilespmem:$0x1E900] =	vst v63  }
0x77: {  	_ =	swait.ge [sflag:s14], $0x4000  }
0x78: {  	[sflag:s14] =	ssyncset.done $0x0  }
0x79: {  	[sflag:s14] =	ssyncadd.s32 $0xFFFFC000  }
0x7a: {  	_ =	swait.ge [sflag:s22], $0x4000  }
0x7b: {  	[sflag:s22] =	ssyncset.done $0x0  }
0x7c: {  	[sflag:s22] =	ssyncadd.s32 $0xFFFFC000  }
0x7d: {  	_ =	swait.ge [sflag:s23], $0x80  }
0x7e: {  	[sflag:s23] =	ssyncset.done $0x0  }
0x7f: {  	[sflag:s23] =	ssyncadd.s32 $0xFFFFFF80  }
0x80: {  	[spmem:s2] =	stream.indirect.scatter.add.f32 [tilespmem:s19], [sflag:$0x5], $0x80, s17, s18, $0xb8;
	[tilespmem:$0x1E900] =	vst v63  }
0x81: {  	_ =	swait.ge [sflag:s14], $0x4000  }
0x82: {  	s26 =	sadd.s32 $0x1, s26;
	[sflag:s14] =	ssyncset.done $0x0  }
0x83: {  	p0 =	sne.s32 s26, s10;
	[sflag:s14] =	ssyncadd.s32 $0xFFFFC000  }
.Ltmp1:
0x84: {  	[bflag:$0x0] =	sbarrier.arrive $0xFFFF;
	(pc) =	sbr.rel @p0 .LBB2_1-.Ltmp1, $4  }
0x85: {  	[hbm:s24], [sflag:s7] =	dma.local [spmem:s13], $0x2800  }
0x86: {  	_ =	swait.ge [sflag:s14], $0x2800  }
0x87: {  	[sflag:s14] =	ssyncset.done $0x0  }
0x88: {  	[sflag:s14] =	ssyncadd.s32 $0xFFFFD800  }
0x89: {  	_ =	sfence.sel $0x180000  }
0x8a: {  	[bflag:$0x0] =	sbarrier.arrive $0xFFFF  }
0x8b: {  	_ =	strace $0x90000050  }
0x8c: {  	s0 =	stileid.u32;
	[bflag:$0x2] =	sbarrier.arrive $0xFFFF  }
0x8d: {  	p0 =	sne.s32 s0, $0x0;
	s0 =	rddreg [dreg:$0x2]  }
0x8e: {  	s0 =	sadd.s32 @!p0 $0x100000, s0  }
0x8f: {  	[sflag:s0] =	ssyncadd.tile.s32 @!p0 $0x1;
	_ =	shalt  }
.Lfunc_end2:
_tile_overlayer_lowered:
.L_overlay_start_2:
0x90: {  	(tag) =	ssettag $0x2  }
0x91: {  	s0 =	rddreg [dreg:$0x0];
	s2 =	stileid.u32  }
0x92: {  	s1 =	rddreg [dreg:$0x1];
	p0 =	sne.s32 s2, $0x0  }
0x93: {  	s3 =	rddreg [dreg:$0x2];
	[bflag:$0x3] =	sbarrier.arrive $0xFFFF;
	s2 =	simm.s32 @!p0 $0x1C05  }
0x94: {  	[timem:s3], [sflag:s2] =	dma.local @!p0 [hbm:s0], s1  }
0x95: {  	s0 =	simm.s32 @!p0 $0x5  }
0x96: {  	_ =	swait.ge @!p0 [sflag:s0], s1  }
0x97: {  	s1 =	ssub.s32 @!p0 $0x0, s1;
	[sflag:s0] =	ssyncset.done @!p0 $0x0  }
0x98: {  	[sflag:s0] =	ssyncadd.s32 @!p0 s1  }
0x99: {  	[bflag:$0x3] =	sbarrier.arrive $0xFFFF  }
0x9a: {  	_ =	shalt  }

</sc_bundles>
